<compile_context>
chip_gen: v7x
topology: tpu7x:2x2x1
jax: 0.10.2.dev20260603
libtpu: 0.0.44.dev20260713+nightly
codegen_flags: <defaults>
</compile_context>

<pallas_src>
import functools

import jax
import jax.numpy as jnp
from jax import lax
from jax.experimental import pallas as pl
from jax.experimental.pallas import tpu as pltpu
from jax.experimental.pallas import tpu_sc as plsc

N = 10000
E = 320000
D = 128
B = 64
GATE_H = 128

NC = 2
NS = 16
NW = NC * NS
EPW = E // NW
FCH = 128
NF = EPW // FCH
NPAIR = NF // 2
TCH = EPW - NF * FCH
NPAD = 10240
RPT = NPAD // NS
YTAIL = N - (NS - 1) * RPT
ZTAIL = RPT - YTAIL
HR = 128
HC = 128


def _deg_body(dst_hbm, zeroH_hbm, iidx_hbm, out_hbm, didx, hist_v, iidx_v,
              hist_s):
    c = lax.axis_index("c")
    s = lax.axis_index("s")
    wid = c * NS + s
    pltpu.sync_copy(zeroH_hbm, hist_v)
    pltpu.sync_copy(iidx_hbm, iidx_v)
    pltpu.sync_copy(dst_hbm.at[pl.ds(wid * EPW, EPW)], didx)
    pltpu.sync_copy(zeroH_hbm.at[pl.ds(0, HR // NS)],
                    hist_s.at[pl.ds(s * (HR // NS), HR // NS)])
    ones16 = jnp.full((16,), 1.0, jnp.float32)

    def body(i, carry):
        v = didx[pl.ds(i * 16, 16)]
        plsc.addupdate_scatter(hist_v, [v // HC, v % HC], ones16)
        return carry

    lax.fori_loop(0, EPW // 16, body, 0)
    plsc.subcore_barrier()
    pltpu.sync_copy(hist_v, hist_s.at[iidx_v.at[0]], add=True)
    plsc.subcore_barrier()
    pltpu.sync_copy(hist_s.at[pl.ds(s * (HR // NS), HR // NS)],
                    out_hbm.at[c, pl.ds(s * (HR // NS), HR // NS)])


def _scatter_body(y_hbm, src_hbm, dst_hbm, zero_hbm, out_hbm,
                  sidx0, didx0, sidx1, didx1, rows0, rows1,
                  sidxT, didxT, rowsT, acc,
                  isem0, isem1, gsem0, gsem1):
    c = lax.axis_index("c")
    s = lax.axis_index("s")
    wid = c * NS + s
    r0 = s * RPT
    ebase = wid * EPW

    def load_idx(j, sbuf, dbuf, sem):
        pltpu.async_copy(src_hbm.at[pl.ds(ebase + j * FCH, FCH)], sbuf, sem)
        pltpu.async_copy(dst_hbm.at[pl.ds(ebase + j * FCH, FCH)], dbuf, sem)

    def wait_idx(sbuf, dbuf, sem):
        pltpu.make_async_copy(src_hbm.at[pl.ds(ebase, FCH)], sbuf, sem).wait()
        pltpu.make_async_copy(src_hbm.at[pl.ds(ebase, FCH)], dbuf, sem).wait()

    @pl.when(c == 0)
    def _():
        @pl.when(s < NS - 1)
        def _():
            pltpu.sync_copy(y_hbm.at[pl.ds(r0, RPT)], acc.at[pl.ds(r0, RPT)])

        @pl.when(s == NS - 1)
        def _():
            pltpu.sync_copy(y_hbm.at[pl.ds(r0, YTAIL)], acc.at[pl.ds(r0, YTAIL)])
            pltpu.sync_copy(zero_hbm.at[pl.ds(0, ZTAIL)],
                            acc.at[pl.ds(r0 + YTAIL, ZTAIL)])

    @pl.when(c == 1)
    def _():
        pltpu.sync_copy(zero_hbm, acc.at[pl.ds(r0, RPT)])

    load_idx(0, sidx0, didx0, isem0)
    load_idx(1, sidx1, didx1, isem1)
    wait_idx(sidx0, didx0, isem0)
    pltpu.async_copy(y_hbm.at[sidx0], rows0, gsem0)
    plsc.subcore_barrier()

    def body(t, carry):
        j0 = 2 * t
        wait_idx(sidx1, didx1, isem1)
        pltpu.async_copy(y_hbm.at[sidx1], rows1, gsem1)
        pltpu.make_async_copy(y_hbm.at[sidx0], rows0, gsem0).wait()
        pltpu.sync_copy(rows0, acc.at[didx0], add=True)

        @pl.when(j0 + 2 < NF)
        def _():
            load_idx(j0 + 2, sidx0, didx0, isem0)
            wait_idx(sidx0, didx0, isem0)
            pltpu.async_copy(y_hbm.at[sidx0], rows0, gsem0)

        pltpu.make_async_copy(y_hbm.at[sidx1], rows1, gsem1).wait()
        pltpu.sync_copy(rows1, acc.at[didx1], add=True)

        @pl.when(j0 + 3 < NF)
        def _():
            load_idx(j0 + 3, sidx1, didx1, isem1)

        return carry

    lax.fori_loop(0, NPAIR, body, 0)

    pltpu.sync_copy(src_hbm.at[pl.ds(ebase + NF * FCH, TCH)], sidxT)
    pltpu.sync_copy(dst_hbm.at[pl.ds(ebase + NF * FCH, TCH)], didxT)
    pltpu.async_copy(y_hbm.at[sidxT], rowsT, gsem0).wait()
    pltpu.sync_copy(rowsT, acc.at[didxT], add=True)

    plsc.subcore_barrier()
    pltpu.sync_copy(acc.at[pl.ds(r0, RPT)], out_hbm.at[c, pl.ds(r0, RPT)])


@functools.lru_cache(maxsize=None)
def _sc_kernels():
    mesh = plsc.VectorSubcoreMesh(core_axis_name="c", subcore_axis_name="s",
                                  num_cores=NC, num_subcores=NS)
    deg = pl.kernel(
        _deg_body,
        out_type=jax.ShapeDtypeStruct((NC, HR, HC), jnp.float32),
        mesh=mesh,
        compiler_params=pltpu.CompilerParams(needs_layout_passes=False),
        scratch_types=[
            pltpu.VMEM((EPW,), jnp.int32),
            pltpu.VMEM((HR, HC), jnp.float32),
            pltpu.VMEM((1, HR), jnp.int32),
            pltpu.VMEM_SHARED((HR, HC), jnp.float32),
        ],
    )
    scatter = pl.kernel(
        _scatter_body,
        out_type=jax.ShapeDtypeStruct((NC, NPAD, D), jnp.float32),
        mesh=mesh,
        scratch_types=[
            pltpu.VMEM((FCH,), jnp.int32),
            pltpu.VMEM((FCH,), jnp.int32),
            pltpu.VMEM((FCH,), jnp.int32),
            pltpu.VMEM((FCH,), jnp.int32),
            pltpu.VMEM((FCH, D), jnp.float32),
            pltpu.VMEM((FCH, D), jnp.float32),
            pltpu.VMEM((TCH,), jnp.int32),
            pltpu.VMEM((TCH,), jnp.int32),
            pltpu.VMEM((TCH, D), jnp.float32),
            pltpu.VMEM_SHARED((NPAD, D), jnp.float32),
            pltpu.SemaphoreType.DMA,
            pltpu.SemaphoreType.DMA,
            pltpu.SemaphoreType.DMA,
            pltpu.SemaphoreType.DMA,
        ],
    )
    return deg, scatter



def _f32dot(a, bm, dn=None, prec=lax.Precision.HIGHEST):
    if dn is None:
        dn = ((1,), (0,))
    return lax.dot_general(a, bm, (dn, ((), ())), precision=prec,
                           preferred_element_type=jnp.float32)


def _prep_body(x_ref, w1_ref, hist_ref, y_ref, dinv_ref):
    deg = hist_ref[0, :, 0:1] + hist_ref[1, :, 0:1] + 1.0
    dinv = lax.rsqrt(deg)
    h = _f32dot(x_ref[...], w1_ref[...], None, lax.Precision.DEFAULT)
    y_ref[...] = h * dinv
    dinv_ref[...] = jnp.broadcast_to(dinv, (N, 8))


def _bcast(mTf, vals):
    hi = vals.astype(jnp.bfloat16).astype(jnp.float32)
    lo = vals - hi
    return (_f32dot(mTf, hi, prec=lax.Precision.DEFAULT)
            + _f32dot(mTf, lo, prec=lax.Precision.DEFAULT))


def _graph_norm_relu(conv, batch2, gw, gb, gms):
    mT = batch2 == lax.broadcasted_iota(jnp.int32, (N, B), 1)
    mTf = mT.astype(jnp.float32)
    onesN = jnp.ones((N, 1), jnp.float32)
    cnt = jnp.maximum(_f32dot(mTf, onesN, ((0,), (0,)), lax.Precision.HIGHEST), 1.0)
    sx = _f32dot(mTf, conv, ((0,), (0,)), lax.Precision.HIGHEST)
    mean_ms = (sx / cnt) * gms
    xc = conv - _bcast(mTf, mean_ms)
    sxx = _f32dot(mTf, xc * xc, ((0,), (0,)), lax.Precision.HIGHEST)
    istd = lax.rsqrt(sxx / cnt + 1e-5)
    xn = xc * _bcast(mTf, istd)
    return jnp.maximum(xn * gw + gb, 0.0)


def _layer_body(z_ref, dinv_ref, b_ref, gw_ref, gb_ref, gms_ref,
                batch_ref, wn_ref, out_ref):
    dinv = dinv_ref[:, 0:1]
    conv = dinv * (z_ref[0, :N, :] + z_ref[1, :N, :]) + b_ref[...]
    act = _graph_norm_relu(conv, batch_ref[:, 0:1], gw_ref[...], gb_ref[...],
                           gms_ref[...])
    out_ref[...] = _f32dot(act, wn_ref[...], None, lax.Precision.DEFAULT) * dinv


def _final_body(z_ref, dinv_ref, b_ref, gw_ref, gb_ref, gms_ref,
                batch_ref, gw1_ref, gb1_ref, gw2_ref, gb2_ref, out_ref):
    dinv = dinv_ref[:, 0:1]
    conv = dinv * (z_ref[0, :N, :] + z_ref[1, :N, :]) + b_ref[...]
    x3 = _graph_norm_relu(conv, batch_ref[:, 0:1], gw_ref[...], gb_ref[...],
                          gms_ref[...])
    g1 = jnp.maximum(_f32dot(x3, gw1_ref[...], None, lax.Precision.DEFAULT)
                     + gb1_ref[...], 0.0)
    g = _f32dot(g1, gw2_ref[...], None, lax.Precision.DEFAULT) + gb2_ref[...]
    mT = batch_ref[:, 0:1] == lax.broadcasted_iota(jnp.int32, (N, B), 1)
    neg = jnp.float32(-jnp.inf)
    gm = jnp.max(jnp.where(mT, g, neg), axis=0, keepdims=True)
    ge = jnp.where(mT, jnp.exp(g - gm), 0.0)
    onesN = jnp.ones((N, 1), jnp.float32)
    gsum = _f32dot(ge, onesN, ((0,), (0,)), lax.Precision.HIGHEST)
    wsum = _f32dot(ge, x3, ((0,), (0,)), lax.Precision.HIGHEST)
    out_ref[...] = wsum / (gsum + 1e-16)


def _tc(body, out_shape, *args):
    return pl.pallas_call(
        body, out_shape=out_shape,
        compiler_params=pltpu.CompilerParams(
            vmem_limit_bytes=63 * 1024 * 1024),
    )(*args)



def kernel(x, edge_index, batch, W1, b1, gn_w1, gn_b1, gn_ms1, W2, b2, gn_w2,
           gn_b2, gn_ms2, W3, b3, gn_w3, gn_b3, gn_ms3, gW1, gb1, gW2, gb2):
    f32 = jnp.float32
    batch2 = jnp.broadcast_to(batch.reshape(N, 1), (N, 8))
    zeroD = jnp.zeros((RPT, D), f32)
    zeroH = jnp.zeros((HR, HC), f32)
    iidxH = jnp.arange(HR, dtype=jnp.int32).reshape(1, HR)

    sc_deg, sc_scatter = _sc_kernels()
    hist = sc_deg(edge_index[1], zeroH, iidxH)
    hist2 = jnp.broadcast_to(
        hist.reshape(NC, HR * HC)[:, :N].reshape(NC, N, 1), (NC, N, 8))
    y1, dinv = _tc(
        _prep_body,
        (jax.ShapeDtypeStruct((N, D), f32), jax.ShapeDtypeStruct((N, 8), f32)),
        x, W1, hist2)

    r = lambda v: v.reshape(1, -1)
    z = sc_scatter(y1, edge_index[0], edge_index[1], zeroD)
    y2 = _tc(_layer_body, jax.ShapeDtypeStruct((N, D), f32),
             z, dinv, r(b1), r(gn_w1), r(gn_b1), r(gn_ms1), batch2, W2)
    z = sc_scatter(y2, edge_index[0], edge_index[1], zeroD)
    y3 = _tc(_layer_body, jax.ShapeDtypeStruct((N, D), f32),
             z, dinv, r(b2), r(gn_w2), r(gn_b2), r(gn_ms2), batch2, W3)
    z = sc_scatter(y3, edge_index[0], edge_index[1], zeroD)
    out = _tc(_final_body, jax.ShapeDtypeStruct((B, D), f32),
              z, dinv, r(b3), r(gn_w3), r(gn_b3), r(gn_ms3), batch2,
              gW1, r(gb1), gW2, r(gb2))
    return out

# --- scband reference (transcript-rebuilt; emitter-appended) ---
"""Pipeline reference for scband-gcn-75909251990135 (READ-ONLY COPY).

The authoritative reference and input builder live on the scoring server;
editing this copy changes nothing except your own understanding.
"""

import jax, jax.numpy as jnp
import numpy as np

N = 10000
E = 320000
D = 128
B = 64
GATE_H = 128


def _gcn_conv(x, src, dst, W, b):
    x = x @ W
    loop = jnp.arange(N, dtype=src.dtype)
    s = jnp.concatenate([src, loop])
    d = jnp.concatenate([dst, loop])
    deg = jax.ops.segment_sum(jnp.ones(s.shape[0], x.dtype), d, num_segments=N)
    dinv = jnp.where(deg > 0, 1.0 / jnp.sqrt(deg), 0.0)
    norm = dinv[s] * dinv[d]
    out = jax.ops.segment_sum(x[s] * norm[:, None], d, num_segments=N)
    return out + b


def _graph_norm(x, batch, w, bvec, ms):
    cnt = jnp.maximum(jax.ops.segment_sum(jnp.ones(x.shape[0], x.dtype), batch, num_segments=B), 1.0)
    mean = jax.ops.segment_sum(x, batch, num_segments=B) / cnt[:, None]
    xc = x - mean[batch] * ms
    var = jax.ops.segment_sum(xc * xc, batch, num_segments=B) / cnt[:, None]
    std = jnp.sqrt(var + 1e-5)
    return w * xc / std[batch] + bvec


def _attn_aggr(x, batch, gW1, gb1, gW2, gb2):
    g = jax.nn.relu(x @ gW1 + gb1) @ gW2 + gb2
    gmax = jax.ops.segment_max(g, batch, num_segments=B)
    ge = jnp.exp(g - gmax[batch])
    gsum = jax.ops.segment_sum(ge, batch, num_segments=B)
    alpha = ge / (gsum[batch] + 1e-16)
    return jax.ops.segment_sum(alpha * x, batch, num_segments=B)


def _forward(x, edge_index, batch, params):
    src = edge_index[0]
    dst = edge_index[1]
    for i in range(3):
        W, b, gw, gb_, gms = params[i]
        x = _gcn_conv(x, src, dst, W, b)
        x = _graph_norm(x, batch, gw, gb_, gms)
        x = jax.nn.relu(x)
    gW1, gb1, gW2, gb2 = params[3]
    return _attn_aggr(x, batch, gW1, gb1, gW2, gb2)


def setup_inputs(seed: int = 0):
    key = jax.random.key(seed)
    ks = jax.random.split(key, 16)
    inp = {}
    inp["x"] = jax.random.normal(ks[0], (N, D), dtype=jnp.float32)
    inp["edge_index"] = jax.random.randint(ks[1], (2, E), 0, N, dtype=jnp.int32)
    inp["batch"] = jnp.sort(jax.random.randint(ks[2], (N,), 0, B, dtype=jnp.int32))
    s = 1.0 / np.sqrt(D)
    for i in range(1, 4):
        inp[f"W{i}"] = jax.random.normal(ks[2 + i], (D, D), dtype=jnp.float32) * s
        inp[f"b{i}"] = jnp.zeros((D,), dtype=jnp.float32)
        inp[f"gn_w{i}"] = jnp.ones((D,), dtype=jnp.float32)
        inp[f"gn_b{i}"] = jnp.zeros((D,), dtype=jnp.float32)
        inp[f"gn_ms{i}"] = jnp.ones((D,), dtype=jnp.float32)
    inp["gW1"] = jax.random.normal(ks[6], (D, GATE_H), dtype=jnp.float32) * s
    inp["gb1"] = jnp.zeros((GATE_H,), dtype=jnp.float32)
    inp["gW2"] = jax.random.normal(ks[7], (GATE_H, 1), dtype=jnp.float32) * (1.0 / np.sqrt(GATE_H))
    inp["gb2"] = jnp.zeros((1,), dtype=jnp.float32)
    return inp


def reference(x, edge_index, batch, W1, b1, gn_w1, gn_b1, gn_ms1, W2, b2, gn_w2, gn_b2, gn_ms2, W3, b3, gn_w3, gn_b3, gn_ms3, gW1, gb1, gW2, gb2):
    params = [
        (W1, b1, gn_w1, gn_b1, gn_ms1),
        (W2, b2, gn_w2, gn_b2, gn_ms2),
        (W3, b3, gn_w3, gn_b3, gn_ms3),
        (gW1, gb1, gW2, gb2),
    ]
    return _forward(x, edge_index, batch, params)

if __name__ == "__main__":
    import jax
    _d = setup_inputs()
    print(jax.jit(kernel)(*tuple(_d.values())))

</pallas_src>

<mosaic_0001>
#map = affine_map<(d0, d1) -> (0, 0)>
#map1 = affine_map<(d0, d1) -> (0)>
#map2 = affine_map<(d0, d1) -> (0, 0, 0)>
module attributes {stable_mosaic.version = 14 : i64} {
  func.func @_scatter_body(%arg0: i32, %arg1: i32, %arg2: memref<10000x128xf32, #tpu.memory_space<hbm>>, %arg3: memref<320000xi32, #tpu.memory_space<hbm>>, %arg4: memref<320000xi32, #tpu.memory_space<hbm>>, %arg5: memref<640x128xf32, #tpu.memory_space<hbm>>, %arg6: memref<2x10240x128xf32, #tpu.memory_space<hbm>>, %arg7: memref<128xi32, #tpu.memory_space<vmem>>, %arg8: memref<128xi32, #tpu.memory_space<vmem>>, %arg9: memref<128xi32, #tpu.memory_space<vmem>>, %arg10: memref<128xi32, #tpu.memory_space<vmem>>, %arg11: memref<128x128xf32, #tpu.memory_space<vmem>>, %arg12: memref<128x128xf32, #tpu.memory_space<vmem>>, %arg13: memref<16xi32, #tpu.memory_space<vmem>>, %arg14: memref<16xi32, #tpu.memory_space<vmem>>, %arg15: memref<16x128xf32, #tpu.memory_space<vmem>>, %arg16: memref<10240x128xf32, #tpu.memory_space<vmem_shared>>, %arg17: memref<!tpu.dma_semaphore, #tpu.memory_space<semaphore_mem>>, %arg18: memref<!tpu.dma_semaphore, #tpu.memory_space<semaphore_mem>>, %arg19: memref<!tpu.dma_semaphore, #tpu.memory_space<semaphore_mem>>, %arg20: memref<!tpu.dma_semaphore, #tpu.memory_space<semaphore_mem>>) attributes {dimension_semantics = [#tpu.dimension_semantics<core_parallel>, #tpu.dimension_semantics<subcore_parallel>], iteration_bounds = array<i64: 2, 16>, scalar_prefetch = 0 : i64, scratch_operands = 14 : i64, tpu.core_type = #tpu.core_type<sc_vector_subcore>, window_params = [{transform_indices = #map}, {transform_indices = #map1}, {transform_indices = #map1}, {transform_indices = #map}, {transform_indices = #map2}]} {
    %mul3A = arith.constant 16 : i32
    %mul3A_0 = arith.muli %arg0, %mul3A : i32
    %add3A = arith.addi %mul3A_0, %arg1 : i32
    %mul3A_1 = arith.constant 640 : i32
    %mul3A_2 = arith.muli %arg1, %mul3A_1 : i32
    %mul3A_3 = arith.constant 10000 : i32
    %mul3A_4 = arith.muli %add3A, %mul3A_3 : i32
    %eq3A = arith.constant 0 : i32
    %eq3A_5 = arith.cmpi eq, %arg0, %eq3A : i32
    %convert_element_type3A = arith.extui %eq3A_5 : i1 to i32
    %cond3A = arith.constant 0 : i32
    %cond3A_6 = arith.cmpi ne, %convert_element_type3A, %cond3A : i32
    scf.if %cond3A_6 {
      %lt3A = arith.constant 15 : i32
      %lt3A_49 = arith.cmpi slt, %arg1, %lt3A : i32
      %convert_element_type3A_50 = arith.extui %lt3A_49 : i1 to i32
      %cond3A_51 = arith.constant 0 : i32
      %cond3A_52 = arith.cmpi ne, %convert_element_type3A_50, %cond3A_51 : i32
      scf.if %cond3A_52 {
        "tpu.region"() ({
          %run_scoped3A = tpu.sem_alloc : memref<!tpu.dma_semaphore, #tpu.memory_space<semaphore_mem>>
          %dma_start3A_58 = arith.constant 0 : i32
          %dma_start3A_59 = tpu.memref_slice %arg16[%mul3A_2, %dma_start3A_58] : memref<10240x128xf32, #tpu.memory_space<vmem_shared>> -> memref<640x128xf32, #tpu.memory_space<vmem_shared>>
          %dma_start3A_60 = arith.constant 0 : i32
          %dma_start3A_61 = tpu.memref_slice %arg2[%mul3A_2, %dma_start3A_60] : memref<10000x128xf32, #tpu.memory_space<hbm>> -> memref<640x128xf32, #tpu.memory_space<hbm>>
          tpu.enqueue_dma source(%dma_start3A_61 : memref<640x128xf32, #tpu.memory_space<hbm>>) target(%dma_start3A_59 : memref<640x128xf32, #tpu.memory_space<vmem_shared>>) target_semaphore(%run_scoped3A : memref<!tpu.dma_semaphore, #tpu.memory_space<semaphore_mem>>)
          %dma_wait3A_62 = arith.constant 0 : i32
          %dma_wait3A_63 = tpu.memref_slice %arg16[%mul3A_2, %dma_wait3A_62] : memref<10240x128xf32, #tpu.memory_space<vmem_shared>> -> memref<640x128xf32, #tpu.memory_space<vmem_shared>>
          %dma_wait3A_64 = arith.constant 0 : i32
          %dma_wait3A_65 = tpu.memref_slice %arg2[%mul3A_2, %dma_wait3A_64] : memref<10000x128xf32, #tpu.memory_space<hbm>> -> memref<640x128xf32, #tpu.memory_space<hbm>>
          tpu.wait_dma2 semaphore(%run_scoped3A : memref<!tpu.dma_semaphore, #tpu.memory_space<semaphore_mem>>) src(%dma_wait3A_65 : memref<640x128xf32, #tpu.memory_space<hbm>>) dst(%dma_wait3A_63 : memref<640x128xf32, #tpu.memory_space<vmem_shared>>)
          tpu.yield
        }) : () -> ()
      } else {
      }
      %eq3A_53 = arith.constant 15 : i32
      %eq3A_54 = arith.cmpi eq, %arg1, %eq3A_53 : i32
      %convert_element_type3A_55 = arith.extui %eq3A_54 : i1 to i32
      %cond3A_56 = arith.constant 0 : i32
      %cond3A_57 = arith.cmpi ne, %convert_element_type3A_55, %cond3A_56 : i32
      scf.if %cond3A_57 {
        "tpu.region"() ({
          %run_scoped3A = tpu.sem_alloc : memref<!tpu.dma_semaphore, #tpu.memory_space<semaphore_mem>>
          %dma_start3A_60 = arith.constant 0 : i32
          %dma_start3A_61 = tpu.memref_slice %arg16[%mul3A_2, %dma_start3A_60] : memref<10240x128xf32, #tpu.memory_space<vmem_shared>> -> memref<400x128xf32, #tpu.memory_space<vmem_shared>>
          %dma_start3A_62 = arith.constant 0 : i32
          %dma_start3A_63 = tpu.memref_slice %arg2[%mul3A_2, %dma_start3A_62] : memref<10000x128xf32, #tpu.memory_space<hbm>> -> memref<400x128xf32, #tpu.memory_space<hbm>>
          tpu.enqueue_dma source(%dma_start3A_63 : memref<400x128xf32, #tpu.memory_space<hbm>>) target(%dma_start3A_61 : memref<400x128xf32, #tpu.memory_space<vmem_shared>>) target_semaphore(%run_scoped3A : memref<!tpu.dma_semaphore, #tpu.memory_space<semaphore_mem>>)
          %dma_wait3A_64 = arith.constant 0 : i32
          %dma_wait3A_65 = tpu.memref_slice %arg16[%mul3A_2, %dma_wait3A_64] : memref<10240x128xf32, #tpu.memory_space<vmem_shared>> -> memref<400x128xf32, #tpu.memory_space<vmem_shared>>
          %dma_wait3A_66 = arith.constant 0 : i32
          %dma_wait3A_67 = tpu.memref_slice %arg2[%mul3A_2, %dma_wait3A_66] : memref<10000x128xf32, #tpu.memory_space<hbm>> -> memref<400x128xf32, #tpu.memory_space<hbm>>
          tpu.wait_dma2 semaphore(%run_scoped3A : memref<!tpu.dma_semaphore, #tpu.memory_space<semaphore_mem>>) src(%dma_wait3A_67 : memref<400x128xf32, #tpu.memory_space<hbm>>) dst(%dma_wait3A_65 : memref<400x128xf32, #tpu.memory_space<vmem_shared>>)
          tpu.yield
        }) : () -> ()
        %add3A_58 = arith.constant 400 : i32
        %add3A_59 = arith.addi %mul3A_2, %add3A_58 : i32
        "tpu.region"() ({
          %run_scoped3A = tpu.sem_alloc : memref<!tpu.dma_semaphore, #tpu.memory_space<semaphore_mem>>
          %dma_start3A_60 = arith.constant 0 : i32
          %dma_start3A_61 = tpu.memref_slice %arg16[%add3A_59, %dma_start3A_60] : memref<10240x128xf32, #tpu.memory_space<vmem_shared>> -> memref<240x128xf32, #tpu.memory_space<vmem_shared>>
          %dma_start3A_62 = arith.constant 0 : i32
          %dma_start3A_63 = arith.constant 0 : i32
          %dma_start3A_64 = tpu.memref_slice %arg5[%dma_start3A_62, %dma_start3A_63] : memref<640x128xf32, #tpu.memory_space<hbm>> -> memref<240x128xf32, #tpu.memory_space<hbm>>
          tpu.enqueue_dma source(%dma_start3A_64 : memref<240x128xf32, #tpu.memory_space<hbm>>) target(%dma_start3A_61 : memref<240x128xf32, #tpu.memory_space<vmem_shared>>) target_semaphore(%run_scoped3A : memref<!tpu.dma_semaphore, #tpu.memory_space<semaphore_mem>>)
          %dma_wait3A_65 = arith.constant 0 : i32
          %dma_wait3A_66 = tpu.memref_slice %arg16[%add3A_59, %dma_wait3A_65] : memref<10240x128xf32, #tpu.memory_space<vmem_shared>> -> memref<240x128xf32, #tpu.memory_space<vmem_shared>>
          %dma_wait3A_67 = arith.constant 0 : i32
          %dma_wait3A_68 = arith.constant 0 : i32
          %dma_wait3A_69 = tpu.memref_slice %arg5[%dma_wait3A_67, %dma_wait3A_68] : memref<640x128xf32, #tpu.memory_space<hbm>> -> memref<240x128xf32, #tpu.memory_space<hbm>>
          tpu.wait_dma2 semaphore(%run_scoped3A : memref<!tpu.dma_semaphore, #tpu.memory_space<semaphore_mem>>) src(%dma_wait3A_69 : memref<240x128xf32, #tpu.memory_space<hbm>>) dst(%dma_wait3A_66 : memref<240x128xf32, #tpu.memory_space<vmem_shared>>)
          tpu.yield
        }) : () -> ()
      } else {
      }
    } else {
    }
    %eq3A_7 = arith.constant 1 : i32
    %eq3A_8 = arith.cmpi eq, %arg0, %eq3A_7 : i32
    %convert_element_type3A_9 = arith.extui %eq3A_8 : i1 to i32
    %cond3A_10 = arith.constant 0 : i32
    %cond3A_11 = arith.cmpi ne, %convert_element_type3A_9, %cond3A_10 : i32
    scf.if %cond3A_11 {
      "tpu.region"() ({
        %run_scoped3A = tpu.sem_alloc : memref<!tpu.dma_semaphore, #tpu.memory_space<semaphore_mem>>
        %dma_start3A_49 = arith.constant 0 : i32
        %dma_start3A_50 = tpu.memref_slice %arg16[%mul3A_2, %dma_start3A_49] : memref<10240x128xf32, #tpu.memory_space<vmem_shared>> -> memref<640x128xf32, #tpu.memory_space<vmem_shared>>
        tpu.enqueue_dma source(%arg5 : memref<640x128xf32, #tpu.memory_space<hbm>>) target(%dma_start3A_50 : memref<640x128xf32, #tpu.memory_space<vmem_shared>>) target_semaphore(%run_scoped3A : memref<!tpu.dma_semaphore, #tpu.memory_space<semaphore_mem>>)
        %dma_wait3A_51 = arith.constant 0 : i32
        %dma_wait3A_52 = tpu.memref_slice %arg16[%mul3A_2, %dma_wait3A_51] : memref<10240x128xf32, #tpu.memory_space<vmem_shared>> -> memref<640x128xf32, #tpu.memory_space<vmem_shared>>
        tpu.wait_dma2 semaphore(%run_scoped3A : memref<!tpu.dma_semaphore, #tpu.memory_space<semaphore_mem>>) src(%arg5 : memref<640x128xf32, #tpu.memory_space<hbm>>) dst(%dma_wait3A_52 : memref<640x128xf32, #tpu.memory_space<vmem_shared>>)
        tpu.yield
      }) : () -> ()
    } else {
    }
    %add3A_12 = arith.constant 0 : i32
    %add3A_13 = arith.addi %mul3A_4, %add3A_12 : i32
    %dma_start3A = tpu.memref_slice %arg3[%add3A_13] : memref<320000xi32, #tpu.memory_space<hbm>> -> memref<128xi32, #tpu.memory_space<hbm>>
    %dma_start3A_14 = tpu.memref_slice %arg3[%add3A_13] : memref<320000xi32, #tpu.memory_space<hbm>> -> memref<128xi32, #tpu.memory_space<hbm>>
    tpu.enqueue_dma source(%dma_start3A_14 : memref<128xi32, #tpu.memory_space<hbm>>) target(%arg7 : memref<128xi32, #tpu.memory_space<vmem>>) target_semaphore(%arg17 : memref<!tpu.dma_semaphore, #tpu.memory_space<semaphore_mem>>)
    %add3A_15 = arith.constant 0 : i32
    %add3A_16 = arith.addi %mul3A_4, %add3A_15 : i32
    %dma_start3A_17 = tpu.memref_slice %arg4[%add3A_16] : memref<320000xi32, #tpu.memory_space<hbm>> -> memref<128xi32, #tpu.memory_space<hbm>>
    %dma_start3A_18 = tpu.memref_slice %arg4[%add3A_16] : memref<320000xi32, #tpu.memory_space<hbm>> -> memref<128xi32, #tpu.memory_space<hbm>>
    tpu.enqueue_dma source(%dma_start3A_18 : memref<128xi32, #tpu.memory_space<hbm>>) target(%arg8 : memref<128xi32, #tpu.memory_space<vmem>>) target_semaphore(%arg17 : memref<!tpu.dma_semaphore, #tpu.memory_space<semaphore_mem>>)
    %add3A_19 = arith.constant 128 : i32
    %add3A_20 = arith.addi %mul3A_4, %add3A_19 : i32
    %dma_start3A_21 = tpu.memref_slice %arg3[%add3A_20] : memref<320000xi32, #tpu.memory_space<hbm>> -> memref<128xi32, #tpu.memory_space<hbm>>
    %dma_start3A_22 = tpu.memref_slice %arg3[%add3A_20] : memref<320000xi32, #tpu.memory_space<hbm>> -> memref<128xi32, #tpu.memory_space<hbm>>
    tpu.enqueue_dma source(%dma_start3A_22 : memref<128xi32, #tpu.memory_space<hbm>>) target(%arg9 : memref<128xi32, #tpu.memory_space<vmem>>) target_semaphore(%arg18 : memref<!tpu.dma_semaphore, #tpu.memory_space<semaphore_mem>>)
    %add3A_23 = arith.constant 128 : i32
    %add3A_24 = arith.addi %mul3A_4, %add3A_23 : i32
    %dma_start3A_25 = tpu.memref_slice %arg4[%add3A_24] : memref<320000xi32, #tpu.memory_space<hbm>> -> memref<128xi32, #tpu.memory_space<hbm>>
    %dma_start3A_26 = tpu.memref_slice %arg4[%add3A_24] : memref<320000xi32, #tpu.memory_space<hbm>> -> memref<128xi32, #tpu.memory_space<hbm>>
    tpu.enqueue_dma source(%dma_start3A_26 : memref<128xi32, #tpu.memory_space<hbm>>) target(%arg10 : memref<128xi32, #tpu.memory_space<vmem>>) target_semaphore(%arg18 : memref<!tpu.dma_semaphore, #tpu.memory_space<semaphore_mem>>)
    %dma_wait3A = tpu.memref_slice %arg3[%mul3A_4] : memref<320000xi32, #tpu.memory_space<hbm>> -> memref<128xi32, #tpu.memory_space<hbm>>
    %dma_wait3A_27 = tpu.memref_slice %arg3[%mul3A_4] : memref<320000xi32, #tpu.memory_space<hbm>> -> memref<128xi32, #tpu.memory_space<hbm>>
    tpu.wait_dma2 semaphore(%arg17 : memref<!tpu.dma_semaphore, #tpu.memory_space<semaphore_mem>>) src(%dma_wait3A_27 : memref<128xi32, #tpu.memory_space<hbm>>) dst(%arg7 : memref<128xi32, #tpu.memory_space<vmem>>)
    %dma_wait3A_28 = tpu.memref_slice %arg3[%mul3A_4] : memref<320000xi32, #tpu.memory_space<hbm>> -> memref<128xi32, #tpu.memory_space<hbm>>
    %dma_wait3A_29 = tpu.memref_slice %arg3[%mul3A_4] : memref<320000xi32, #tpu.memory_space<hbm>> -> memref<128xi32, #tpu.memory_space<hbm>>
    tpu.wait_dma2 semaphore(%arg17 : memref<!tpu.dma_semaphore, #tpu.memory_space<semaphore_mem>>) src(%dma_wait3A_29 : memref<128xi32, #tpu.memory_space<hbm>>) dst(%arg8 : memref<128xi32, #tpu.memory_space<vmem>>)
    %dma_start3A_30 = arith.constant 0 : i32
    %dma_start3A_31 = arith.constant 0 : i32
    %dma_start3A_32 = tpu.memref_slice %arg2[%dma_start3A_30, %dma_start3A_31] : memref<10000x128xf32, #tpu.memory_space<hbm>> -> memref<10000x128xf32, #tpu.memory_space<hbm>>
    tpu.enqueue_indirect_dma source(%dma_start3A_32 : memref<10000x128xf32, #tpu.memory_space<hbm>>) target(%arg11 : memref<128x128xf32, #tpu.memory_space<vmem>>) offsets(%arg7 : memref<128xi32, #tpu.memory_space<vmem>>) semaphore(%arg19 : memref<!tpu.dma_semaphore, #tpu.memory_space<semaphore_mem>>)
    %barrier3A = arith.constant 0 : index
    tpu.barrier barrier_id(%barrier3A)
    %scan3A = arith.constant 0 : i32
    %scan3A_33 = arith.constant 0 : i32
    %scan3A_34 = arith.constant 39 : i32
    %scan3A_35 = arith.addi %scan3A_33, %scan3A_34 : i32
    %scan3A_36 = arith.constant 1 : i32
    scf.for %scan3A_49 = %scan3A_33 to %scan3A_35 step %scan3A_36  : i32 {
      %mul3A_50 = arith.constant 2 : i32
      %mul3A_51 = arith.muli %mul3A_50, %scan3A_49 : i32
      %dma_wait3A_52 = tpu.memref_slice %arg3[%mul3A_4] : memref<320000xi32, #tpu.memory_space<hbm>> -> memref<128xi32, #tpu.memory_space<hbm>>
      %dma_wait3A_53 = tpu.memref_slice %arg3[%mul3A_4] : memref<320000xi32, #tpu.memory_space<hbm>> -> memref<128xi32, #tpu.memory_space<hbm>>
      tpu.wait_dma2 semaphore(%arg18 : memref<!tpu.dma_semaphore, #tpu.memory_space<semaphore_mem>>) src(%dma_wait3A_53 : memref<128xi32, #tpu.memory_space<hbm>>) dst(%arg9 : memref<128xi32, #tpu.memory_space<vmem>>)
      %dma_wait3A_54 = tpu.memref_slice %arg3[%mul3A_4] : memref<320000xi32, #tpu.memory_space<hbm>> -> memref<128xi32, #tpu.memory_space<hbm>>
      %dma_wait3A_55 = tpu.memref_slice %arg3[%mul3A_4] : memref<320000xi32, #tpu.memory_space<hbm>> -> memref<128xi32, #tpu.memory_space<hbm>>
      tpu.wait_dma2 semaphore(%arg18 : memref<!tpu.dma_semaphore, #tpu.memory_space<semaphore_mem>>) src(%dma_wait3A_55 : memref<128xi32, #tpu.memory_space<hbm>>) dst(%arg10 : memref<128xi32, #tpu.memory_space<vmem>>)
      %dma_start3A_56 = arith.constant 0 : i32
      %dma_start3A_57 = arith.constant 0 : i32
      %dma_start3A_58 = tpu.memref_slice %arg2[%dma_start3A_56, %dma_start3A_57] : memref<10000x128xf32, #tpu.memory_space<hbm>> -> memref<10000x128xf32, #tpu.memory_space<hbm>>
      tpu.enqueue_indirect_dma source(%dma_start3A_58 : memref<10000x128xf32, #tpu.memory_space<hbm>>) target(%arg12 : memref<128x128xf32, #tpu.memory_space<vmem>>) offsets(%arg9 : memref<128xi32, #tpu.memory_space<vmem>>) semaphore(%arg20 : memref<!tpu.dma_semaphore, #tpu.memory_space<semaphore_mem>>)
      %dma_wait3A_59 = arith.constant 0 : i32
      %dma_wait3A_60 = arith.constant 0 : i32
      %dma_wait3A_61 = tpu.memref_slice %arg2[%dma_wait3A_59, %dma_wait3A_60] : memref<10000x128xf32, #tpu.memory_space<hbm>> -> memref<10000x128xf32, #tpu.memory_space<hbm>>
      tpu.wait_indirect_dma semaphore(%arg19 : memref<!tpu.dma_semaphore, #tpu.memory_space<semaphore_mem>>) src(%dma_wait3A_61 : memref<10000x128xf32, #tpu.memory_space<hbm>>) dst(%arg11 : memref<128x128xf32, #tpu.memory_space<vmem>>)
      "tpu.region"() ({
        %run_scoped3A = tpu.sem_alloc : memref<!tpu.dma_semaphore, #tpu.memory_space<semaphore_mem>>
        %dma_start3A_78 = arith.constant 0 : i32
        %dma_start3A_79 = arith.constant 0 : i32
        %dma_start3A_80 = tpu.memref_slice %arg16[%dma_start3A_78, %dma_start3A_79] : memref<10240x128xf32, #tpu.memory_space<vmem_shared>> -> memref<10240x128xf32, #tpu.memory_space<vmem_shared>>
        tpu.enqueue_indirect_dma source(%arg11 : memref<128x128xf32, #tpu.memory_space<vmem>>) target(%dma_start3A_80 : memref<10240x128xf32, #tpu.memory_space<vmem_shared>>) offsets(%arg8 : memref<128xi32, #tpu.memory_space<vmem>>) semaphore(%run_scoped3A : memref<!tpu.dma_semaphore, #tpu.memory_space<semaphore_mem>>) {add = true}
        %dma_wait3A_81 = arith.constant 0 : i32
        %dma_wait3A_82 = arith.constant 0 : i32
        %dma_wait3A_83 = tpu.memref_slice %arg16[%dma_wait3A_81, %dma_wait3A_82] : memref<10240x128xf32, #tpu.memory_space<vmem_shared>> -> memref<10240x128xf32, #tpu.memory_space<vmem_shared>>
        tpu.wait_indirect_dma semaphore(%run_scoped3A : memref<!tpu.dma_semaphore, #tpu.memory_space<semaphore_mem>>) src(%arg11 : memref<128x128xf32, #tpu.memory_space<vmem>>) dst(%dma_wait3A_83 : memref<10240x128xf32, #tpu.memory_space<vmem_shared>>)
        tpu.yield
      }) : () -> ()
      %add3A_62 = arith.constant 2 : i32
      %add3A_63 = arith.addi %mul3A_51, %add3A_62 : i32
      %lt3A = arith.constant 78 : i32
      %lt3A_64 = arith.cmpi slt, %add3A_63, %lt3A : i32
      %convert_element_type3A_65 = arith.extui %lt3A_64 : i1 to i32
      %cond3A_66 = arith.constant 0 : i32
      %cond3A_67 = arith.cmpi ne, %convert_element_type3A_65, %cond3A_66 : i32
      scf.if %cond3A_67 {
        %add3A_78 = arith.constant 2 : i32
        %add3A_79 = arith.addi %mul3A_51, %add3A_78 : i32
        %mul3A_80 = arith.constant 128 : i32
        %mul3A_81 = arith.muli %add3A_79, %mul3A_80 : i32
        %add3A_82 = arith.addi %mul3A_4, %mul3A_81 : i32
        %dma_start3A_83 = tpu.memref_slice %arg3[%add3A_82] : memref<320000xi32, #tpu.memory_space<hbm>> -> memref<128xi32, #tpu.memory_space<hbm>>
        %dma_start3A_84 = tpu.memref_slice %arg3[%add3A_82] : memref<320000xi32, #tpu.memory_space<hbm>> -> memref<128xi32, #tpu.memory_space<hbm>>
        tpu.enqueue_dma source(%dma_start3A_84 : memref<128xi32, #tpu.memory_space<hbm>>) target(%arg7 : memref<128xi32, #tpu.memory_space<vmem>>) target_semaphore(%arg17 : memref<!tpu.dma_semaphore, #tpu.memory_space<semaphore_mem>>)
        %mul3A_85 = arith.constant 128 : i32
        %mul3A_86 = arith.muli %add3A_79, %mul3A_85 : i32
        %add3A_87 = arith.addi %mul3A_4, %mul3A_86 : i32
        %dma_start3A_88 = tpu.memref_slice %arg4[%add3A_87] : memref<320000xi32, #tpu.memory_space<hbm>> -> memref<128xi32, #tpu.memory_space<hbm>>
        %dma_start3A_89 = tpu.memref_slice %arg4[%add3A_87] : memref<320000xi32, #tpu.memory_space<hbm>> -> memref<128xi32, #tpu.memory_space<hbm>>
        tpu.enqueue_dma source(%dma_start3A_89 : memref<128xi32, #tpu.memory_space<hbm>>) target(%arg8 : memref<128xi32, #tpu.memory_space<vmem>>) target_semaphore(%arg17 : memref<!tpu.dma_semaphore, #tpu.memory_space<semaphore_mem>>)
        %dma_wait3A_90 = tpu.memref_slice %arg3[%mul3A_4] : memref<320000xi32, #tpu.memory_space<hbm>> -> memref<128xi32, #tpu.memory_space<hbm>>
        %dma_wait3A_91 = tpu.memref_slice %arg3[%mul3A_4] : memref<320000xi32, #tpu.memory_space<hbm>> -> memref<128xi32, #tpu.memory_space<hbm>>
        tpu.wait_dma2 semaphore(%arg17 : memref<!tpu.dma_semaphore, #tpu.memory_space<semaphore_mem>>) src(%dma_wait3A_91 : memref<128xi32, #tpu.memory_space<hbm>>) dst(%arg7 : memref<128xi32, #tpu.memory_space<vmem>>)
        %dma_wait3A_92 = tpu.memref_slice %arg3[%mul3A_4] : memref<320000xi32, #tpu.memory_space<hbm>> -> memref<128xi32, #tpu.memory_space<hbm>>
        %dma_wait3A_93 = tpu.memref_slice %arg3[%mul3A_4] : memref<320000xi32, #tpu.memory_space<hbm>> -> memref<128xi32, #tpu.memory_space<hbm>>
        tpu.wait_dma2 semaphore(%arg17 : memref<!tpu.dma_semaphore, #tpu.memory_space<semaphore_mem>>) src(%dma_wait3A_93 : memref<128xi32, #tpu.memory_space<hbm>>) dst(%arg8 : memref<128xi32, #tpu.memory_space<vmem>>)
        %dma_start3A_94 = arith.constant 0 : i32
        %dma_start3A_95 = arith.constant 0 : i32
        %dma_start3A_96 = tpu.memref_slice %arg2[%dma_start3A_94, %dma_start3A_95] : memref<10000x128xf32, #tpu.memory_space<hbm>> -> memref<10000x128xf32, #tpu.memory_space<hbm>>
        tpu.enqueue_indirect_dma source(%dma_start3A_96 : memref<10000x128xf32, #tpu.memory_space<hbm>>) target(%arg11 : memref<128x128xf32, #tpu.memory_space<vmem>>) offsets(%arg7 : memref<128xi32, #tpu.memory_space<vmem>>) semaphore(%arg19 : memref<!tpu.dma_semaphore, #tpu.memory_space<semaphore_mem>>)
      } else {
      }
      %dma_wait3A_68 = arith.constant 0 : i32
      %dma_wait3A_69 = arith.constant 0 : i32
      %dma_wait3A_70 = tpu.memref_slice %arg2[%dma_wait3A_68, %dma_wait3A_69] : memref<10000x128xf32, #tpu.memory_space<hbm>> -> memref<10000x128xf32, #tpu.memory_space<hbm>>
      tpu.wait_indirect_dma semaphore(%arg20 : memref<!tpu.dma_semaphore, #tpu.memory_space<semaphore_mem>>) src(%dma_wait3A_70 : memref<10000x128xf32, #tpu.memory_space<hbm>>) dst(%arg12 : memref<128x128xf32, #tpu.memory_space<vmem>>)
      "tpu.region"() ({
        %run_scoped3A = tpu.sem_alloc : memref<!tpu.dma_semaphore, #tpu.memory_space<semaphore_mem>>
        %dma_start3A_78 = arith.constant 0 : i32
        %dma_start3A_79 = arith.constant 0 : i32
        %dma_start3A_80 = tpu.memref_slice %arg16[%dma_start3A_78, %dma_start3A_79] : memref<10240x128xf32, #tpu.memory_space<vmem_shared>> -> memref<10240x128xf32, #tpu.memory_space<vmem_shared>>
        tpu.enqueue_indirect_dma source(%arg12 : memref<128x128xf32, #tpu.memory_space<vmem>>) target(%dma_start3A_80 : memref<10240x128xf32, #tpu.memory_space<vmem_shared>>) offsets(%arg10 : memref<128xi32, #tpu.memory_space<vmem>>) semaphore(%run_scoped3A : memref<!tpu.dma_semaphore, #tpu.memory_space<semaphore_mem>>) {add = true}
        %dma_wait3A_81 = arith.constant 0 : i32
        %dma_wait3A_82 = arith.constant 0 : i32
        %dma_wait3A_83 = tpu.memref_slice %arg16[%dma_wait3A_81, %dma_wait3A_82] : memref<10240x128xf32, #tpu.memory_space<vmem_shared>> -> memref<10240x128xf32, #tpu.memory_space<vmem_shared>>
        tpu.wait_indirect_dma semaphore(%run_scoped3A : memref<!tpu.dma_semaphore, #tpu.memory_space<semaphore_mem>>) src(%arg12 : memref<128x128xf32, #tpu.memory_space<vmem>>) dst(%dma_wait3A_83 : memref<10240x128xf32, #tpu.memory_space<vmem_shared>>)
        tpu.yield
      }) : () -> ()
      %add3A_71 = arith.constant 3 : i32
      %add3A_72 = arith.addi %mul3A_51, %add3A_71 : i32
      %lt3A_73 = arith.constant 78 : i32
      %lt3A_74 = arith.cmpi slt, %add3A_72, %lt3A_73 : i32
      %convert_element_type3A_75 = arith.extui %lt3A_74 : i1 to i32
      %cond3A_76 = arith.constant 0 : i32
      %cond3A_77 = arith.cmpi ne, %convert_element_type3A_75, %cond3A_76 : i32
      scf.if %cond3A_77 {
        %add3A_78 = arith.constant 3 : i32
        %add3A_79 = arith.addi %mul3A_51, %add3A_78 : i32
        %mul3A_80 = arith.constant 128 : i32
        %mul3A_81 = arith.muli %add3A_79, %mul3A_80 : i32
        %add3A_82 = arith.addi %mul3A_4, %mul3A_81 : i32
        %dma_start3A_83 = tpu.memref_slice %arg3[%add3A_82] : memref<320000xi32, #tpu.memory_space<hbm>> -> memref<128xi32, #tpu.memory_space<hbm>>
        %dma_start3A_84 = tpu.memref_slice %arg3[%add3A_82] : memref<320000xi32, #tpu.memory_space<hbm>> -> memref<128xi32, #tpu.memory_space<hbm>>
        tpu.enqueue_dma source(%dma_start3A_84 : memref<128xi32, #tpu.memory_space<hbm>>) target(%arg9 : memref<128xi32, #tpu.memory_space<vmem>>) target_semaphore(%arg18 : memref<!tpu.dma_semaphore, #tpu.memory_space<semaphore_mem>>)
        %mul3A_85 = arith.constant 128 : i32
        %mul3A_86 = arith.muli %add3A_79, %mul3A_85 : i32
        %add3A_87 = arith.addi %mul3A_4, %mul3A_86 : i32
        %dma_start3A_88 = tpu.memref_slice %arg4[%add3A_87] : memref<320000xi32, #tpu.memory_space<hbm>> -> memref<128xi32, #tpu.memory_space<hbm>>
        %dma_start3A_89 = tpu.memref_slice %arg4[%add3A_87] : memref<320000xi32, #tpu.memory_space<hbm>> -> memref<128xi32, #tpu.memory_space<hbm>>
        tpu.enqueue_dma source(%dma_start3A_89 : memref<128xi32, #tpu.memory_space<hbm>>) target(%arg10 : memref<128xi32, #tpu.memory_space<vmem>>) target_semaphore(%arg18 : memref<!tpu.dma_semaphore, #tpu.memory_space<semaphore_mem>>)
      } else {
      }
    }
    %scan3A_37 = arith.constant 39 : i32
    %add3A_38 = arith.constant 9984 : i32
    %add3A_39 = arith.addi %mul3A_4, %add3A_38 : i32
    "tpu.region"() ({
      %run_scoped3A = tpu.sem_alloc : memref<!tpu.dma_semaphore, #tpu.memory_space<semaphore_mem>>
      %dma_start3A_49 = tpu.memref_slice %arg3[%add3A_39] : memref<320000xi32, #tpu.memory_space<hbm>> -> memref<16xi32, #tpu.memory_space<hbm>>
      %dma_start3A_50 = tpu.memref_slice %arg3[%add3A_39] : memref<320000xi32, #tpu.memory_space<hbm>> -> memref<16xi32, #tpu.memory_space<hbm>>
      tpu.enqueue_dma source(%dma_start3A_50 : memref<16xi32, #tpu.memory_space<hbm>>) target(%arg13 : memref<16xi32, #tpu.memory_space<vmem>>) target_semaphore(%run_scoped3A : memref<!tpu.dma_semaphore, #tpu.memory_space<semaphore_mem>>)
      %dma_wait3A_51 = tpu.memref_slice %arg3[%add3A_39] : memref<320000xi32, #tpu.memory_space<hbm>> -> memref<16xi32, #tpu.memory_space<hbm>>
      %dma_wait3A_52 = tpu.memref_slice %arg3[%add3A_39] : memref<320000xi32, #tpu.memory_space<hbm>> -> memref<16xi32, #tpu.memory_space<hbm>>
      tpu.wait_dma2 semaphore(%run_scoped3A : memref<!tpu.dma_semaphore, #tpu.memory_space<semaphore_mem>>) src(%dma_wait3A_52 : memref<16xi32, #tpu.memory_space<hbm>>) dst(%arg13 : memref<16xi32, #tpu.memory_space<vmem>>)
      tpu.yield
    }) : () -> ()
    %add3A_40 = arith.constant 9984 : i32
    %add3A_41 = arith.addi %mul3A_4, %add3A_40 : i32
    "tpu.region"() ({
      %run_scoped3A = tpu.sem_alloc : memref<!tpu.dma_semaphore, #tpu.memory_space<semaphore_mem>>
      %dma_start3A_49 = tpu.memref_slice %arg4[%add3A_41] : memref<320000xi32, #tpu.memory_space<hbm>> -> memref<16xi32, #tpu.memory_space<hbm>>
      %dma_start3A_50 = tpu.memref_slice %arg4[%add3A_41] : memref<320000xi32, #tpu.memory_space<hbm>> -> memref<16xi32, #tpu.memory_space<hbm>>
      tpu.enqueue_dma source(%dma_start3A_50 : memref<16xi32, #tpu.memory_space<hbm>>) target(%arg14 : memref<16xi32, #tpu.memory_space<vmem>>) target_semaphore(%run_scoped3A : memref<!tpu.dma_semaphore, #tpu.memory_space<semaphore_mem>>)
      %dma_wait3A_51 = tpu.memref_slice %arg4[%add3A_41] : memref<320000xi32, #tpu.memory_space<hbm>> -> memref<16xi32, #tpu.memory_space<hbm>>
      %dma_wait3A_52 = tpu.memref_slice %arg4[%add3A_41] : memref<320000xi32, #tpu.memory_space<hbm>> -> memref<16xi32, #tpu.memory_space<hbm>>
      tpu.wait_dma2 semaphore(%run_scoped3A : memref<!tpu.dma_semaphore, #tpu.memory_space<semaphore_mem>>) src(%dma_wait3A_52 : memref<16xi32, #tpu.memory_space<hbm>>) dst(%arg14 : memref<16xi32, #tpu.memory_space<vmem>>)
      tpu.yield
    }) : () -> ()
    %dma_start3A_42 = arith.constant 0 : i32
    %dma_start3A_43 = arith.constant 0 : i32
    %dma_start3A_44 = tpu.memref_slice %arg2[%dma_start3A_42, %dma_start3A_43] : memref<10000x128xf32, #tpu.memory_space<hbm>> -> memref<10000x128xf32, #tpu.memory_space<hbm>>
    tpu.enqueue_indirect_dma source(%dma_start3A_44 : memref<10000x128xf32, #tpu.memory_space<hbm>>) target(%arg15 : memref<16x128xf32, #tpu.memory_space<vmem>>) offsets(%arg13 : memref<16xi32, #tpu.memory_space<vmem>>) semaphore(%arg19 : memref<!tpu.dma_semaphore, #tpu.memory_space<semaphore_mem>>)
    %dma_wait3A_45 = arith.constant 0 : i32
    %dma_wait3A_46 = arith.constant 0 : i32
    %dma_wait3A_47 = tpu.memref_slice %arg2[%dma_wait3A_45, %dma_wait3A_46] : memref<10000x128xf32, #tpu.memory_space<hbm>> -> memref<10000x128xf32, #tpu.memory_space<hbm>>
    tpu.wait_indirect_dma semaphore(%arg19 : memref<!tpu.dma_semaphore, #tpu.memory_space<semaphore_mem>>) src(%dma_wait3A_47 : memref<10000x128xf32, #tpu.memory_space<hbm>>) dst(%arg15 : memref<16x128xf32, #tpu.memory_space<vmem>>)
    "tpu.region"() ({
      %run_scoped3A = tpu.sem_alloc : memref<!tpu.dma_semaphore, #tpu.memory_space<semaphore_mem>>
      %dma_start3A_49 = arith.constant 0 : i32
      %dma_start3A_50 = arith.constant 0 : i32
      %dma_start3A_51 = tpu.memref_slice %arg16[%dma_start3A_49, %dma_start3A_50] : memref<10240x128xf32, #tpu.memory_space<vmem_shared>> -> memref<10240x128xf32, #tpu.memory_space<vmem_shared>>
      tpu.enqueue_indirect_dma source(%arg15 : memref<16x128xf32, #tpu.memory_space<vmem>>) target(%dma_start3A_51 : memref<10240x128xf32, #tpu.memory_space<vmem_shared>>) offsets(%arg14 : memref<16xi32, #tpu.memory_space<vmem>>) semaphore(%run_scoped3A : memref<!tpu.dma_semaphore, #tpu.memory_space<semaphore_mem>>) {add = true}
      %dma_wait3A_52 = arith.constant 0 : i32
      %dma_wait3A_53 = arith.constant 0 : i32
      %dma_wait3A_54 = tpu.memref_slice %arg16[%dma_wait3A_52, %dma_wait3A_53] : memref<10240x128xf32, #tpu.memory_space<vmem_shared>> -> memref<10240x128xf32, #tpu.memory_space<vmem_shared>>
      tpu.wait_indirect_dma semaphore(%run_scoped3A : memref<!tpu.dma_semaphore, #tpu.memory_space<semaphore_mem>>) src(%arg15 : memref<16x128xf32, #tpu.memory_space<vmem>>) dst(%dma_wait3A_54 : memref<10240x128xf32, #tpu.memory_space<vmem_shared>>)
      tpu.yield
    }) : () -> ()
    %barrier3A_48 = arith.constant 0 : index
    tpu.barrier barrier_id(%barrier3A_48)
    "tpu.region"() ({
      %run_scoped3A = tpu.sem_alloc : memref<!tpu.dma_semaphore, #tpu.memory_space<semaphore_mem>>
      %dma_start3A_49 = arith.constant 0 : i32
      %dma_start3A_50 = tpu.memref_slice %arg6[%arg0, %mul3A_2, %dma_start3A_49] : memref<2x10240x128xf32, #tpu.memory_space<hbm>> -> memref<1x640x128xf32, #tpu.memory_space<hbm>>
      %dma_start3A_51 = tpu.memref_squeeze %dma_start3A_50 : memref<1x640x128xf32, #tpu.memory_space<hbm>> -> memref<640x128xf32, #tpu.memory_space<hbm>>
      %dma_start3A_52 = arith.constant 0 : i32
      %dma_start3A_53 = tpu.memref_slice %arg16[%mul3A_2, %dma_start3A_52] : memref<10240x128xf32, #tpu.memory_space<vmem_shared>> -> memref<640x128xf32, #tpu.memory_space<vmem_shared>>
      tpu.enqueue_dma source(%dma_start3A_53 : memref<640x128xf32, #tpu.memory_space<vmem_shared>>) target(%dma_start3A_51 : memref<640x128xf32, #tpu.memory_space<hbm>>) target_semaphore(%run_scoped3A : memref<!tpu.dma_semaphore, #tpu.memory_space<semaphore_mem>>)
      %dma_wait3A_54 = arith.constant 0 : i32
      %dma_wait3A_55 = tpu.memref_slice %arg6[%arg0, %mul3A_2, %dma_wait3A_54] : memref<2x10240x128xf32, #tpu.memory_space<hbm>> -> memref<1x640x128xf32, #tpu.memory_space<hbm>>
      %dma_wait3A_56 = tpu.memref_squeeze %dma_wait3A_55 : memref<1x640x128xf32, #tpu.memory_space<hbm>> -> memref<640x128xf32, #tpu.memory_space<hbm>>
      %dma_wait3A_57 = arith.constant 0 : i32
      %dma_wait3A_58 = tpu.memref_slice %arg16[%mul3A_2, %dma_wait3A_57] : memref<10240x128xf32, #tpu.memory_space<vmem_shared>> -> memref<640x128xf32, #tpu.memory_space<vmem_shared>>
      tpu.wait_dma2 semaphore(%run_scoped3A : memref<!tpu.dma_semaphore, #tpu.memory_space<semaphore_mem>>) src(%dma_wait3A_58 : memref<640x128xf32, #tpu.memory_space<vmem_shared>>) dst(%dma_wait3A_56 : memref<640x128xf32, #tpu.memory_space<hbm>>)
      tpu.yield
    }) : () -> ()
    return
  }
}

#map = affine_map<(d0, d1) -> (0, 0)>
#map1 = affine_map<(d0, d1) -> (0)>
#map2 = affine_map<(d0, d1) -> (0, 0, 0)>
module attributes {stable_mosaic.version = 14 : i64} {
  func.func @_scatter_body(%arg0: i32, %arg1: i32, %arg2: memref<10000x128xf32, #tpu.memory_space<hbm>>, %arg3: memref<320000xi32, #tpu.memory_space<hbm>>, %arg4: memref<320000xi32, #tpu.memory_space<hbm>>, %arg5: memref<640x128xf32, #tpu.memory_space<hbm>>, %arg6: memref<2x10240x128xf32, #tpu.memory_space<hbm>>, %arg7: memref<128xi32, #tpu.memory_space<vmem>>, %arg8: memref<128xi32, #tpu.memory_space<vmem>>, %arg9: memref<128xi32, #tpu.memory_space<vmem>>, %arg10: memref<128xi32, #tpu.memory_space<vmem>>, %arg11: memref<128x128xf32, #tpu.memory_space<vmem>>, %arg12: memref<128x128xf32, #tpu.memory_space<vmem>>, %arg13: memref<16xi32, #tpu.memory_space<vmem>>, %arg14: memref<16xi32, #tpu.memory_space<vmem>>, %arg15: memref<16x128xf32, #tpu.memory_space<vmem>>, %arg16: memref<10240x128xf32, #tpu.memory_space<vmem_shared>>, %arg17: memref<!tpu.dma_semaphore, #tpu.memory_space<semaphore_mem>>, %arg18: memref<!tpu.dma_semaphore, #tpu.memory_space<semaphore_mem>>, %arg19: memref<!tpu.dma_semaphore, #tpu.memory_space<semaphore_mem>>, %arg20: memref<!tpu.dma_semaphore, #tpu.memory_space<semaphore_mem>>) attributes {dimension_semantics = [#tpu.dimension_semantics<core_parallel>, #tpu.dimension_semantics<subcore_parallel>], iteration_bounds = array<i64: 2, 16>, scalar_prefetch = 0 : i64, scratch_operands = 14 : i64, tpu.core_type = #tpu.core_type<sc_vector_subcore>, window_params = [{transform_indices = #map}, {transform_indices = #map1}, {transform_indices = #map1}, {transform_indices = #map}, {transform_indices = #map2}]} {
    %mul3A = arith.constant 16 : i32
    %mul3A_0 = arith.muli %arg0, %mul3A : i32
    %add3A = arith.addi %mul3A_0, %arg1 : i32
    %mul3A_1 = arith.constant 640 : i32
    %mul3A_2 = arith.muli %arg1, %mul3A_1 : i32
    %mul3A_3 = arith.constant 10000 : i32
    %mul3A_4 = arith.muli %add3A, %mul3A_3 : i32
    %eq3A = arith.constant 0 : i32
    %eq3A_5 = arith.cmpi eq, %arg0, %eq3A : i32
    %convert_element_type3A = arith.extui %eq3A_5 : i1 to i32
    %cond3A = arith.constant 0 : i32
    %cond3A_6 = arith.cmpi ne, %convert_element_type3A, %cond3A : i32
    scf.if %cond3A_6 {
      %lt3A = arith.constant 15 : i32
      %lt3A_49 = arith.cmpi slt, %arg1, %lt3A : i32
      %convert_element_type3A_50 = arith.extui %lt3A_49 : i1 to i32
      %cond3A_51 = arith.constant 0 : i32
      %cond3A_52 = arith.cmpi ne, %convert_element_type3A_50, %cond3A_51 : i32
      scf.if %cond3A_52 {
        "tpu.region"() ({
          %run_scoped3A = tpu.sem_alloc : memref<!tpu.dma_semaphore, #tpu.memory_space<semaphore_mem>>
          %dma_start3A_58 = arith.constant 0 : i32
          %dma_start3A_59 = tpu.memref_slice %arg16[%mul3A_2, %dma_start3A_58] : memref<10240x128xf32, #tpu.memory_space<vmem_shared>> -> memref<640x128xf32, #tpu.memory_space<vmem_shared>>
          %dma_start3A_60 = arith.constant 0 : i32
          %dma_start3A_61 = tpu.memref_slice %arg2[%mul3A_2, %dma_start3A_60] : memref<10000x128xf32, #tpu.memory_space<hbm>> -> memref<640x128xf32, #tpu.memory_space<hbm>>
          tpu.enqueue_dma source(%dma_start3A_61 : memref<640x128xf32, #tpu.memory_space<hbm>>) target(%dma_start3A_59 : memref<640x128xf32, #tpu.memory_space<vmem_shared>>) target_semaphore(%run_scoped3A : memref<!tpu.dma_semaphore, #tpu.memory_space<semaphore_mem>>)
          %dma_wait3A_62 = arith.constant 0 : i32
          %dma_wait3A_63 = tpu.memref_slice %arg16[%mul3A_2, %dma_wait3A_62] : memref<10240x128xf32, #tpu.memory_space<vmem_shared>> -> memref<640x128xf32, #tpu.memory_space<vmem_shared>>
          %dma_wait3A_64 = arith.constant 0 : i32
          %dma_wait3A_65 = tpu.memref_slice %arg2[%mul3A_2, %dma_wait3A_64] : memref<10000x128xf32, #tpu.memory_space<hbm>> -> memref<640x128xf32, #tpu.memory_space<hbm>>
          tpu.wait_dma2 semaphore(%run_scoped3A : memref<!tpu.dma_semaphore, #tpu.memory_space<semaphore_mem>>) src(%dma_wait3A_65 : memref<640x128xf32, #tpu.memory_space<hbm>>) dst(%dma_wait3A_63 : memref<640x128xf32, #tpu.memory_space<vmem_shared>>)
          tpu.yield
        }) : () -> ()
      } else {
      }
      %eq3A_53 = arith.constant 15 : i32
      %eq3A_54 = arith.cmpi eq, %arg1, %eq3A_53 : i32
      %convert_element_type3A_55 = arith.extui %eq3A_54 : i1 to i32
      %cond3A_56 = arith.constant 0 : i32
      %cond3A_57 = arith.cmpi ne, %convert_element_type3A_55, %cond3A_56 : i32
      scf.if %cond3A_57 {
        "tpu.region"() ({
          %run_scoped3A = tpu.sem_alloc : memref<!tpu.dma_semaphore, #tpu.memory_space<semaphore_mem>>
          %dma_start3A_60 = arith.constant 0 : i32
          %dma_start3A_61 = tpu.memref_slice %arg16[%mul3A_2, %dma_start3A_60] : memref<10240x128xf32, #tpu.memory_space<vmem_shared>> -> memref<400x128xf32, #tpu.memory_space<vmem_shared>>
          %dma_start3A_62 = arith.constant 0 : i32
          %dma_start3A_63 = tpu.memref_slice %arg2[%mul3A_2, %dma_start3A_62] : memref<10000x128xf32, #tpu.memory_space<hbm>> -> memref<400x128xf32, #tpu.memory_space<hbm>>
          tpu.enqueue_dma source(%dma_start3A_63 : memref<400x128xf32, #tpu.memory_space<hbm>>) target(%dma_start3A_61 : memref<400x128xf32, #tpu.memory_space<vmem_shared>>) target_semaphore(%run_scoped3A : memref<!tpu.dma_semaphore, #tpu.memory_space<semaphore_mem>>)
          %dma_wait3A_64 = arith.constant 0 : i32
          %dma_wait3A_65 = tpu.memref_slice %arg16[%mul3A_2, %dma_wait3A_64] : memref<10240x128xf32, #tpu.memory_space<vmem_shared>> -> memref<400x128xf32, #tpu.memory_space<vmem_shared>>
          %dma_wait3A_66 = arith.constant 0 : i32
          %dma_wait3A_67 = tpu.memref_slice %arg2[%mul3A_2, %dma_wait3A_66] : memref<10000x128xf32, #tpu.memory_space<hbm>> -> memref<400x128xf32, #tpu.memory_space<hbm>>
          tpu.wait_dma2 semaphore(%run_scoped3A : memref<!tpu.dma_semaphore, #tpu.memory_space<semaphore_mem>>) src(%dma_wait3A_67 : memref<400x128xf32, #tpu.memory_space<hbm>>) dst(%dma_wait3A_65 : memref<400x128xf32, #tpu.memory_space<vmem_shared>>)
          tpu.yield
        }) : () -> ()
        %add3A_58 = arith.constant 400 : i32
        %add3A_59 = arith.addi %mul3A_2, %add3A_58 : i32
        "tpu.region"() ({
          %run_scoped3A = tpu.sem_alloc : memref<!tpu.dma_semaphore, #tpu.memory_space<semaphore_mem>>
          %dma_start3A_60 = arith.constant 0 : i32
          %dma_start3A_61 = tpu.memref_slice %arg16[%add3A_59, %dma_start3A_60] : memref<10240x128xf32, #tpu.memory_space<vmem_shared>> -> memref<240x128xf32, #tpu.memory_space<vmem_shared>>
          %dma_start3A_62 = arith.constant 0 : i32
          %dma_start3A_63 = arith.constant 0 : i32
          %dma_start3A_64 = tpu.memref_slice %arg5[%dma_start3A_62, %dma_start3A_63] : memref<640x128xf32, #tpu.memory_space<hbm>> -> memref<240x128xf32, #tpu.memory_space<hbm>>
          tpu.enqueue_dma source(%dma_start3A_64 : memref<240x128xf32, #tpu.memory_space<hbm>>) target(%dma_start3A_61 : memref<240x128xf32, #tpu.memory_space<vmem_shared>>) target_semaphore(%run_scoped3A : memref<!tpu.dma_semaphore, #tpu.memory_space<semaphore_mem>>)
          %dma_wait3A_65 = arith.constant 0 : i32
          %dma_wait3A_66 = tpu.memref_slice %arg16[%add3A_59, %dma_wait3A_65] : memref<10240x128xf32, #tpu.memory_space<vmem_shared>> -> memref<240x128xf32, #tpu.memory_space<vmem_shared>>
          %dma_wait3A_67 = arith.constant 0 : i32
          %dma_wait3A_68 = arith.constant 0 : i32
          %dma_wait3A_69 = tpu.memref_slice %arg5[%dma_wait3A_67, %dma_wait3A_68] : memref<640x128xf32, #tpu.memory_space<hbm>> -> memref<240x128xf32, #tpu.memory_space<hbm>>
          tpu.wait_dma2 semaphore(%run_scoped3A : memref<!tpu.dma_semaphore, #tpu.memory_space<semaphore_mem>>) src(%dma_wait3A_69 : memref<240x128xf32, #tpu.memory_space<hbm>>) dst(%dma_wait3A_66 : memref<240x128xf32, #tpu.memory_space<vmem_shared>>)
          tpu.yield
        }) : () -> ()
      } else {
      }
    } else {
    }
    %eq3A_7 = arith.constant 1 : i32
    %eq3A_8 = arith.cmpi eq, %arg0, %eq3A_7 : i32
    %convert_element_type3A_9 = arith.extui %eq3A_8 : i1 to i32
    %cond3A_10 = arith.constant 0 : i32
    %cond3A_11 = arith.cmpi ne, %convert_element_type3A_9, %cond3A_10 : i32
    scf.if %cond3A_11 {
      "tpu.region"() ({
        %run_scoped3A = tpu.sem_alloc : memref<!tpu.dma_semaphore, #tpu.memory_space<semaphore_mem>>
        %dma_start3A_49 = arith.constant 0 : i32
        %dma_start3A_50 = tpu.memref_slice %arg16[%mul3A_2, %dma_start3A_49] : memref<10240x128xf32, #tpu.memory_space<vmem_shared>> -> memref<640x128xf32, #tpu.memory_space<vmem_shared>>
        tpu.enqueue_dma source(%arg5 : memref<640x128xf32, #tpu.memory_space<hbm>>) target(%dma_start3A_50 : memref<640x128xf32, #tpu.memory_space<vmem_shared>>) target_semaphore(%run_scoped3A : memref<!tpu.dma_semaphore, #tpu.memory_space<semaphore_mem>>)
        %dma_wait3A_51 = arith.constant 0 : i32
        %dma_wait3A_52 = tpu.memref_slice %arg16[%mul3A_2, %dma_wait3A_51] : memref<10240x128xf32, #tpu.memory_space<vmem_shared>> -> memref<640x128xf32, #tpu.memory_space<vmem_shared>>
        tpu.wait_dma2 semaphore(%run_scoped3A : memref<!tpu.dma_semaphore, #tpu.memory_space<semaphore_mem>>) src(%arg5 : memref<640x128xf32, #tpu.memory_space<hbm>>) dst(%dma_wait3A_52 : memref<640x128xf32, #tpu.memory_space<vmem_shared>>)
        tpu.yield
      }) : () -> ()
    } else {
    }
    %add3A_12 = arith.constant 0 : i32
    %add3A_13 = arith.addi %mul3A_4, %add3A_12 : i32
    %dma_start3A = tpu.memref_slice %arg3[%add3A_13] : memref<320000xi32, #tpu.memory_space<hbm>> -> memref<128xi32, #tpu.memory_space<hbm>>
    %dma_start3A_14 = tpu.memref_slice %arg3[%add3A_13] : memref<320000xi32, #tpu.memory_space<hbm>> -> memref<128xi32, #tpu.memory_space<hbm>>
    tpu.enqueue_dma source(%dma_start3A_14 : memref<128xi32, #tpu.memory_space<hbm>>) target(%arg7 : memref<128xi32, #tpu.memory_space<vmem>>) target_semaphore(%arg17 : memref<!tpu.dma_semaphore, #tpu.memory_space<semaphore_mem>>)
    %add3A_15 = arith.constant 0 : i32
    %add3A_16 = arith.addi %mul3A_4, %add3A_15 : i32
    %dma_start3A_17 = tpu.memref_slice %arg4[%add3A_16] : memref<320000xi32, #tpu.memory_space<hbm>> -> memref<128xi32, #tpu.memory_space<hbm>>
    %dma_start3A_18 = tpu.memref_slice %arg4[%add3A_16] : memref<320000xi32, #tpu.memory_space<hbm>> -> memref<128xi32, #tpu.memory_space<hbm>>
    tpu.enqueue_dma source(%dma_start3A_18 : memref<128xi32, #tpu.memory_space<hbm>>) target(%arg8 : memref<128xi32, #tpu.memory_space<vmem>>) target_semaphore(%arg17 : memref<!tpu.dma_semaphore, #tpu.memory_space<semaphore_mem>>)
    %add3A_19 = arith.constant 128 : i32
    %add3A_20 = arith.addi %mul3A_4, %add3A_19 : i32
    %dma_start3A_21 = tpu.memref_slice %arg3[%add3A_20] : memref<320000xi32, #tpu.memory_space<hbm>> -> memref<128xi32, #tpu.memory_space<hbm>>
    %dma_start3A_22 = tpu.memref_slice %arg3[%add3A_20] : memref<320000xi32, #tpu.memory_space<hbm>> -> memref<128xi32, #tpu.memory_space<hbm>>
    tpu.enqueue_dma source(%dma_start3A_22 : memref<128xi32, #tpu.memory_space<hbm>>) target(%arg9 : memref<128xi32, #tpu.memory_space<vmem>>) target_semaphore(%arg18 : memref<!tpu.dma_semaphore, #tpu.memory_space<semaphore_mem>>)
    %add3A_23 = arith.constant 128 : i32
    %add3A_24 = arith.addi %mul3A_4, %add3A_23 : i32
    %dma_start3A_25 = tpu.memref_slice %arg4[%add3A_24] : memref<320000xi32, #tpu.memory_space<hbm>> -> memref<128xi32, #tpu.memory_space<hbm>>
    %dma_start3A_26 = tpu.memref_slice %arg4[%add3A_24] : memref<320000xi32, #tpu.memory_space<hbm>> -> memref<128xi32, #tpu.memory_space<hbm>>
    tpu.enqueue_dma source(%dma_start3A_26 : memref<128xi32, #tpu.memory_space<hbm>>) target(%arg10 : memref<128xi32, #tpu.memory_space<vmem>>) target_semaphore(%arg18 : memref<!tpu.dma_semaphore, #tpu.memory_space<semaphore_mem>>)
    %dma_wait3A = tpu.memref_slice %arg3[%mul3A_4] : memref<320000xi32, #tpu.memory_space<hbm>> -> memref<128xi32, #tpu.memory_space<hbm>>
    %dma_wait3A_27 = tpu.memref_slice %arg3[%mul3A_4] : memref<320000xi32, #tpu.memory_space<hbm>> -> memref<128xi32, #tpu.memory_space<hbm>>
    tpu.wait_dma2 semaphore(%arg17 : memref<!tpu.dma_semaphore, #tpu.memory_space<semaphore_mem>>) src(%dma_wait3A_27 : memref<128xi32, #tpu.memory_space<hbm>>) dst(%arg7 : memref<128xi32, #tpu.memory_space<vmem>>)
    %dma_wait3A_28 = tpu.memref_slice %arg3[%mul3A_4] : memref<320000xi32, #tpu.memory_space<hbm>> -> memref<128xi32, #tpu.memory_space<hbm>>
    %dma_wait3A_29 = tpu.memref_slice %arg3[%mul3A_4] : memref<320000xi32, #tpu.memory_space<hbm>> -> memref<128xi32, #tpu.memory_space<hbm>>
    tpu.wait_dma2 semaphore(%arg17 : memref<!tpu.dma_semaphore, #tpu.memory_space<semaphore_mem>>) src(%dma_wait3A_29 : memref<128xi32, #tpu.memory_space<hbm>>) dst(%arg8 : memref<128xi32, #tpu.memory_space<vmem>>)
    %dma_start3A_30 = arith.constant 0 : i32
    %dma_start3A_31 = arith.constant 0 : i32
    %dma_start3A_32 = tpu.memref_slice %arg2[%dma_start3A_30, %dma_start3A_31] : memref<10000x128xf32, #tpu.memory_space<hbm>> -> memref<10000x128xf32, #tpu.memory_space<hbm>>
    tpu.enqueue_indirect_dma source(%dma_start3A_32 : memref<10000x128xf32, #tpu.memory_space<hbm>>) target(%arg11 : memref<128x128xf32, #tpu.memory_space<vmem>>) offsets(%arg7 : memref<128xi32, #tpu.memory_space<vmem>>) semaphore(%arg19 : memref<!tpu.dma_semaphore, #tpu.memory_space<semaphore_mem>>)
    %barrier3A = arith.constant 0 : index
    tpu.barrier barrier_id(%barrier3A)
    %scan3A = arith.constant 0 : i32
    %scan3A_33 = arith.constant 0 : i32
    %scan3A_34 = arith.constant 39 : i32
    %scan3A_35 = arith.addi %scan3A_33, %scan3A_34 : i32
    %scan3A_36 = arith.constant 1 : i32
    scf.for %scan3A_49 = %scan3A_33 to %scan3A_35 step %scan3A_36  : i32 {
      %mul3A_50 = arith.constant 2 : i32
      %mul3A_51 = arith.muli %mul3A_50, %scan3A_49 : i32
      %dma_wait3A_52 = tpu.memref_slice %arg3[%mul3A_4] : memref<320000xi32, #tpu.memory_space<hbm>> -> memref<128xi32, #tpu.memory_space<hbm>>
      %dma_wait3A_53 = tpu.memref_slice %arg3[%mul3A_4] : memref<320000xi32, #tpu.memory_space<hbm>> -> memref<128xi32, #tpu.memory_space<hbm>>
      tpu.wait_dma2 semaphore(%arg18 : memref<!tpu.dma_semaphore, #tpu.memory_space<semaphore_mem>>) src(%dma_wait3A_53 : memref<128xi32, #tpu.memory_space<hbm>>) dst(%arg9 : memref<128xi32, #tpu.memory_space<vmem>>)
      %dma_wait3A_54 = tpu.memref_slice %arg3[%mul3A_4] : memref<320000xi32, #tpu.memory_space<hbm>> -> memref<128xi32, #tpu.memory_space<hbm>>
      %dma_wait3A_55 = tpu.memref_slice %arg3[%mul3A_4] : memref<320000xi32, #tpu.memory_space<hbm>> -> memref<128xi32, #tpu.memory_space<hbm>>
      tpu.wait_dma2 semaphore(%arg18 : memref<!tpu.dma_semaphore, #tpu.memory_space<semaphore_mem>>) src(%dma_wait3A_55 : memref<128xi32, #tpu.memory_space<hbm>>) dst(%arg10 : memref<128xi32, #tpu.memory_space<vmem>>)
      %dma_start3A_56 = arith.constant 0 : i32
      %dma_start3A_57 = arith.constant 0 : i32
      %dma_start3A_58 = tpu.memref_slice %arg2[%dma_start3A_56, %dma_start3A_57] : memref<10000x128xf32, #tpu.memory_space<hbm>> -> memref<10000x128xf32, #tpu.memory_space<hbm>>
      tpu.enqueue_indirect_dma source(%dma_start3A_58 : memref<10000x128xf32, #tpu.memory_space<hbm>>) target(%arg12 : memref<128x128xf32, #tpu.memory_space<vmem>>) offsets(%arg9 : memref<128xi32, #tpu.memory_space<vmem>>) semaphore(%arg20 : memref<!tpu.dma_semaphore, #tpu.memory_space<semaphore_mem>>)
      %dma_wait3A_59 = arith.constant 0 : i32
      %dma_wait3A_60 = arith.constant 0 : i32
      %dma_wait3A_61 = tpu.memref_slice %arg2[%dma_wait3A_59, %dma_wait3A_60] : memref<10000x128xf32, #tpu.memory_space<hbm>> -> memref<10000x128xf32, #tpu.memory_space<hbm>>
      tpu.wait_indirect_dma semaphore(%arg19 : memref<!tpu.dma_semaphore, #tpu.memory_space<semaphore_mem>>) src(%dma_wait3A_61 : memref<10000x128xf32, #tpu.memory_space<hbm>>) dst(%arg11 : memref<128x128xf32, #tpu.memory_space<vmem>>)
      "tpu.region"() ({
        %run_scoped3A = tpu.sem_alloc : memref<!tpu.dma_semaphore, #tpu.memory_space<semaphore_mem>>
        %dma_start3A_78 = arith.constant 0 : i32
        %dma_start3A_79 = arith.constant 0 : i32
        %dma_start3A_80 = tpu.memref_slice %arg16[%dma_start3A_78, %dma_start3A_79] : memref<10240x128xf32, #tpu.memory_space<vmem_shared>> -> memref<10240x128xf32, #tpu.memory_space<vmem_shared>>
        tpu.enqueue_indirect_dma source(%arg11 : memref<128x128xf32, #tpu.memory_space<vmem>>) target(%dma_start3A_80 : memref<10240x128xf32, #tpu.memory_space<vmem_shared>>) offsets(%arg8 : memref<128xi32, #tpu.memory_space<vmem>>) semaphore(%run_scoped3A : memref<!tpu.dma_semaphore, #tpu.memory_space<semaphore_mem>>) {add = true}
        %dma_wait3A_81 = arith.constant 0 : i32
        %dma_wait3A_82 = arith.constant 0 : i32
        %dma_wait3A_83 = tpu.memref_slice %arg16[%dma_wait3A_81, %dma_wait3A_82] : memref<10240x128xf32, #tpu.memory_space<vmem_shared>> -> memref<10240x128xf32, #tpu.memory_space<vmem_shared>>
        tpu.wait_indirect_dma semaphore(%run_scoped3A : memref<!tpu.dma_semaphore, #tpu.memory_space<semaphore_mem>>) src(%arg11 : memref<128x128xf32, #tpu.memory_space<vmem>>) dst(%dma_wait3A_83 : memref<10240x128xf32, #tpu.memory_space<vmem_shared>>)
        tpu.yield
      }) : () -> ()
      %add3A_62 = arith.constant 2 : i32
      %add3A_63 = arith.addi %mul3A_51, %add3A_62 : i32
      %lt3A = arith.constant 78 : i32
      %lt3A_64 = arith.cmpi slt, %add3A_63, %lt3A : i32
      %convert_element_type3A_65 = arith.extui %lt3A_64 : i1 to i32
      %cond3A_66 = arith.constant 0 : i32
      %cond3A_67 = arith.cmpi ne, %convert_element_type3A_65, %cond3A_66 : i32
      scf.if %cond3A_67 {
        %add3A_78 = arith.constant 2 : i32
        %add3A_79 = arith.addi %mul3A_51, %add3A_78 : i32
        %mul3A_80 = arith.constant 128 : i32
        %mul3A_81 = arith.muli %add3A_79, %mul3A_80 : i32
        %add3A_82 = arith.addi %mul3A_4, %mul3A_81 : i32
        %dma_start3A_83 = tpu.memref_slice %arg3[%add3A_82] : memref<320000xi32, #tpu.memory_space<hbm>> -> memref<128xi32, #tpu.memory_space<hbm>>
        %dma_start3A_84 = tpu.memref_slice %arg3[%add3A_82] : memref<320000xi32, #tpu.memory_space<hbm>> -> memref<128xi32, #tpu.memory_space<hbm>>
        tpu.enqueue_dma source(%dma_start3A_84 : memref<128xi32, #tpu.memory_space<hbm>>) target(%arg7 : memref<128xi32, #tpu.memory_space<vmem>>) target_semaphore(%arg17 : memref<!tpu.dma_semaphore, #tpu.memory_space<semaphore_mem>>)
        %mul3A_85 = arith.constant 128 : i32
        %mul3A_86 = arith.muli %add3A_79, %mul3A_85 : i32
        %add3A_87 = arith.addi %mul3A_4, %mul3A_86 : i32
        %dma_start3A_88 = tpu.memref_slice %arg4[%add3A_87] : memref<320000xi32, #tpu.memory_space<hbm>> -> memref<128xi32, #tpu.memory_space<hbm>>
        %dma_start3A_89 = tpu.memref_slice %arg4[%add3A_87] : memref<320000xi32, #tpu.memory_space<hbm>> -> memref<128xi32, #tpu.memory_space<hbm>>
        tpu.enqueue_dma source(%dma_start3A_89 : memref<128xi32, #tpu.memory_space<hbm>>) target(%arg8 : memref<128xi32, #tpu.memory_space<vmem>>) target_semaphore(%arg17 : memref<!tpu.dma_semaphore, #tpu.memory_space<semaphore_mem>>)
        %dma_wait3A_90 = tpu.memref_slice %arg3[%mul3A_4] : memref<320000xi32, #tpu.memory_space<hbm>> -> memref<128xi32, #tpu.memory_space<hbm>>
        %dma_wait3A_91 = tpu.memref_slice %arg3[%mul3A_4] : memref<320000xi32, #tpu.memory_space<hbm>> -> memref<128xi32, #tpu.memory_space<hbm>>
        tpu.wait_dma2 semaphore(%arg17 : memref<!tpu.dma_semaphore, #tpu.memory_space<semaphore_mem>>) src(%dma_wait3A_91 : memref<128xi32, #tpu.memory_space<hbm>>) dst(%arg7 : memref<128xi32, #tpu.memory_space<vmem>>)
        %dma_wait3A_92 = tpu.memref_slice %arg3[%mul3A_4] : memref<320000xi32, #tpu.memory_space<hbm>> -> memref<128xi32, #tpu.memory_space<hbm>>
        %dma_wait3A_93 = tpu.memref_slice %arg3[%mul3A_4] : memref<320000xi32, #tpu.memory_space<hbm>> -> memref<128xi32, #tpu.memory_space<hbm>>
        tpu.wait_dma2 semaphore(%arg17 : memref<!tpu.dma_semaphore, #tpu.memory_space<semaphore_mem>>) src(%dma_wait3A_93 : memref<128xi32, #tpu.memory_space<hbm>>) dst(%arg8 : memref<128xi32, #tpu.memory_space<vmem>>)
        %dma_start3A_94 = arith.constant 0 : i32
        %dma_start3A_95 = arith.constant 0 : i32
        %dma_start3A_96 = tpu.memref_slice %arg2[%dma_start3A_94, %dma_start3A_95] : memref<10000x128xf32, #tpu.memory_space<hbm>> -> memref<10000x128xf32, #tpu.memory_space<hbm>>
        tpu.enqueue_indirect_dma source(%dma_start3A_96 : memref<10000x128xf32, #tpu.memory_space<hbm>>) target(%arg11 : memref<128x128xf32, #tpu.memory_space<vmem>>) offsets(%arg7 : memref<128xi32, #tpu.memory_space<vmem>>) semaphore(%arg19 : memref<!tpu.dma_semaphore, #tpu.memory_space<semaphore_mem>>)
      } else {
      }
      %dma_wait3A_68 = arith.constant 0 : i32
      %dma_wait3A_69 = arith.constant 0 : i32
      %dma_wait3A_70 = tpu.memref_slice %arg2[%dma_wait3A_68, %dma_wait3A_69] : memref<10000x128xf32, #tpu.memory_space<hbm>> -> memref<10000x128xf32, #tpu.memory_space<hbm>>
      tpu.wait_indirect_dma semaphore(%arg20 : memref<!tpu.dma_semaphore, #tpu.memory_space<semaphore_mem>>) src(%dma_wait3A_70 : memref<10000x128xf32, #tpu.memory_space<hbm>>) dst(%arg12 : memref<128x128xf32, #tpu.memory_space<vmem>>)
      "tpu.region"() ({
        %run_scoped3A = tpu.sem_alloc : memref<!tpu.dma_semaphore, #tpu.memory_space<semaphore_mem>>
        %dma_start3A_78 = arith.constant 0 : i32
        %dma_start3A_79 = arith.constant 0 : i32
        %dma_start3A_80 = tpu.memref_slice %arg16[%dma_start3A_78, %dma_start3A_79] : memref<10240x128xf32, #tpu.memory_space<vmem_shared>> -> memref<10240x128xf32, #tpu.memory_space<vmem_shared>>
        tpu.enqueue_indirect_dma source(%arg12 : memref<128x128xf32, #tpu.memory_space<vmem>>) target(%dma_start3A_80 : memref<10240x128xf32, #tpu.memory_space<vmem_shared>>) offsets(%arg10 : memref<128xi32, #tpu.memory_space<vmem>>) semaphore(%run_scoped3A : memref<!tpu.dma_semaphore, #tpu.memory_space<semaphore_mem>>) {add = true}
        %dma_wait3A_81 = arith.constant 0 : i32
        %dma_wait3A_82 = arith.constant 0 : i32
        %dma_wait3A_83 = tpu.memref_slice %arg16[%dma_wait3A_81, %dma_wait3A_82] : memref<10240x128xf32, #tpu.memory_space<vmem_shared>> -> memref<10240x128xf32, #tpu.memory_space<vmem_shared>>
        tpu.wait_indirect_dma semaphore(%run_scoped3A : memref<!tpu.dma_semaphore, #tpu.memory_space<semaphore_mem>>) src(%arg12 : memref<128x128xf32, #tpu.memory_space<vmem>>) dst(%dma_wait3A_83 : memref<10240x128xf32, #tpu.memory_space<vmem_shared>>)
        tpu.yield
      }) : () -> ()
      %add3A_71 = arith.constant 3 : i32
      %add3A_72 = arith.addi %mul3A_51, %add3A_71 : i32
      %lt3A_73 = arith.constant 78 : i32
      %lt3A_74 = arith.cmpi slt, %add3A_72, %lt3A_73 : i32
      %convert_element_type3A_75 = arith.extui %lt3A_74 : i1 to i32
      %cond3A_76 = arith.constant 0 : i32
      %cond3A_77 = arith.cmpi ne, %convert_element_type3A_75, %cond3A_76 : i32
      scf.if %cond3A_77 {
        %add3A_78 = arith.constant 3 : i32
        %add3A_79 = arith.addi %mul3A_51, %add3A_78 : i32
        %mul3A_80 = arith.constant 128 : i32
        %mul3A_81 = arith.muli %add3A_79, %mul3A_80 : i32
        %add3A_82 = arith.addi %mul3A_4, %mul3A_81 : i32
        %dma_start3A_83 = tpu.memref_slice %arg3[%add3A_82] : memref<320000xi32, #tpu.memory_space<hbm>> -> memref<128xi32, #tpu.memory_space<hbm>>
        %dma_start3A_84 = tpu.memref_slice %arg3[%add3A_82] : memref<320000xi32, #tpu.memory_space<hbm>> -> memref<128xi32, #tpu.memory_space<hbm>>
        tpu.enqueue_dma source(%dma_start3A_84 : memref<128xi32, #tpu.memory_space<hbm>>) target(%arg9 : memref<128xi32, #tpu.memory_space<vmem>>) target_semaphore(%arg18 : memref<!tpu.dma_semaphore, #tpu.memory_space<semaphore_mem>>)
        %mul3A_85 = arith.constant 128 : i32
        %mul3A_86 = arith.muli %add3A_79, %mul3A_85 : i32
        %add3A_87 = arith.addi %mul3A_4, %mul3A_86 : i32
        %dma_start3A_88 = tpu.memref_slice %arg4[%add3A_87] : memref<320000xi32, #tpu.memory_space<hbm>> -> memref<128xi32, #tpu.memory_space<hbm>>
        %dma_start3A_89 = tpu.memref_slice %arg4[%add3A_87] : memref<320000xi32, #tpu.memory_space<hbm>> -> memref<128xi32, #tpu.memory_space<hbm>>
        tpu.enqueue_dma source(%dma_start3A_89 : memref<128xi32, #tpu.memory_space<hbm>>) target(%arg10 : memref<128xi32, #tpu.memory_space<vmem>>) target_semaphore(%arg18 : memref<!tpu.dma_semaphore, #tpu.memory_space<semaphore_mem>>)
      } else {
      }
    }
    %scan3A_37 = arith.constant 39 : i32
    %add3A_38 = arith.constant 9984 : i32
    %add3A_39 = arith.addi %mul3A_4, %add3A_38 : i32
    "tpu.region"() ({
      %run_scoped3A = tpu.sem_alloc : memref<!tpu.dma_semaphore, #tpu.memory_space<semaphore_mem>>
      %dma_start3A_49 = tpu.memref_slice %arg3[%add3A_39] : memref<320000xi32, #tpu.memory_space<hbm>> -> memref<16xi32, #tpu.memory_space<hbm>>
      %dma_start3A_50 = tpu.memref_slice %arg3[%add3A_39] : memref<320000xi32, #tpu.memory_space<hbm>> -> memref<16xi32, #tpu.memory_space<hbm>>
      tpu.enqueue_dma source(%dma_start3A_50 : memref<16xi32, #tpu.memory_space<hbm>>) target(%arg13 : memref<16xi32, #tpu.memory_space<vmem>>) target_semaphore(%run_scoped3A : memref<!tpu.dma_semaphore, #tpu.memory_space<semaphore_mem>>)
      %dma_wait3A_51 = tpu.memref_slice %arg3[%add3A_39] : memref<320000xi32, #tpu.memory_space<hbm>> -> memref<16xi32, #tpu.memory_space<hbm>>
      %dma_wait3A_52 = tpu.memref_slice %arg3[%add3A_39] : memref<320000xi32, #tpu.memory_space<hbm>> -> memref<16xi32, #tpu.memory_space<hbm>>
      tpu.wait_dma2 semaphore(%run_scoped3A : memref<!tpu.dma_semaphore, #tpu.memory_space<semaphore_mem>>) src(%dma_wait3A_52 : memref<16xi32, #tpu.memory_space<hbm>>) dst(%arg13 : memref<16xi32, #tpu.memory_space<vmem>>)
      tpu.yield
    }) : () -> ()
    %add3A_40 = arith.constant 9984 : i32
    %add3A_41 = arith.addi %mul3A_4, %add3A_40 : i32
    "tpu.region"() ({
      %run_scoped3A = tpu.sem_alloc : memref<!tpu.dma_semaphore, #tpu.memory_space<semaphore_mem>>
      %dma_start3A_49 = tpu.memref_slice %arg4[%add3A_41] : memref<320000xi32, #tpu.memory_space<hbm>> -> memref<16xi32, #tpu.memory_space<hbm>>
      %dma_start3A_50 = tpu.memref_slice %arg4[%add3A_41] : memref<320000xi32, #tpu.memory_space<hbm>> -> memref<16xi32, #tpu.memory_space<hbm>>
      tpu.enqueue_dma source(%dma_start3A_50 : memref<16xi32, #tpu.memory_space<hbm>>) target(%arg14 : memref<16xi32, #tpu.memory_space<vmem>>) target_semaphore(%run_scoped3A : memref<!tpu.dma_semaphore, #tpu.memory_space<semaphore_mem>>)
      %dma_wait3A_51 = tpu.memref_slice %arg4[%add3A_41] : memref<320000xi32, #tpu.memory_space<hbm>> -> memref<16xi32, #tpu.memory_space<hbm>>
      %dma_wait3A_52 = tpu.memref_slice %arg4[%add3A_41] : memref<320000xi32, #tpu.memory_space<hbm>> -> memref<16xi32, #tpu.memory_space<hbm>>
      tpu.wait_dma2 semaphore(%run_scoped3A : memref<!tpu.dma_semaphore, #tpu.memory_space<semaphore_mem>>) src(%dma_wait3A_52 : memref<16xi32, #tpu.memory_space<hbm>>) dst(%arg14 : memref<16xi32, #tpu.memory_space<vmem>>)
      tpu.yield
    }) : () -> ()
    %dma_start3A_42 = arith.constant 0 : i32
    %dma_start3A_43 = arith.constant 0 : i32
    %dma_start3A_44 = tpu.memref_slice %arg2[%dma_start3A_42, %dma_start3A_43] : memref<10000x128xf32, #tpu.memory_space<hbm>> -> memref<10000x128xf32, #tpu.memory_space<hbm>>
    tpu.enqueue_indirect_dma source(%dma_start3A_44 : memref<10000x128xf32, #tpu.memory_space<hbm>>) target(%arg15 : memref<16x128xf32, #tpu.memory_space<vmem>>) offsets(%arg13 : memref<16xi32, #tpu.memory_space<vmem>>) semaphore(%arg19 : memref<!tpu.dma_semaphore, #tpu.memory_space<semaphore_mem>>)
    %dma_wait3A_45 = arith.constant 0 : i32
    %dma_wait3A_46 = arith.constant 0 : i32
    %dma_wait3A_47 = tpu.memref_slice %arg2[%dma_wait3A_45, %dma_wait3A_46] : memref<10000x128xf32, #tpu.memory_space<hbm>> -> memref<10000x128xf32, #tpu.memory_space<hbm>>
    tpu.wait_indirect_dma semaphore(%arg19 : memref<!tpu.dma_semaphore, #tpu.memory_space<semaphore_mem>>) src(%dma_wait3A_47 : memref<10000x128xf32, #tpu.memory_space<hbm>>) dst(%arg15 : memref<16x128xf32, #tpu.memory_space<vmem>>)
    "tpu.region"() ({
      %run_scoped3A = tpu.sem_alloc : memref<!tpu.dma_semaphore, #tpu.memory_space<semaphore_mem>>
      %dma_start3A_49 = arith.constant 0 : i32
      %dma_start3A_50 = arith.constant 0 : i32
      %dma_start3A_51 = tpu.memref_slice %arg16[%dma_start3A_49, %dma_start3A_50] : memref<10240x128xf32, #tpu.memory_space<vmem_shared>> -> memref<10240x128xf32, #tpu.memory_space<vmem_shared>>
      tpu.enqueue_indirect_dma source(%arg15 : memref<16x128xf32, #tpu.memory_space<vmem>>) target(%dma_start3A_51 : memref<10240x128xf32, #tpu.memory_space<vmem_shared>>) offsets(%arg14 : memref<16xi32, #tpu.memory_space<vmem>>) semaphore(%run_scoped3A : memref<!tpu.dma_semaphore, #tpu.memory_space<semaphore_mem>>) {add = true}
      %dma_wait3A_52 = arith.constant 0 : i32
      %dma_wait3A_53 = arith.constant 0 : i32
      %dma_wait3A_54 = tpu.memref_slice %arg16[%dma_wait3A_52, %dma_wait3A_53] : memref<10240x128xf32, #tpu.memory_space<vmem_shared>> -> memref<10240x128xf32, #tpu.memory_space<vmem_shared>>
      tpu.wait_indirect_dma semaphore(%run_scoped3A : memref<!tpu.dma_semaphore, #tpu.memory_space<semaphore_mem>>) src(%arg15 : memref<16x128xf32, #tpu.memory_space<vmem>>) dst(%dma_wait3A_54 : memref<10240x128xf32, #tpu.memory_space<vmem_shared>>)
      tpu.yield
    }) : () -> ()
    %barrier3A_48 = arith.constant 0 : index
    tpu.barrier barrier_id(%barrier3A_48)
    "tpu.region"() ({
      %run_scoped3A = tpu.sem_alloc : memref<!tpu.dma_semaphore, #tpu.memory_space<semaphore_mem>>
      %dma_start3A_49 = arith.constant 0 : i32
      %dma_start3A_50 = tpu.memref_slice %arg6[%arg0, %mul3A_2, %dma_start3A_49] : memref<2x10240x128xf32, #tpu.memory_space<hbm>> -> memref<1x640x128xf32, #tpu.memory_space<hbm>>
      %dma_start3A_51 = tpu.memref_squeeze %dma_start3A_50 : memref<1x640x128xf32, #tpu.memory_space<hbm>> -> memref<640x128xf32, #tpu.memory_space<hbm>>
      %dma_start3A_52 = arith.constant 0 : i32
      %dma_start3A_53 = tpu.memref_slice %arg16[%mul3A_2, %dma_start3A_52] : memref<10240x128xf32, #tpu.memory_space<vmem_shared>> -> memref<640x128xf32, #tpu.memory_space<vmem_shared>>
      tpu.enqueue_dma source(%dma_start3A_53 : memref<640x128xf32, #tpu.memory_space<vmem_shared>>) target(%dma_start3A_51 : memref<640x128xf32, #tpu.memory_space<hbm>>) target_semaphore(%run_scoped3A : memref<!tpu.dma_semaphore, #tpu.memory_space<semaphore_mem>>)
      %dma_wait3A_54 = arith.constant 0 : i32
      %dma_wait3A_55 = tpu.memref_slice %arg6[%arg0, %mul3A_2, %dma_wait3A_54] : memref<2x10240x128xf32, #tpu.memory_space<hbm>> -> memref<1x640x128xf32, #tpu.memory_space<hbm>>
      %dma_wait3A_56 = tpu.memref_squeeze %dma_wait3A_55 : memref<1x640x128xf32, #tpu.memory_space<hbm>> -> memref<640x128xf32, #tpu.memory_space<hbm>>
      %dma_wait3A_57 = arith.constant 0 : i32
      %dma_wait3A_58 = tpu.memref_slice %arg16[%mul3A_2, %dma_wait3A_57] : memref<10240x128xf32, #tpu.memory_space<vmem_shared>> -> memref<640x128xf32, #tpu.memory_space<vmem_shared>>
      tpu.wait_dma2 semaphore(%run_scoped3A : memref<!tpu.dma_semaphore, #tpu.memory_space<semaphore_mem>>) src(%dma_wait3A_58 : memref<640x128xf32, #tpu.memory_space<vmem_shared>>) dst(%dma_wait3A_56 : memref<640x128xf32, #tpu.memory_space<hbm>>)
      tpu.yield
    }) : () -> ()
    return
  }
}

#map = affine_map<(d0, d1) -> (0, 0)>
#map1 = affine_map<(d0, d1) -> (0)>
#map2 = affine_map<(d0, d1) -> (0, 0, 0)>
module attributes {stable_mosaic.version = 14 : i64} {
  func.func @_scatter_body(%arg0: i32, %arg1: i32, %arg2: memref<10000x128xf32, #tpu.memory_space<hbm>>, %arg3: memref<320000xi32, #tpu.memory_space<hbm>>, %arg4: memref<320000xi32, #tpu.memory_space<hbm>>, %arg5: memref<640x128xf32, #tpu.memory_space<hbm>>, %arg6: memref<2x10240x128xf32, #tpu.memory_space<hbm>>, %arg7: memref<128xi32, #tpu.memory_space<vmem>>, %arg8: memref<128xi32, #tpu.memory_space<vmem>>, %arg9: memref<128xi32, #tpu.memory_space<vmem>>, %arg10: memref<128xi32, #tpu.memory_space<vmem>>, %arg11: memref<128x128xf32, #tpu.memory_space<vmem>>, %arg12: memref<128x128xf32, #tpu.memory_space<vmem>>, %arg13: memref<16xi32, #tpu.memory_space<vmem>>, %arg14: memref<16xi32, #tpu.memory_space<vmem>>, %arg15: memref<16x128xf32, #tpu.memory_space<vmem>>, %arg16: memref<10240x128xf32, #tpu.memory_space<vmem_shared>>, %arg17: memref<!tpu.dma_semaphore, #tpu.memory_space<semaphore_mem>>, %arg18: memref<!tpu.dma_semaphore, #tpu.memory_space<semaphore_mem>>, %arg19: memref<!tpu.dma_semaphore, #tpu.memory_space<semaphore_mem>>, %arg20: memref<!tpu.dma_semaphore, #tpu.memory_space<semaphore_mem>>) attributes {dimension_semantics = [#tpu.dimension_semantics<core_parallel>, #tpu.dimension_semantics<subcore_parallel>], iteration_bounds = array<i64: 2, 16>, scalar_prefetch = 0 : i64, scratch_operands = 14 : i64, tpu.core_type = #tpu.core_type<sc_vector_subcore>, window_params = [{transform_indices = #map}, {transform_indices = #map1}, {transform_indices = #map1}, {transform_indices = #map}, {transform_indices = #map2}]} {
    %mul3A = arith.constant 16 : i32
    %mul3A_0 = arith.muli %arg0, %mul3A : i32
    %add3A = arith.addi %mul3A_0, %arg1 : i32
    %mul3A_1 = arith.constant 640 : i32
    %mul3A_2 = arith.muli %arg1, %mul3A_1 : i32
    %mul3A_3 = arith.constant 10000 : i32
    %mul3A_4 = arith.muli %add3A, %mul3A_3 : i32
    %eq3A = arith.constant 0 : i32
    %eq3A_5 = arith.cmpi eq, %arg0, %eq3A : i32
    %convert_element_type3A = arith.extui %eq3A_5 : i1 to i32
    %cond3A = arith.constant 0 : i32
    %cond3A_6 = arith.cmpi ne, %convert_element_type3A, %cond3A : i32
    scf.if %cond3A_6 {
      %lt3A = arith.constant 15 : i32
      %lt3A_49 = arith.cmpi slt, %arg1, %lt3A : i32
      %convert_element_type3A_50 = arith.extui %lt3A_49 : i1 to i32
      %cond3A_51 = arith.constant 0 : i32
      %cond3A_52 = arith.cmpi ne, %convert_element_type3A_50, %cond3A_51 : i32
      scf.if %cond3A_52 {
        "tpu.region"() ({
          %run_scoped3A = tpu.sem_alloc : memref<!tpu.dma_semaphore, #tpu.memory_space<semaphore_mem>>
          %dma_start3A_58 = arith.constant 0 : i32
          %dma_start3A_59 = tpu.memref_slice %arg16[%mul3A_2, %dma_start3A_58] : memref<10240x128xf32, #tpu.memory_space<vmem_shared>> -> memref<640x128xf32, #tpu.memory_space<vmem_shared>>
          %dma_start3A_60 = arith.constant 0 : i32
          %dma_start3A_61 = tpu.memref_slice %arg2[%mul3A_2, %dma_start3A_60] : memref<10000x128xf32, #tpu.memory_space<hbm>> -> memref<640x128xf32, #tpu.memory_space<hbm>>
          tpu.enqueue_dma source(%dma_start3A_61 : memref<640x128xf32, #tpu.memory_space<hbm>>) target(%dma_start3A_59 : memref<640x128xf32, #tpu.memory_space<vmem_shared>>) target_semaphore(%run_scoped3A : memref<!tpu.dma_semaphore, #tpu.memory_space<semaphore_mem>>)
          %dma_wait3A_62 = arith.constant 0 : i32
          %dma_wait3A_63 = tpu.memref_slice %arg16[%mul3A_2, %dma_wait3A_62] : memref<10240x128xf32, #tpu.memory_space<vmem_shared>> -> memref<640x128xf32, #tpu.memory_space<vmem_shared>>
          %dma_wait3A_64 = arith.constant 0 : i32
          %dma_wait3A_65 = tpu.memref_slice %arg2[%mul3A_2, %dma_wait3A_64] : memref<10000x128xf32, #tpu.memory_space<hbm>> -> memref<640x128xf32, #tpu.memory_space<hbm>>
          tpu.wait_dma2 semaphore(%run_scoped3A : memref<!tpu.dma_semaphore, #tpu.memory_space<semaphore_mem>>) src(%dma_wait3A_65 : memref<640x128xf32, #tpu.memory_space<hbm>>) dst(%dma_wait3A_63 : memref<640x128xf32, #tpu.memory_space<vmem_shared>>)
          tpu.yield
        }) : () -> ()
      } else {
      }
      %eq3A_53 = arith.constant 15 : i32
      %eq3A_54 = arith.cmpi eq, %arg1, %eq3A_53 : i32
      %convert_element_type3A_55 = arith.extui %eq3A_54 : i1 to i32
      %cond3A_56 = arith.constant 0 : i32
      %cond3A_57 = arith.cmpi ne, %convert_element_type3A_55, %cond3A_56 : i32
      scf.if %cond3A_57 {
        "tpu.region"() ({
          %run_scoped3A = tpu.sem_alloc : memref<!tpu.dma_semaphore, #tpu.memory_space<semaphore_mem>>
          %dma_start3A_60 = arith.constant 0 : i32
          %dma_start3A_61 = tpu.memref_slice %arg16[%mul3A_2, %dma_start3A_60] : memref<10240x128xf32, #tpu.memory_space<vmem_shared>> -> memref<400x128xf32, #tpu.memory_space<vmem_shared>>
          %dma_start3A_62 = arith.constant 0 : i32
          %dma_start3A_63 = tpu.memref_slice %arg2[%mul3A_2, %dma_start3A_62] : memref<10000x128xf32, #tpu.memory_space<hbm>> -> memref<400x128xf32, #tpu.memory_space<hbm>>
          tpu.enqueue_dma source(%dma_start3A_63 : memref<400x128xf32, #tpu.memory_space<hbm>>) target(%dma_start3A_61 : memref<400x128xf32, #tpu.memory_space<vmem_shared>>) target_semaphore(%run_scoped3A : memref<!tpu.dma_semaphore, #tpu.memory_space<semaphore_mem>>)
          %dma_wait3A_64 = arith.constant 0 : i32
          %dma_wait3A_65 = tpu.memref_slice %arg16[%mul3A_2, %dma_wait3A_64] : memref<10240x128xf32, #tpu.memory_space<vmem_shared>> -> memref<400x128xf32, #tpu.memory_space<vmem_shared>>
          %dma_wait3A_66 = arith.constant 0 : i32
          %dma_wait3A_67 = tpu.memref_slice %arg2[%mul3A_2, %dma_wait3A_66] : memref<10000x128xf32, #tpu.memory_space<hbm>> -> memref<400x128xf32, #tpu.memory_space<hbm>>
          tpu.wait_dma2 semaphore(%run_scoped3A : memref<!tpu.dma_semaphore, #tpu.memory_space<semaphore_mem>>) src(%dma_wait3A_67 : memref<400x128xf32, #tpu.memory_space<hbm>>) dst(%dma_wait3A_65 : memref<400x128xf32, #tpu.memory_space<vmem_shared>>)
          tpu.yield
        }) : () -> ()
        %add3A_58 = arith.constant 400 : i32
        %add3A_59 = arith.addi %mul3A_2, %add3A_58 : i32
        "tpu.region"() ({
          %run_scoped3A = tpu.sem_alloc : memref<!tpu.dma_semaphore, #tpu.memory_space<semaphore_mem>>
          %dma_start3A_60 = arith.constant 0 : i32
          %dma_start3A_61 = tpu.memref_slice %arg16[%add3A_59, %dma_start3A_60] : memref<10240x128xf32, #tpu.memory_space<vmem_shared>> -> memref<240x128xf32, #tpu.memory_space<vmem_shared>>
          %dma_start3A_62 = arith.constant 0 : i32
          %dma_start3A_63 = arith.constant 0 : i32
          %dma_start3A_64 = tpu.memref_slice %arg5[%dma_start3A_62, %dma_start3A_63] : memref<640x128xf32, #tpu.memory_space<hbm>> -> memref<240x128xf32, #tpu.memory_space<hbm>>
          tpu.enqueue_dma source(%dma_start3A_64 : memref<240x128xf32, #tpu.memory_space<hbm>>) target(%dma_start3A_61 : memref<240x128xf32, #tpu.memory_space<vmem_shared>>) target_semaphore(%run_scoped3A : memref<!tpu.dma_semaphore, #tpu.memory_space<semaphore_mem>>)
          %dma_wait3A_65 = arith.constant 0 : i32
          %dma_wait3A_66 = tpu.memref_slice %arg16[%add3A_59, %dma_wait3A_65] : memref<10240x128xf32, #tpu.memory_space<vmem_shared>> -> memref<240x128xf32, #tpu.memory_space<vmem_shared>>
          %dma_wait3A_67 = arith.constant 0 : i32
          %dma_wait3A_68 = arith.constant 0 : i32
          %dma_wait3A_69 = tpu.memref_slice %arg5[%dma_wait3A_67, %dma_wait3A_68] : memref<640x128xf32, #tpu.memory_space<hbm>> -> memref<240x128xf32, #tpu.memory_space<hbm>>
          tpu.wait_dma2 semaphore(%run_scoped3A : memref<!tpu.dma_semaphore, #tpu.memory_space<semaphore_mem>>) src(%dma_wait3A_69 : memref<240x128xf32, #tpu.memory_space<hbm>>) dst(%dma_wait3A_66 : memref<240x128xf32, #tpu.memory_space<vmem_shared>>)
          tpu.yield
        }) : () -> ()
      } else {
      }
    } else {
    }
    %eq3A_7 = arith.constant 1 : i32
    %eq3A_8 = arith.cmpi eq, %arg0, %eq3A_7 : i32
    %convert_element_type3A_9 = arith.extui %eq3A_8 : i1 to i32
    %cond3A_10 = arith.constant 0 : i32
    %cond3A_11 = arith.cmpi ne, %convert_element_type3A_9, %cond3A_10 : i32
    scf.if %cond3A_11 {
      "tpu.region"() ({
        %run_scoped3A = tpu.sem_alloc : memref<!tpu.dma_semaphore, #tpu.memory_space<semaphore_mem>>
        %dma_start3A_49 = arith.constant 0 : i32
        %dma_start3A_50 = tpu.memref_slice %arg16[%mul3A_2, %dma_start3A_49] : memref<10240x128xf32, #tpu.memory_space<vmem_shared>> -> memref<640x128xf32, #tpu.memory_space<vmem_shared>>
        tpu.enqueue_dma source(%arg5 : memref<640x128xf32, #tpu.memory_space<hbm>>) target(%dma_start3A_50 : memref<640x128xf32, #tpu.memory_space<vmem_shared>>) target_semaphore(%run_scoped3A : memref<!tpu.dma_semaphore, #tpu.memory_space<semaphore_mem>>)
        %dma_wait3A_51 = arith.constant 0 : i32
        %dma_wait3A_52 = tpu.memref_slice %arg16[%mul3A_2, %dma_wait3A_51] : memref<10240x128xf32, #tpu.memory_space<vmem_shared>> -> memref<640x128xf32, #tpu.memory_space<vmem_shared>>
        tpu.wait_dma2 semaphore(%run_scoped3A : memref<!tpu.dma_semaphore, #tpu.memory_space<semaphore_mem>>) src(%arg5 : memref<640x128xf32, #tpu.memory_space<hbm>>) dst(%dma_wait3A_52 : memref<640x128xf32, #tpu.memory_space<vmem_shared>>)
        tpu.yield
      }) : () -> ()
    } else {
    }
    %add3A_12 = arith.constant 0 : i32
    %add3A_13 = arith.addi %mul3A_4, %add3A_12 : i32
    %dma_start3A = tpu.memref_slice %arg3[%add3A_13] : memref<320000xi32, #tpu.memory_space<hbm>> -> memref<128xi32, #tpu.memory_space<hbm>>
    %dma_start3A_14 = tpu.memref_slice %arg3[%add3A_13] : memref<320000xi32, #tpu.memory_space<hbm>> -> memref<128xi32, #tpu.memory_space<hbm>>
    tpu.enqueue_dma source(%dma_start3A_14 : memref<128xi32, #tpu.memory_space<hbm>>) target(%arg7 : memref<128xi32, #tpu.memory_space<vmem>>) target_semaphore(%arg17 : memref<!tpu.dma_semaphore, #tpu.memory_space<semaphore_mem>>)
    %add3A_15 = arith.constant 0 : i32
    %add3A_16 = arith.addi %mul3A_4, %add3A_15 : i32
    %dma_start3A_17 = tpu.memref_slice %arg4[%add3A_16] : memref<320000xi32, #tpu.memory_space<hbm>> -> memref<128xi32, #tpu.memory_space<hbm>>
    %dma_start3A_18 = tpu.memref_slice %arg4[%add3A_16] : memref<320000xi32, #tpu.memory_space<hbm>> -> memref<128xi32, #tpu.memory_space<hbm>>
    tpu.enqueue_dma source(%dma_start3A_18 : memref<128xi32, #tpu.memory_space<hbm>>) target(%arg8 : memref<128xi32, #tpu.memory_space<vmem>>) target_semaphore(%arg17 : memref<!tpu.dma_semaphore, #tpu.memory_space<semaphore_mem>>)
    %add3A_19 = arith.constant 128 : i32
    %add3A_20 = arith.addi %mul3A_4, %add3A_19 : i32
    %dma_start3A_21 = tpu.memref_slice %arg3[%add3A_20] : memref<320000xi32, #tpu.memory_space<hbm>> -> memref<128xi32, #tpu.memory_space<hbm>>
    %dma_start3A_22 = tpu.memref_slice %arg3[%add3A_20] : memref<320000xi32, #tpu.memory_space<hbm>> -> memref<128xi32, #tpu.memory_space<hbm>>
    tpu.enqueue_dma source(%dma_start3A_22 : memref<128xi32, #tpu.memory_space<hbm>>) target(%arg9 : memref<128xi32, #tpu.memory_space<vmem>>) target_semaphore(%arg18 : memref<!tpu.dma_semaphore, #tpu.memory_space<semaphore_mem>>)
    %add3A_23 = arith.constant 128 : i32
    %add3A_24 = arith.addi %mul3A_4, %add3A_23 : i32
    %dma_start3A_25 = tpu.memref_slice %arg4[%add3A_24] : memref<320000xi32, #tpu.memory_space<hbm>> -> memref<128xi32, #tpu.memory_space<hbm>>
    %dma_start3A_26 = tpu.memref_slice %arg4[%add3A_24] : memref<320000xi32, #tpu.memory_space<hbm>> -> memref<128xi32, #tpu.memory_space<hbm>>
    tpu.enqueue_dma source(%dma_start3A_26 : memref<128xi32, #tpu.memory_space<hbm>>) target(%arg10 : memref<128xi32, #tpu.memory_space<vmem>>) target_semaphore(%arg18 : memref<!tpu.dma_semaphore, #tpu.memory_space<semaphore_mem>>)
    %dma_wait3A = tpu.memref_slice %arg3[%mul3A_4] : memref<320000xi32, #tpu.memory_space<hbm>> -> memref<128xi32, #tpu.memory_space<hbm>>
    %dma_wait3A_27 = tpu.memref_slice %arg3[%mul3A_4] : memref<320000xi32, #tpu.memory_space<hbm>> -> memref<128xi32, #tpu.memory_space<hbm>>
    tpu.wait_dma2 semaphore(%arg17 : memref<!tpu.dma_semaphore, #tpu.memory_space<semaphore_mem>>) src(%dma_wait3A_27 : memref<128xi32, #tpu.memory_space<hbm>>) dst(%arg7 : memref<128xi32, #tpu.memory_space<vmem>>)
    %dma_wait3A_28 = tpu.memref_slice %arg3[%mul3A_4] : memref<320000xi32, #tpu.memory_space<hbm>> -> memref<128xi32, #tpu.memory_space<hbm>>
    %dma_wait3A_29 = tpu.memref_slice %arg3[%mul3A_4] : memref<320000xi32, #tpu.memory_space<hbm>> -> memref<128xi32, #tpu.memory_space<hbm>>
    tpu.wait_dma2 semaphore(%arg17 : memref<!tpu.dma_semaphore, #tpu.memory_space<semaphore_mem>>) src(%dma_wait3A_29 : memref<128xi32, #tpu.memory_space<hbm>>) dst(%arg8 : memref<128xi32, #tpu.memory_space<vmem>>)
    %dma_start3A_30 = arith.constant 0 : i32
    %dma_start3A_31 = arith.constant 0 : i32
    %dma_start3A_32 = tpu.memref_slice %arg2[%dma_start3A_30, %dma_start3A_31] : memref<10000x128xf32, #tpu.memory_space<hbm>> -> memref<10000x128xf32, #tpu.memory_space<hbm>>
    tpu.enqueue_indirect_dma source(%dma_start3A_32 : memref<10000x128xf32, #tpu.memory_space<hbm>>) target(%arg11 : memref<128x128xf32, #tpu.memory_space<vmem>>) offsets(%arg7 : memref<128xi32, #tpu.memory_space<vmem>>) semaphore(%arg19 : memref<!tpu.dma_semaphore, #tpu.memory_space<semaphore_mem>>)
    %barrier3A = arith.constant 0 : index
    tpu.barrier barrier_id(%barrier3A)
    %scan3A = arith.constant 0 : i32
    %scan3A_33 = arith.constant 0 : i32
    %scan3A_34 = arith.constant 39 : i32
    %scan3A_35 = arith.addi %scan3A_33, %scan3A_34 : i32
    %scan3A_36 = arith.constant 1 : i32
    scf.for %scan3A_49 = %scan3A_33 to %scan3A_35 step %scan3A_36  : i32 {
      %mul3A_50 = arith.constant 2 : i32
      %mul3A_51 = arith.muli %mul3A_50, %scan3A_49 : i32
      %dma_wait3A_52 = tpu.memref_slice %arg3[%mul3A_4] : memref<320000xi32, #tpu.memory_space<hbm>> -> memref<128xi32, #tpu.memory_space<hbm>>
      %dma_wait3A_53 = tpu.memref_slice %arg3[%mul3A_4] : memref<320000xi32, #tpu.memory_space<hbm>> -> memref<128xi32, #tpu.memory_space<hbm>>
      tpu.wait_dma2 semaphore(%arg18 : memref<!tpu.dma_semaphore, #tpu.memory_space<semaphore_mem>>) src(%dma_wait3A_53 : memref<128xi32, #tpu.memory_space<hbm>>) dst(%arg9 : memref<128xi32, #tpu.memory_space<vmem>>)
      %dma_wait3A_54 = tpu.memref_slice %arg3[%mul3A_4] : memref<320000xi32, #tpu.memory_space<hbm>> -> memref<128xi32, #tpu.memory_space<hbm>>
      %dma_wait3A_55 = tpu.memref_slice %arg3[%mul3A_4] : memref<320000xi32, #tpu.memory_space<hbm>> -> memref<128xi32, #tpu.memory_space<hbm>>
      tpu.wait_dma2 semaphore(%arg18 : memref<!tpu.dma_semaphore, #tpu.memory_space<semaphore_mem>>) src(%dma_wait3A_55 : memref<128xi32, #tpu.memory_space<hbm>>) dst(%arg10 : memref<128xi32, #tpu.memory_space<vmem>>)
      %dma_start3A_56 = arith.constant 0 : i32
      %dma_start3A_57 = arith.constant 0 : i32
      %dma_start3A_58 = tpu.memref_slice %arg2[%dma_start3A_56, %dma_start3A_57] : memref<10000x128xf32, #tpu.memory_space<hbm>> -> memref<10000x128xf32, #tpu.memory_space<hbm>>
      tpu.enqueue_indirect_dma source(%dma_start3A_58 : memref<10000x128xf32, #tpu.memory_space<hbm>>) target(%arg12 : memref<128x128xf32, #tpu.memory_space<vmem>>) offsets(%arg9 : memref<128xi32, #tpu.memory_space<vmem>>) semaphore(%arg20 : memref<!tpu.dma_semaphore, #tpu.memory_space<semaphore_mem>>)
      %dma_wait3A_59 = arith.constant 0 : i32
      %dma_wait3A_60 = arith.constant 0 : i32
      %dma_wait3A_61 = tpu.memref_slice %arg2[%dma_wait3A_59, %dma_wait3A_60] : memref<10000x128xf32, #tpu.memory_space<hbm>> -> memref<10000x128xf32, #tpu.memory_space<hbm>>
      tpu.wait_indirect_dma semaphore(%arg19 : memref<!tpu.dma_semaphore, #tpu.memory_space<semaphore_mem>>) src(%dma_wait3A_61 : memref<10000x128xf32, #tpu.memory_space<hbm>>) dst(%arg11 : memref<128x128xf32, #tpu.memory_space<vmem>>)
      "tpu.region"() ({
        %run_scoped3A = tpu.sem_alloc : memref<!tpu.dma_semaphore, #tpu.memory_space<semaphore_mem>>
        %dma_start3A_78 = arith.constant 0 : i32
        %dma_start3A_79 = arith.constant 0 : i32
        %dma_start3A_80 = tpu.memref_slice %arg16[%dma_start3A_78, %dma_start3A_79] : memref<10240x128xf32, #tpu.memory_space<vmem_shared>> -> memref<10240x128xf32, #tpu.memory_space<vmem_shared>>
        tpu.enqueue_indirect_dma source(%arg11 : memref<128x128xf32, #tpu.memory_space<vmem>>) target(%dma_start3A_80 : memref<10240x128xf32, #tpu.memory_space<vmem_shared>>) offsets(%arg8 : memref<128xi32, #tpu.memory_space<vmem>>) semaphore(%run_scoped3A : memref<!tpu.dma_semaphore, #tpu.memory_space<semaphore_mem>>) {add = true}
        %dma_wait3A_81 = arith.constant 0 : i32
        %dma_wait3A_82 = arith.constant 0 : i32
        %dma_wait3A_83 = tpu.memref_slice %arg16[%dma_wait3A_81, %dma_wait3A_82] : memref<10240x128xf32, #tpu.memory_space<vmem_shared>> -> memref<10240x128xf32, #tpu.memory_space<vmem_shared>>
        tpu.wait_indirect_dma semaphore(%run_scoped3A : memref<!tpu.dma_semaphore, #tpu.memory_space<semaphore_mem>>) src(%arg11 : memref<128x128xf32, #tpu.memory_space<vmem>>) dst(%dma_wait3A_83 : memref<10240x128xf32, #tpu.memory_space<vmem_shared>>)
        tpu.yield
      }) : () -> ()
      %add3A_62 = arith.constant 2 : i32
      %add3A_63 = arith.addi %mul3A_51, %add3A_62 : i32
      %lt3A = arith.constant 78 : i32
      %lt3A_64 = arith.cmpi slt, %add3A_63, %lt3A : i32
      %convert_element_type3A_65 = arith.extui %lt3A_64 : i1 to i32
      %cond3A_66 = arith.constant 0 : i32
      %cond3A_67 = arith.cmpi ne, %convert_element_type3A_65, %cond3A_66 : i32
      scf.if %cond3A_67 {
        %add3A_78 = arith.constant 2 : i32
        %add3A_79 = arith.addi %mul3A_51, %add3A_78 : i32
        %mul3A_80 = arith.constant 128 : i32
        %mul3A_81 = arith.muli %add3A_79, %mul3A_80 : i32
        %add3A_82 = arith.addi %mul3A_4, %mul3A_81 : i32
        %dma_start3A_83 = tpu.memref_slice %arg3[%add3A_82] : memref<320000xi32, #tpu.memory_space<hbm>> -> memref<128xi32, #tpu.memory_space<hbm>>
        %dma_start3A_84 = tpu.memref_slice %arg3[%add3A_82] : memref<320000xi32, #tpu.memory_space<hbm>> -> memref<128xi32, #tpu.memory_space<hbm>>
        tpu.enqueue_dma source(%dma_start3A_84 : memref<128xi32, #tpu.memory_space<hbm>>) target(%arg7 : memref<128xi32, #tpu.memory_space<vmem>>) target_semaphore(%arg17 : memref<!tpu.dma_semaphore, #tpu.memory_space<semaphore_mem>>)
        %mul3A_85 = arith.constant 128 : i32
        %mul3A_86 = arith.muli %add3A_79, %mul3A_85 : i32
        %add3A_87 = arith.addi %mul3A_4, %mul3A_86 : i32
        %dma_start3A_88 = tpu.memref_slice %arg4[%add3A_87] : memref<320000xi32, #tpu.memory_space<hbm>> -> memref<128xi32, #tpu.memory_space<hbm>>
        %dma_start3A_89 = tpu.memref_slice %arg4[%add3A_87] : memref<320000xi32, #tpu.memory_space<hbm>> -> memref<128xi32, #tpu.memory_space<hbm>>
        tpu.enqueue_dma source(%dma_start3A_89 : memref<128xi32, #tpu.memory_space<hbm>>) target(%arg8 : memref<128xi32, #tpu.memory_space<vmem>>) target_semaphore(%arg17 : memref<!tpu.dma_semaphore, #tpu.memory_space<semaphore_mem>>)
        %dma_wait3A_90 = tpu.memref_slice %arg3[%mul3A_4] : memref<320000xi32, #tpu.memory_space<hbm>> -> memref<128xi32, #tpu.memory_space<hbm>>
        %dma_wait3A_91 = tpu.memref_slice %arg3[%mul3A_4] : memref<320000xi32, #tpu.memory_space<hbm>> -> memref<128xi32, #tpu.memory_space<hbm>>
        tpu.wait_dma2 semaphore(%arg17 : memref<!tpu.dma_semaphore, #tpu.memory_space<semaphore_mem>>) src(%dma_wait3A_91 : memref<128xi32, #tpu.memory_space<hbm>>) dst(%arg7 : memref<128xi32, #tpu.memory_space<vmem>>)
        %dma_wait3A_92 = tpu.memref_slice %arg3[%mul3A_4] : memref<320000xi32, #tpu.memory_space<hbm>> -> memref<128xi32, #tpu.memory_space<hbm>>
        %dma_wait3A_93 = tpu.memref_slice %arg3[%mul3A_4] : memref<320000xi32, #tpu.memory_space<hbm>> -> memref<128xi32, #tpu.memory_space<hbm>>
        tpu.wait_dma2 semaphore(%arg17 : memref<!tpu.dma_semaphore, #tpu.memory_space<semaphore_mem>>) src(%dma_wait3A_93 : memref<128xi32, #tpu.memory_space<hbm>>) dst(%arg8 : memref<128xi32, #tpu.memory_space<vmem>>)
        %dma_start3A_94 = arith.constant 0 : i32
        %dma_start3A_95 = arith.constant 0 : i32
        %dma_start3A_96 = tpu.memref_slice %arg2[%dma_start3A_94, %dma_start3A_95] : memref<10000x128xf32, #tpu.memory_space<hbm>> -> memref<10000x128xf32, #tpu.memory_space<hbm>>
        tpu.enqueue_indirect_dma source(%dma_start3A_96 : memref<10000x128xf32, #tpu.memory_space<hbm>>) target(%arg11 : memref<128x128xf32, #tpu.memory_space<vmem>>) offsets(%arg7 : memref<128xi32, #tpu.memory_space<vmem>>) semaphore(%arg19 : memref<!tpu.dma_semaphore, #tpu.memory_space<semaphore_mem>>)
      } else {
      }
      %dma_wait3A_68 = arith.constant 0 : i32
      %dma_wait3A_69 = arith.constant 0 : i32
      %dma_wait3A_70 = tpu.memref_slice %arg2[%dma_wait3A_68, %dma_wait3A_69] : memref<10000x128xf32, #tpu.memory_space<hbm>> -> memref<10000x128xf32, #tpu.memory_space<hbm>>
      tpu.wait_indirect_dma semaphore(%arg20 : memref<!tpu.dma_semaphore, #tpu.memory_space<semaphore_mem>>) src(%dma_wait3A_70 : memref<10000x128xf32, #tpu.memory_space<hbm>>) dst(%arg12 : memref<128x128xf32, #tpu.memory_space<vmem>>)
      "tpu.region"() ({
        %run_scoped3A = tpu.sem_alloc : memref<!tpu.dma_semaphore, #tpu.memory_space<semaphore_mem>>
        %dma_start3A_78 = arith.constant 0 : i32
        %dma_start3A_79 = arith.constant 0 : i32
        %dma_start3A_80 = tpu.memref_slice %arg16[%dma_start3A_78, %dma_start3A_79] : memref<10240x128xf32, #tpu.memory_space<vmem_shared>> -> memref<10240x128xf32, #tpu.memory_space<vmem_shared>>
        tpu.enqueue_indirect_dma source(%arg12 : memref<128x128xf32, #tpu.memory_space<vmem>>) target(%dma_start3A_80 : memref<10240x128xf32, #tpu.memory_space<vmem_shared>>) offsets(%arg10 : memref<128xi32, #tpu.memory_space<vmem>>) semaphore(%run_scoped3A : memref<!tpu.dma_semaphore, #tpu.memory_space<semaphore_mem>>) {add = true}
        %dma_wait3A_81 = arith.constant 0 : i32
        %dma_wait3A_82 = arith.constant 0 : i32
        %dma_wait3A_83 = tpu.memref_slice %arg16[%dma_wait3A_81, %dma_wait3A_82] : memref<10240x128xf32, #tpu.memory_space<vmem_shared>> -> memref<10240x128xf32, #tpu.memory_space<vmem_shared>>
        tpu.wait_indirect_dma semaphore(%run_scoped3A : memref<!tpu.dma_semaphore, #tpu.memory_space<semaphore_mem>>) src(%arg12 : memref<128x128xf32, #tpu.memory_space<vmem>>) dst(%dma_wait3A_83 : memref<10240x128xf32, #tpu.memory_space<vmem_shared>>)
        tpu.yield
      }) : () -> ()
      %add3A_71 = arith.constant 3 : i32
      %add3A_72 = arith.addi %mul3A_51, %add3A_71 : i32
      %lt3A_73 = arith.constant 78 : i32
      %lt3A_74 = arith.cmpi slt, %add3A_72, %lt3A_73 : i32
      %convert_element_type3A_75 = arith.extui %lt3A_74 : i1 to i32
      %cond3A_76 = arith.constant 0 : i32
      %cond3A_77 = arith.cmpi ne, %convert_element_type3A_75, %cond3A_76 : i32
      scf.if %cond3A_77 {
        %add3A_78 = arith.constant 3 : i32
        %add3A_79 = arith.addi %mul3A_51, %add3A_78 : i32
        %mul3A_80 = arith.constant 128 : i32
        %mul3A_81 = arith.muli %add3A_79, %mul3A_80 : i32
        %add3A_82 = arith.addi %mul3A_4, %mul3A_81 : i32
        %dma_start3A_83 = tpu.memref_slice %arg3[%add3A_82] : memref<320000xi32, #tpu.memory_space<hbm>> -> memref<128xi32, #tpu.memory_space<hbm>>
        %dma_start3A_84 = tpu.memref_slice %arg3[%add3A_82] : memref<320000xi32, #tpu.memory_space<hbm>> -> memref<128xi32, #tpu.memory_space<hbm>>
        tpu.enqueue_dma source(%dma_start3A_84 : memref<128xi32, #tpu.memory_space<hbm>>) target(%arg9 : memref<128xi32, #tpu.memory_space<vmem>>) target_semaphore(%arg18 : memref<!tpu.dma_semaphore, #tpu.memory_space<semaphore_mem>>)
        %mul3A_85 = arith.constant 128 : i32
        %mul3A_86 = arith.muli %add3A_79, %mul3A_85 : i32
        %add3A_87 = arith.addi %mul3A_4, %mul3A_86 : i32
        %dma_start3A_88 = tpu.memref_slice %arg4[%add3A_87] : memref<320000xi32, #tpu.memory_space<hbm>> -> memref<128xi32, #tpu.memory_space<hbm>>
        %dma_start3A_89 = tpu.memref_slice %arg4[%add3A_87] : memref<320000xi32, #tpu.memory_space<hbm>> -> memref<128xi32, #tpu.memory_space<hbm>>
        tpu.enqueue_dma source(%dma_start3A_89 : memref<128xi32, #tpu.memory_space<hbm>>) target(%arg10 : memref<128xi32, #tpu.memory_space<vmem>>) target_semaphore(%arg18 : memref<!tpu.dma_semaphore, #tpu.memory_space<semaphore_mem>>)
      } else {
      }
    }
    %scan3A_37 = arith.constant 39 : i32
    %add3A_38 = arith.constant 9984 : i32
    %add3A_39 = arith.addi %mul3A_4, %add3A_38 : i32
    "tpu.region"() ({
      %run_scoped3A = tpu.sem_alloc : memref<!tpu.dma_semaphore, #tpu.memory_space<semaphore_mem>>
      %dma_start3A_49 = tpu.memref_slice %arg3[%add3A_39] : memref<320000xi32, #tpu.memory_space<hbm>> -> memref<16xi32, #tpu.memory_space<hbm>>
      %dma_start3A_50 = tpu.memref_slice %arg3[%add3A_39] : memref<320000xi32, #tpu.memory_space<hbm>> -> memref<16xi32, #tpu.memory_space<hbm>>
      tpu.enqueue_dma source(%dma_start3A_50 : memref<16xi32, #tpu.memory_space<hbm>>) target(%arg13 : memref<16xi32, #tpu.memory_space<vmem>>) target_semaphore(%run_scoped3A : memref<!tpu.dma_semaphore, #tpu.memory_space<semaphore_mem>>)
      %dma_wait3A_51 = tpu.memref_slice %arg3[%add3A_39] : memref<320000xi32, #tpu.memory_space<hbm>> -> memref<16xi32, #tpu.memory_space<hbm>>
      %dma_wait3A_52 = tpu.memref_slice %arg3[%add3A_39] : memref<320000xi32, #tpu.memory_space<hbm>> -> memref<16xi32, #tpu.memory_space<hbm>>
      tpu.wait_dma2 semaphore(%run_scoped3A : memref<!tpu.dma_semaphore, #tpu.memory_space<semaphore_mem>>) src(%dma_wait3A_52 : memref<16xi32, #tpu.memory_space<hbm>>) dst(%arg13 : memref<16xi32, #tpu.memory_space<vmem>>)
      tpu.yield
    }) : () -> ()
    %add3A_40 = arith.constant 9984 : i32
    %add3A_41 = arith.addi %mul3A_4, %add3A_40 : i32
    "tpu.region"() ({
      %run_scoped3A = tpu.sem_alloc : memref<!tpu.dma_semaphore, #tpu.memory_space<semaphore_mem>>
      %dma_start3A_49 = tpu.memref_slice %arg4[%add3A_41] : memref<320000xi32, #tpu.memory_space<hbm>> -> memref<16xi32, #tpu.memory_space<hbm>>
      %dma_start3A_50 = tpu.memref_slice %arg4[%add3A_41] : memref<320000xi32, #tpu.memory_space<hbm>> -> memref<16xi32, #tpu.memory_space<hbm>>
      tpu.enqueue_dma source(%dma_start3A_50 : memref<16xi32, #tpu.memory_space<hbm>>) target(%arg14 : memref<16xi32, #tpu.memory_space<vmem>>) target_semaphore(%run_scoped3A : memref<!tpu.dma_semaphore, #tpu.memory_space<semaphore_mem>>)
      %dma_wait3A_51 = tpu.memref_slice %arg4[%add3A_41] : memref<320000xi32, #tpu.memory_space<hbm>> -> memref<16xi32, #tpu.memory_space<hbm>>
      %dma_wait3A_52 = tpu.memref_slice %arg4[%add3A_41] : memref<320000xi32, #tpu.memory_space<hbm>> -> memref<16xi32, #tpu.memory_space<hbm>>
      tpu.wait_dma2 semaphore(%run_scoped3A : memref<!tpu.dma_semaphore, #tpu.memory_space<semaphore_mem>>) src(%dma_wait3A_52 : memref<16xi32, #tpu.memory_space<hbm>>) dst(%arg14 : memref<16xi32, #tpu.memory_space<vmem>>)
      tpu.yield
    }) : () -> ()
    %dma_start3A_42 = arith.constant 0 : i32
    %dma_start3A_43 = arith.constant 0 : i32
    %dma_start3A_44 = tpu.memref_slice %arg2[%dma_start3A_42, %dma_start3A_43] : memref<10000x128xf32, #tpu.memory_space<hbm>> -> memref<10000x128xf32, #tpu.memory_space<hbm>>
    tpu.enqueue_indirect_dma source(%dma_start3A_44 : memref<10000x128xf32, #tpu.memory_space<hbm>>) target(%arg15 : memref<16x128xf32, #tpu.memory_space<vmem>>) offsets(%arg13 : memref<16xi32, #tpu.memory_space<vmem>>) semaphore(%arg19 : memref<!tpu.dma_semaphore, #tpu.memory_space<semaphore_mem>>)
    %dma_wait3A_45 = arith.constant 0 : i32
    %dma_wait3A_46 = arith.constant 0 : i32
    %dma_wait3A_47 = tpu.memref_slice %arg2[%dma_wait3A_45, %dma_wait3A_46] : memref<10000x128xf32, #tpu.memory_space<hbm>> -> memref<10000x128xf32, #tpu.memory_space<hbm>>
    tpu.wait_indirect_dma semaphore(%arg19 : memref<!tpu.dma_semaphore, #tpu.memory_space<semaphore_mem>>) src(%dma_wait3A_47 : memref<10000x128xf32, #tpu.memory_space<hbm>>) dst(%arg15 : memref<16x128xf32, #tpu.memory_space<vmem>>)
    "tpu.region"() ({
      %run_scoped3A = tpu.sem_alloc : memref<!tpu.dma_semaphore, #tpu.memory_space<semaphore_mem>>
      %dma_start3A_49 = arith.constant 0 : i32
      %dma_start3A_50 = arith.constant 0 : i32
      %dma_start3A_51 = tpu.memref_slice %arg16[%dma_start3A_49, %dma_start3A_50] : memref<10240x128xf32, #tpu.memory_space<vmem_shared>> -> memref<10240x128xf32, #tpu.memory_space<vmem_shared>>
      tpu.enqueue_indirect_dma source(%arg15 : memref<16x128xf32, #tpu.memory_space<vmem>>) target(%dma_start3A_51 : memref<10240x128xf32, #tpu.memory_space<vmem_shared>>) offsets(%arg14 : memref<16xi32, #tpu.memory_space<vmem>>) semaphore(%run_scoped3A : memref<!tpu.dma_semaphore, #tpu.memory_space<semaphore_mem>>) {add = true}
      %dma_wait3A_52 = arith.constant 0 : i32
      %dma_wait3A_53 = arith.constant 0 : i32
      %dma_wait3A_54 = tpu.memref_slice %arg16[%dma_wait3A_52, %dma_wait3A_53] : memref<10240x128xf32, #tpu.memory_space<vmem_shared>> -> memref<10240x128xf32, #tpu.memory_space<vmem_shared>>
      tpu.wait_indirect_dma semaphore(%run_scoped3A : memref<!tpu.dma_semaphore, #tpu.memory_space<semaphore_mem>>) src(%arg15 : memref<16x128xf32, #tpu.memory_space<vmem>>) dst(%dma_wait3A_54 : memref<10240x128xf32, #tpu.memory_space<vmem_shared>>)
      tpu.yield
    }) : () -> ()
    %barrier3A_48 = arith.constant 0 : index
    tpu.barrier barrier_id(%barrier3A_48)
    "tpu.region"() ({
      %run_scoped3A = tpu.sem_alloc : memref<!tpu.dma_semaphore, #tpu.memory_space<semaphore_mem>>
      %dma_start3A_49 = arith.constant 0 : i32
      %dma_start3A_50 = tpu.memref_slice %arg6[%arg0, %mul3A_2, %dma_start3A_49] : memref<2x10240x128xf32, #tpu.memory_space<hbm>> -> memref<1x640x128xf32, #tpu.memory_space<hbm>>
      %dma_start3A_51 = tpu.memref_squeeze %dma_start3A_50 : memref<1x640x128xf32, #tpu.memory_space<hbm>> -> memref<640x128xf32, #tpu.memory_space<hbm>>
      %dma_start3A_52 = arith.constant 0 : i32
      %dma_start3A_53 = tpu.memref_slice %arg16[%mul3A_2, %dma_start3A_52] : memref<10240x128xf32, #tpu.memory_space<vmem_shared>> -> memref<640x128xf32, #tpu.memory_space<vmem_shared>>
      tpu.enqueue_dma source(%dma_start3A_53 : memref<640x128xf32, #tpu.memory_space<vmem_shared>>) target(%dma_start3A_51 : memref<640x128xf32, #tpu.memory_space<hbm>>) target_semaphore(%run_scoped3A : memref<!tpu.dma_semaphore, #tpu.memory_space<semaphore_mem>>)
      %dma_wait3A_54 = arith.constant 0 : i32
      %dma_wait3A_55 = tpu.memref_slice %arg6[%arg0, %mul3A_2, %dma_wait3A_54] : memref<2x10240x128xf32, #tpu.memory_space<hbm>> -> memref<1x640x128xf32, #tpu.memory_space<hbm>>
      %dma_wait3A_56 = tpu.memref_squeeze %dma_wait3A_55 : memref<1x640x128xf32, #tpu.memory_space<hbm>> -> memref<640x128xf32, #tpu.memory_space<hbm>>
      %dma_wait3A_57 = arith.constant 0 : i32
      %dma_wait3A_58 = tpu.memref_slice %arg16[%mul3A_2, %dma_wait3A_57] : memref<10240x128xf32, #tpu.memory_space<vmem_shared>> -> memref<640x128xf32, #tpu.memory_space<vmem_shared>>
      tpu.wait_dma2 semaphore(%run_scoped3A : memref<!tpu.dma_semaphore, #tpu.memory_space<semaphore_mem>>) src(%dma_wait3A_58 : memref<640x128xf32, #tpu.memory_space<vmem_shared>>) dst(%dma_wait3A_56 : memref<640x128xf32, #tpu.memory_space<hbm>>)
      tpu.yield
    }) : () -> ()
    return
  }
}

#map = affine_map<(d0, d1) -> (0)>
#map1 = affine_map<(d0, d1) -> (0, 0)>
#map2 = affine_map<(d0, d1) -> (0, 0, 0)>
module attributes {stable_mosaic.version = 14 : i64} {
  func.func @_deg_body(%arg0: i32, %arg1: i32, %arg2: memref<320000xi32, #tpu.memory_space<hbm>>, %arg3: memref<128x128xf32, #tpu.memory_space<hbm>>, %arg4: memref<1x128xi32, #tpu.memory_space<hbm>>, %arg5: memref<2x128x128xf32, #tpu.memory_space<hbm>>, %arg6: memref<10000xi32, #tpu.memory_space<vmem>>, %arg7: memref<128x128xf32, #tpu.memory_space<vmem>>, %arg8: memref<1x128xi32, #tpu.memory_space<vmem>>, %arg9: memref<128x128xf32, #tpu.memory_space<vmem_shared>>) attributes {dimension_semantics = [#tpu.dimension_semantics<core_parallel>, #tpu.dimension_semantics<subcore_parallel>], iteration_bounds = array<i64: 2, 16>, scalar_prefetch = 0 : i64, scratch_operands = 4 : i64, tpu.core_type = #tpu.core_type<sc_vector_subcore>, window_params = [{transform_indices = #map}, {transform_indices = #map1}, {transform_indices = #map1}, {transform_indices = #map2}]} {
    %mul3A = arith.constant 16 : i32
    %mul3A_0 = arith.muli %arg0, %mul3A : i32
    %add3A = arith.addi %mul3A_0, %arg1 : i32
    "tpu.region"() ({
      %run_scoped3A_16 = tpu.sem_alloc : memref<!tpu.dma_semaphore, #tpu.memory_space<semaphore_mem>>
      tpu.enqueue_dma source(%arg3 : memref<128x128xf32, #tpu.memory_space<hbm>>) target(%arg7 : memref<128x128xf32, #tpu.memory_space<vmem>>) target_semaphore(%run_scoped3A_16 : memref<!tpu.dma_semaphore, #tpu.memory_space<semaphore_mem>>)
      tpu.wait_dma2 semaphore(%run_scoped3A_16 : memref<!tpu.dma_semaphore, #tpu.memory_space<semaphore_mem>>) src(%arg3 : memref<128x128xf32, #tpu.memory_space<hbm>>) dst(%arg7 : memref<128x128xf32, #tpu.memory_space<vmem>>)
      tpu.yield
    }) : () -> ()
    "tpu.region"() ({
      %run_scoped3A_16 = tpu.sem_alloc : memref<!tpu.dma_semaphore, #tpu.memory_space<semaphore_mem>>
      tpu.enqueue_dma source(%arg4 : memref<1x128xi32, #tpu.memory_space<hbm>>) target(%arg8 : memref<1x128xi32, #tpu.memory_space<vmem>>) target_semaphore(%run_scoped3A_16 : memref<!tpu.dma_semaphore, #tpu.memory_space<semaphore_mem>>)
      tpu.wait_dma2 semaphore(%run_scoped3A_16 : memref<!tpu.dma_semaphore, #tpu.memory_space<semaphore_mem>>) src(%arg4 : memref<1x128xi32, #tpu.memory_space<hbm>>) dst(%arg8 : memref<1x128xi32, #tpu.memory_space<vmem>>)
      tpu.yield
    }) : () -> ()
    %mul3A_1 = arith.constant 10000 : i32
    %mul3A_2 = arith.muli %add3A, %mul3A_1 : i32
    "tpu.region"() ({
      %run_scoped3A_16 = tpu.sem_alloc : memref<!tpu.dma_semaphore, #tpu.memory_space<semaphore_mem>>
      %dma_start3A = tpu.memref_slice %arg2[%mul3A_2] : memref<320000xi32, #tpu.memory_space<hbm>> -> memref<10000xi32, #tpu.memory_space<hbm>>
      %dma_start3A_17 = tpu.memref_slice %arg2[%mul3A_2] : memref<320000xi32, #tpu.memory_space<hbm>> -> memref<10000xi32, #tpu.memory_space<hbm>>
      tpu.enqueue_dma source(%dma_start3A_17 : memref<10000xi32, #tpu.memory_space<hbm>>) target(%arg6 : memref<10000xi32, #tpu.memory_space<vmem>>) target_semaphore(%run_scoped3A_16 : memref<!tpu.dma_semaphore, #tpu.memory_space<semaphore_mem>>)
      %dma_wait3A = tpu.memref_slice %arg2[%mul3A_2] : memref<320000xi32, #tpu.memory_space<hbm>> -> memref<10000xi32, #tpu.memory_space<hbm>>
      %dma_wait3A_18 = tpu.memref_slice %arg2[%mul3A_2] : memref<320000xi32, #tpu.memory_space<hbm>> -> memref<10000xi32, #tpu.memory_space<hbm>>
      tpu.wait_dma2 semaphore(%run_scoped3A_16 : memref<!tpu.dma_semaphore, #tpu.memory_space<semaphore_mem>>) src(%dma_wait3A_18 : memref<10000xi32, #tpu.memory_space<hbm>>) dst(%arg6 : memref<10000xi32, #tpu.memory_space<vmem>>)
      tpu.yield
    }) : () -> ()
    %mul3A_3 = arith.constant 8 : i32
    %mul3A_4 = arith.muli %arg1, %mul3A_3 : i32
    "tpu.region"() ({
      %run_scoped3A_16 = tpu.sem_alloc : memref<!tpu.dma_semaphore, #tpu.memory_space<semaphore_mem>>
      %dma_start3A = arith.constant 0 : i32
      %dma_start3A_17 = tpu.memref_slice %arg9[%mul3A_4, %dma_start3A] : memref<128x128xf32, #tpu.memory_space<vmem_shared>> -> memref<8x128xf32, #tpu.memory_space<vmem_shared>>
      %dma_start3A_18 = arith.constant 0 : i32
      %dma_start3A_19 = arith.constant 0 : i32
      %dma_start3A_20 = tpu.memref_slice %arg3[%dma_start3A_18, %dma_start3A_19] : memref<128x128xf32, #tpu.memory_space<hbm>> -> memref<8x128xf32, #tpu.memory_space<hbm>>
      tpu.enqueue_dma source(%dma_start3A_20 : memref<8x128xf32, #tpu.memory_space<hbm>>) target(%dma_start3A_17 : memref<8x128xf32, #tpu.memory_space<vmem_shared>>) target_semaphore(%run_scoped3A_16 : memref<!tpu.dma_semaphore, #tpu.memory_space<semaphore_mem>>)
      %dma_wait3A = arith.constant 0 : i32
      %dma_wait3A_21 = tpu.memref_slice %arg9[%mul3A_4, %dma_wait3A] : memref<128x128xf32, #tpu.memory_space<vmem_shared>> -> memref<8x128xf32, #tpu.memory_space<vmem_shared>>
      %dma_wait3A_22 = arith.constant 0 : i32
      %dma_wait3A_23 = arith.constant 0 : i32
      %dma_wait3A_24 = tpu.memref_slice %arg3[%dma_wait3A_22, %dma_wait3A_23] : memref<128x128xf32, #tpu.memory_space<hbm>> -> memref<8x128xf32, #tpu.memory_space<hbm>>
      tpu.wait_dma2 semaphore(%run_scoped3A_16 : memref<!tpu.dma_semaphore, #tpu.memory_space<semaphore_mem>>) src(%dma_wait3A_24 : memref<8x128xf32, #tpu.memory_space<hbm>>) dst(%dma_wait3A_21 : memref<8x128xf32, #tpu.memory_space<vmem_shared>>)
      tpu.yield
    }) : () -> ()
    %broadcast_in_dim3A = arith.constant 1.000000e+00 : f32
    %broadcast_in_dim3A_5 = vector.broadcast %broadcast_in_dim3A : f32 to vector<16xf32>
    %scan3A = arith.constant 0 : i32
    %scan3A_6 = arith.constant 0 : i32
    %scan3A_7 = arith.constant 625 : i32
    %scan3A_8 = arith.addi %scan3A_6, %scan3A_7 : i32
    %scan3A_9 = arith.constant 1 : i32
    scf.for %scan3A_16 = %scan3A_6 to %scan3A_8 step %scan3A_9  : i32 {
      %mul3A_17 = arith.constant 16 : i32
      %mul3A_18 = arith.muli %scan3A_16, %mul3A_17 : i32
      %get3A = arith.index_cast %mul3A_18 : i32 to index
      %get3A_19 = tpu.vector_load %arg6[%get3A] {strides = array<i32>} : memref<10000xi32, #tpu.memory_space<vmem>>, vector<16xi32>,
      %jit3A = arith.constant 128 : i32
      %div3A = vector.broadcast %jit3A : i32 to vector<16xi32>
      %div3A_20 = arith.divsi %get3A_19, %div3A : vector<16xi32>
      %sign3A = arith.constant 0 : i32
      %sign3A_21 = vector.broadcast %sign3A : i32 to vector<16xi32>
      %sign3A_22 = arith.cmpi sgt, %get3A_19, %sign3A_21 : vector<16xi32>
      %sign3A_23 = arith.extui %sign3A_22 : vector<16xi1> to vector<16xi32>
      %sign3A_24 = arith.constant 0 : i32
      %sign3A_25 = vector.broadcast %sign3A_24 : i32 to vector<16xi32>
      %sign3A_26 = arith.cmpi slt, %get3A_19, %sign3A_25 : vector<16xi32>
      %sign3A_27 = arith.extui %sign3A_26 : vector<16xi1> to vector<16xi32>
      %sign3A_28 = arith.subi %sign3A_23, %sign3A_27 : vector<16xi32>
      %sign3A_29 = arith.constant 0 : i32
      %sign3A_30 = arith.cmpi sgt, %jit3A, %sign3A_29 : i32
      %sign3A_31 = arith.extui %sign3A_30 : i1 to i32
      %sign3A_32 = arith.constant 0 : i32
      %sign3A_33 = arith.cmpi slt, %jit3A, %sign3A_32 : i32
      %sign3A_34 = arith.extui %sign3A_33 : i1 to i32
      %sign3A_35 = arith.subi %sign3A_31, %sign3A_34 : i32
      %ne3A = vector.broadcast %sign3A_35 : i32 to vector<16xi32>
      %ne3A_36 = arith.cmpi ne, %sign3A_28, %ne3A : vector<16xi32>
      %rem3A = vector.broadcast %jit3A : i32 to vector<16xi32>
      %rem3A_37 = arith.remsi %get3A_19, %rem3A : vector<16xi32>
      %ne3A_38 = arith.constant 0 : i32
      %ne3A_39 = vector.broadcast %ne3A_38 : i32 to vector<16xi32>
      %ne3A_40 = arith.cmpi ne, %rem3A_37, %ne3A_39 : vector<16xi32>
      %and3A = arith.andi %ne3A_36, %ne3A_40 : vector<16xi1>
      %sub3A = arith.constant 1 : i32
      %sub3A_41 = vector.broadcast %sub3A : i32 to vector<16xi32>
      %sub3A_42 = arith.subi %div3A_20, %sub3A_41 : vector<16xi32>
      %select_n3A = arith.select %and3A, %sub3A_42, %div3A_20 : vector<16xi1>, vector<16xi32>
      %jit3A_43 = arith.constant 128 : i32
      %eq3A = arith.constant 0 : i32
      %eq3A_44 = arith.cmpi eq, %jit3A_43, %eq3A : i32
      %jit3A_45 = arith.constant 1 : i32
      %select_n3A_46 = arith.select %eq3A_44, %jit3A_45, %jit3A_43 : i32
      %rem3A_47 = vector.broadcast %select_n3A_46 : i32 to vector<16xi32>
      %rem3A_48 = arith.remsi %get3A_19, %rem3A_47 : vector<16xi32>
      %ne3A_49 = arith.constant 0 : i32
      %ne3A_50 = vector.broadcast %ne3A_49 : i32 to vector<16xi32>
      %ne3A_51 = arith.cmpi ne, %rem3A_48, %ne3A_50 : vector<16xi32>
      %lt3A = arith.constant 0 : i32
      %lt3A_52 = vector.broadcast %lt3A : i32 to vector<16xi32>
      %lt3A_53 = arith.cmpi slt, %rem3A_48, %lt3A_52 : vector<16xi32>
      %lt3A_54 = arith.constant 0 : i32
      %lt3A_55 = arith.cmpi slt, %select_n3A_46, %lt3A_54 : i32
      %ne3A_56 = vector.broadcast %lt3A_55 : i1 to vector<16xi1>
      %ne3A_57 = vector.broadcast %ne3A_56 : vector<16xi1> to vector<16xi1>
      %ne3A_58 = arith.xori %lt3A_53, %ne3A_57 : vector<16xi1>
      %and3A_59 = arith.andi %ne3A_58, %ne3A_51 : vector<16xi1>
      %add3A_60 = vector.broadcast %select_n3A_46 : i32 to vector<16xi32>
      %add3A_61 = arith.addi %rem3A_48, %add3A_60 : vector<16xi32>
      %select_n3A_62 = arith.select %and3A_59, %add3A_61, %rem3A_48 : vector<16xi1>, vector<16xi32>
      tpu.vector_store_idx %arg7[%select_n3A, %select_n3A_62], %broadcast_in_dim3A_5 {add = true} : memref<128x128xf32, #tpu.memory_space<vmem>>[vector<16xi32>, vector<16xi32>], vector<16xf32>,
    }
    %scan3A_10 = arith.constant 625 : i32
    %barrier3A = arith.constant 0 : index
    tpu.barrier barrier_id(%barrier3A)
    %run_scoped3A = arith.constant 0 : i32
    "tpu.region"() ({
      %run_scoped3A_16 = tpu.sem_alloc : memref<!tpu.dma_semaphore, #tpu.memory_space<semaphore_mem>>
      %dma_start3A = arith.constant 0 : i32
      %dma_start3A_17 = tpu.memref_slice %arg8[%run_scoped3A, %dma_start3A] : memref<1x128xi32, #tpu.memory_space<vmem>> -> memref<1x128xi32, #tpu.memory_space<vmem>>
      %dma_start3A_18 = tpu.memref_squeeze %dma_start3A_17 : memref<1x128xi32, #tpu.memory_space<vmem>> -> memref<128xi32, #tpu.memory_space<vmem>>
      %dma_start3A_19 = arith.constant 0 : i32
      %dma_start3A_20 = arith.constant 0 : i32
      %dma_start3A_21 = tpu.memref_slice %arg9[%dma_start3A_19, %dma_start3A_20] : memref<128x128xf32, #tpu.memory_space<vmem_shared>> -> memref<128x128xf32, #tpu.memory_space<vmem_shared>>
      tpu.enqueue_indirect_dma source(%arg7 : memref<128x128xf32, #tpu.memory_space<vmem>>) target(%dma_start3A_21 : memref<128x128xf32, #tpu.memory_space<vmem_shared>>) offsets(%dma_start3A_18 : memref<128xi32, #tpu.memory_space<vmem>>) semaphore(%run_scoped3A_16 : memref<!tpu.dma_semaphore, #tpu.memory_space<semaphore_mem>>) {add = true}
      %dma_wait3A = arith.constant 0 : i32
      %dma_wait3A_22 = tpu.memref_slice %arg8[%run_scoped3A, %dma_wait3A] : memref<1x128xi32, #tpu.memory_space<vmem>> -> memref<1x128xi32, #tpu.memory_space<vmem>>
      %dma_wait3A_23 = tpu.memref_squeeze %dma_wait3A_22 : memref<1x128xi32, #tpu.memory_space<vmem>> -> memref<128xi32, #tpu.memory_space<vmem>>
      %dma_wait3A_24 = arith.constant 0 : i32
      %dma_wait3A_25 = arith.constant 0 : i32
      %dma_wait3A_26 = tpu.memref_slice %arg9[%dma_wait3A_24, %dma_wait3A_25] : memref<128x128xf32, #tpu.memory_space<vmem_shared>> -> memref<128x128xf32, #tpu.memory_space<vmem_shared>>
      tpu.wait_indirect_dma semaphore(%run_scoped3A_16 : memref<!tpu.dma_semaphore, #tpu.memory_space<semaphore_mem>>) src(%arg7 : memref<128x128xf32, #tpu.memory_space<vmem>>) dst(%dma_wait3A_26 : memref<128x128xf32, #tpu.memory_space<vmem_shared>>)
      tpu.yield
    }) : () -> ()
    %barrier3A_11 = arith.constant 0 : index
    tpu.barrier barrier_id(%barrier3A_11)
    %mul3A_12 = arith.constant 8 : i32
    %mul3A_13 = arith.muli %arg1, %mul3A_12 : i32
    %mul3A_14 = arith.constant 8 : i32
    %mul3A_15 = arith.muli %arg1, %mul3A_14 : i32
    "tpu.region"() ({
      %run_scoped3A_16 = tpu.sem_alloc : memref<!tpu.dma_semaphore, #tpu.memory_space<semaphore_mem>>
      %dma_start3A = arith.constant 0 : i32
      %dma_start3A_17 = tpu.memref_slice %arg5[%arg0, %mul3A_15, %dma_start3A] : memref<2x128x128xf32, #tpu.memory_space<hbm>> -> memref<1x8x128xf32, #tpu.memory_space<hbm>>
      %dma_start3A_18 = tpu.memref_squeeze %dma_start3A_17 : memref<1x8x128xf32, #tpu.memory_space<hbm>> -> memref<8x128xf32, #tpu.memory_space<hbm>>
      %dma_start3A_19 = arith.constant 0 : i32
      %dma_start3A_20 = tpu.memref_slice %arg9[%mul3A_13, %dma_start3A_19] : memref<128x128xf32, #tpu.memory_space<vmem_shared>> -> memref<8x128xf32, #tpu.memory_space<vmem_shared>>
      tpu.enqueue_dma source(%dma_start3A_20 : memref<8x128xf32, #tpu.memory_space<vmem_shared>>) target(%dma_start3A_18 : memref<8x128xf32, #tpu.memory_space<hbm>>) target_semaphore(%run_scoped3A_16 : memref<!tpu.dma_semaphore, #tpu.memory_space<semaphore_mem>>)
      %dma_wait3A = arith.constant 0 : i32
      %dma_wait3A_21 = tpu.memref_slice %arg5[%arg0, %mul3A_15, %dma_wait3A] : memref<2x128x128xf32, #tpu.memory_space<hbm>> -> memref<1x8x128xf32, #tpu.memory_space<hbm>>
      %dma_wait3A_22 = tpu.memref_squeeze %dma_wait3A_21 : memref<1x8x128xf32, #tpu.memory_space<hbm>> -> memref<8x128xf32, #tpu.memory_space<hbm>>
      %dma_wait3A_23 = arith.constant 0 : i32
      %dma_wait3A_24 = tpu.memref_slice %arg9[%mul3A_13, %dma_wait3A_23] : memref<128x128xf32, #tpu.memory_space<vmem_shared>> -> memref<8x128xf32, #tpu.memory_space<vmem_shared>>
      tpu.wait_dma2 semaphore(%run_scoped3A_16 : memref<!tpu.dma_semaphore, #tpu.memory_space<semaphore_mem>>) src(%dma_wait3A_24 : memref<8x128xf32, #tpu.memory_space<vmem_shared>>) dst(%dma_wait3A_22 : memref<8x128xf32, #tpu.memory_space<hbm>>)
      tpu.yield
    }) : () -> ()
    return
  }
}

module attributes {stable_mosaic.version = 14 : i64} {
  func.func @_prep_body(%arg0: memref<10000x128xf32, #tpu.memory_space<vmem>>, %arg1: memref<128x128xf32, #tpu.memory_space<vmem>>, %arg2: memref<2x10000x8xf32, #tpu.memory_space<vmem>>, %arg3: memref<10000x128xf32, #tpu.memory_space<vmem>>, %arg4: memref<10000x8xf32, #tpu.memory_space<vmem>>) attributes {dimension_semantics = [], scalar_prefetch = 0 : i64, scratch_operands = 0 : i64, tpu.core_type = #tpu.core_type<tc>} {
    %get3A = arith.constant 0 : index
    %get3A_0 = arith.constant 0 : index
    %get3A_1 = arith.constant 0 : index
    %get3A_2 = vector.load %arg2[%get3A, %get3A_0, %get3A_1] : memref<2x10000x8xf32, #tpu.memory_space<vmem>>, vector<1x10000x1xf32>
    %get3A_3 = vector.shape_cast %get3A_2 : vector<1x10000x1xf32> to vector<10000x1xf32>
    %get3A_4 = arith.constant 1 : index
    %get3A_5 = arith.constant 0 : index
    %get3A_6 = arith.constant 0 : index
    %get3A_7 = vector.load %arg2[%get3A_4, %get3A_5, %get3A_6] : memref<2x10000x8xf32, #tpu.memory_space<vmem>>, vector<1x10000x1xf32>
    %get3A_8 = vector.shape_cast %get3A_7 : vector<1x10000x1xf32> to vector<10000x1xf32>
    %add3A = arith.addf %get3A_3, %get3A_8 : vector<10000x1xf32>
    %add3A_9 = arith.constant 1.000000e+00 : f32
    %add3A_10 = vector.broadcast %add3A_9 : f32 to vector<10000x1xf32>
    %add3A_11 = arith.addf %add3A, %add3A_10 : vector<10000x1xf32>
    %rsqrt3A = math.rsqrt %add3A_11 : vector<10000x1xf32>
    %get3A_12 = arith.constant 0 : index
    %get3A_13 = arith.constant 0 : index
    %get3A_14 = vector.load %arg0[%get3A_12, %get3A_13] : memref<10000x128xf32, #tpu.memory_space<vmem>>, vector<10000x128xf32>
    %get3A_15 = arith.constant 0 : index
    %get3A_16 = arith.constant 0 : index
    %get3A_17 = vector.load %arg1[%get3A_15, %get3A_16] : memref<128x128xf32, #tpu.memory_space<vmem>>, vector<128x128xf32>
    %dot_general3A = arith.constant dense<0.000000e+00> : vector<10000x128xf32>
    %dot_general3A_18 = tpu.matmul %get3A_14, %get3A_17, %dot_general3A {dimension_numbers = #tpu.dot_dimension_numbers<[1], [0], [0], [1], [0, 0, 1, 1], [], []>, transpose_lhs_hint = false} : vector<10000x128xf32>, vector<128x128xf32>, vector<10000x128xf32> -> vector<10000x128xf32>
    %mul3A = vector.broadcast %rsqrt3A : vector<10000x1xf32> to vector<10000x128xf32>
    %mul3A_19 = arith.mulf %dot_general3A_18, %mul3A : vector<10000x128xf32>
    %swap3A = arith.constant 0 : index
    %swap3A_20 = arith.constant 0 : index
    %swap3A_21 = vector.load %arg3[%swap3A, %swap3A_20] : memref<10000x128xf32, #tpu.memory_space<vmem>>, vector<10000x128xf32>
    tpu.vector_store %arg3[%swap3A, %swap3A_20], %mul3A_19 {strides = array<i32>} : memref<10000x128xf32, #tpu.memory_space<vmem>>, vector<10000x128xf32>,
    %broadcast_in_dim3A = vector.shape_cast %rsqrt3A : vector<10000x1xf32> to vector<10000x1xf32>
    %broadcast_in_dim3A_22 = vector.broadcast %broadcast_in_dim3A : vector<10000x1xf32> to vector<10000x8xf32>
    %swap3A_23 = arith.constant 0 : index
    %swap3A_24 = arith.constant 0 : index
    %swap3A_25 = vector.load %arg4[%swap3A_23, %swap3A_24] : memref<10000x8xf32, #tpu.memory_space<vmem>>, vector<10000x8xf32>
    tpu.vector_store %arg4[%swap3A_23, %swap3A_24], %broadcast_in_dim3A_22 {strides = array<i32>} : memref<10000x8xf32, #tpu.memory_space<vmem>>, vector<10000x8xf32>,
    return
  }
}

module attributes {stable_mosaic.version = 14 : i64} {
  func.func @_layer_body(%arg0: memref<2x10240x128xf32, #tpu.memory_space<vmem>>, %arg1: memref<10000x8xf32, #tpu.memory_space<vmem>>, %arg2: memref<1x128xf32, #tpu.memory_space<vmem>>, %arg3: memref<1x128xf32, #tpu.memory_space<vmem>>, %arg4: memref<1x128xf32, #tpu.memory_space<vmem>>, %arg5: memref<1x128xf32, #tpu.memory_space<vmem>>, %arg6: memref<10000x8xi32, #tpu.memory_space<vmem>>, %arg7: memref<128x128xf32, #tpu.memory_space<vmem>>, %arg8: memref<10000x128xf32, #tpu.memory_space<vmem>>) attributes {dimension_semantics = [], scalar_prefetch = 0 : i64, scratch_operands = 0 : i64, tpu.core_type = #tpu.core_type<tc>} {
    %get3A = arith.constant 0 : index
    %get3A_0 = arith.constant 0 : index
    %get3A_1 = vector.load %arg1[%get3A, %get3A_0] : memref<10000x8xf32, #tpu.memory_space<vmem>>, vector<10000x1xf32>
    %get3A_2 = arith.constant 0 : index
    %get3A_3 = arith.constant 0 : index
    %get3A_4 = arith.constant 0 : index
    %get3A_5 = vector.load %arg0[%get3A_2, %get3A_3, %get3A_4] : memref<2x10240x128xf32, #tpu.memory_space<vmem>>, vector<1x10000x128xf32>
    %get3A_6 = vector.shape_cast %get3A_5 : vector<1x10000x128xf32> to vector<10000x128xf32>
    %get3A_7 = arith.constant 1 : index
    %get3A_8 = arith.constant 0 : index
    %get3A_9 = arith.constant 0 : index
    %get3A_10 = vector.load %arg0[%get3A_7, %get3A_8, %get3A_9] : memref<2x10240x128xf32, #tpu.memory_space<vmem>>, vector<1x10000x128xf32>
    %get3A_11 = vector.shape_cast %get3A_10 : vector<1x10000x128xf32> to vector<10000x128xf32>
    %add3A = arith.addf %get3A_6, %get3A_11 : vector<10000x128xf32>
    %mul3A = vector.broadcast %get3A_1 : vector<10000x1xf32> to vector<10000x128xf32>
    %mul3A_12 = arith.mulf %mul3A, %add3A : vector<10000x128xf32>
    %get3A_13 = arith.constant 0 : index
    %get3A_14 = arith.constant 0 : index
    %get3A_15 = vector.load %arg2[%get3A_13, %get3A_14] : memref<1x128xf32, #tpu.memory_space<vmem>>, vector<1x128xf32>
    %add3A_16 = vector.broadcast %get3A_15 : vector<1x128xf32> to vector<10000x128xf32>
    %add3A_17 = arith.addf %mul3A_12, %add3A_16 : vector<10000x128xf32>
    %get3A_18 = arith.constant 0 : index
    %get3A_19 = arith.constant 0 : index
    %get3A_20 = vector.load %arg6[%get3A_18, %get3A_19] : memref<10000x8xi32, #tpu.memory_space<vmem>>, vector<10000x1xi32>
    %get3A_21 = arith.constant 0 : index
    %get3A_22 = arith.constant 0 : index
    %get3A_23 = vector.load %arg3[%get3A_21, %get3A_22] : memref<1x128xf32, #tpu.memory_space<vmem>>, vector<1x128xf32>
    %get3A_24 = arith.constant 0 : index
    %get3A_25 = arith.constant 0 : index
    %get3A_26 = vector.load %arg4[%get3A_24, %get3A_25] : memref<1x128xf32, #tpu.memory_space<vmem>>, vector<1x128xf32>
    %get3A_27 = arith.constant 0 : index
    %get3A_28 = arith.constant 0 : index
    %get3A_29 = vector.load %arg5[%get3A_27, %get3A_28] : memref<1x128xf32, #tpu.memory_space<vmem>>, vector<1x128xf32>
    %iota3A = tpu.iota {dimensions = array<i32: 1>} : vector<10000x64xi32>
    %eq3A = vector.broadcast %get3A_20 : vector<10000x1xi32> to vector<10000x64xi32>
    %eq3A_30 = arith.cmpi eq, %eq3A, %iota3A : vector<10000x64xi32>
    %convert_element_type3A = arith.extui %eq3A_30 : vector<10000x64xi1> to vector<10000x64xi32>
    %convert_element_type3A_31 = arith.sitofp %convert_element_type3A : vector<10000x64xi32> to vector<10000x64xf32>
    %broadcast_in_dim3A = arith.constant 1.000000e+00 : f32
    %broadcast_in_dim3A_32 = vector.broadcast %broadcast_in_dim3A : f32 to vector<10000x1xf32>
    %dot_general3A = arith.constant dense<0.000000e+00> : vector<64x1xf32>
    %dot_general3A_33 = tpu.matmul %convert_element_type3A_31, %broadcast_in_dim3A_32, %dot_general3A {dimension_numbers = #tpu.dot_dimension_numbers<[0], [0], [1], [1], [0, 1, 1, 1], [], []>, precision = #tpu.contract_precision<fp32>, transpose_lhs_hint = false} : vector<10000x64xf32>, vector<10000x1xf32>, vector<64x1xf32> -> vector<64x1xf32>
    %max3A = arith.constant 1.000000e+00 : f32
    %max3A_34 = vector.broadcast %max3A : f32 to vector<64x1xf32>
    %max3A_35 = arith.maximumf %dot_general3A_33, %max3A_34 : vector<64x1xf32>
    %dot_general3A_36 = arith.constant dense<0.000000e+00> : vector<64x128xf32>
    %dot_general3A_37 = tpu.matmul %convert_element_type3A_31, %add3A_17, %dot_general3A_36 {dimension_numbers = #tpu.dot_dimension_numbers<[0], [0], [1], [1], [0, 1, 1, 1], [], []>, precision = #tpu.contract_precision<fp32>, transpose_lhs_hint = false} : vector<10000x64xf32>, vector<10000x128xf32>, vector<64x128xf32> -> vector<64x128xf32>
    %div3A = vector.broadcast %max3A_35 : vector<64x1xf32> to vector<64x128xf32>
    %div3A_38 = arith.divf %dot_general3A_37, %div3A : vector<64x128xf32>
    %mul3A_39 = vector.broadcast %get3A_29 : vector<1x128xf32> to vector<64x128xf32>
    %mul3A_40 = arith.mulf %div3A_38, %mul3A_39 : vector<64x128xf32>
    %convert_element_type3A_41 = arith.truncf %mul3A_40 : vector<64x128xf32> to vector<64x128xbf16>
    %convert_element_type3A_42 = arith.extf %convert_element_type3A_41 : vector<64x128xbf16> to vector<64x128xf32>
    %sub3A = arith.subf %mul3A_40, %convert_element_type3A_42 : vector<64x128xf32>
    %dot_general3A_43 = arith.constant dense<0.000000e+00> : vector<10000x128xf32>
    %dot_general3A_44 = tpu.matmul %convert_element_type3A_31, %convert_element_type3A_42, %dot_general3A_43 {dimension_numbers = #tpu.dot_dimension_numbers<[1], [0], [0], [1], [0, 0, 1, 1], [], []>, transpose_lhs_hint = false} : vector<10000x64xf32>, vector<64x128xf32>, vector<10000x128xf32> -> vector<10000x128xf32>
    %dot_general3A_45 = arith.constant dense<0.000000e+00> : vector<10000x128xf32>
    %dot_general3A_46 = tpu.matmul %convert_element_type3A_31, %sub3A, %dot_general3A_45 {dimension_numbers = #tpu.dot_dimension_numbers<[1], [0], [0], [1], [0, 0, 1, 1], [], []>, transpose_lhs_hint = false} : vector<10000x64xf32>, vector<64x128xf32>, vector<10000x128xf32> -> vector<10000x128xf32>
    %add3A_47 = arith.addf %dot_general3A_44, %dot_general3A_46 : vector<10000x128xf32>
    %sub3A_48 = arith.subf %add3A_17, %add3A_47 : vector<10000x128xf32>
    %mul3A_49 = arith.mulf %sub3A_48, %sub3A_48 : vector<10000x128xf32>
    %dot_general3A_50 = arith.constant dense<0.000000e+00> : vector<64x128xf32>
    %dot_general3A_51 = tpu.matmul %convert_element_type3A_31, %mul3A_49, %dot_general3A_50 {dimension_numbers = #tpu.dot_dimension_numbers<[0], [0], [1], [1], [0, 1, 1, 1], [], []>, precision = #tpu.contract_precision<fp32>, transpose_lhs_hint = false} : vector<10000x64xf32>, vector<10000x128xf32>, vector<64x128xf32> -> vector<64x128xf32>
    %div3A_52 = vector.broadcast %max3A_35 : vector<64x1xf32> to vector<64x128xf32>
    %div3A_53 = arith.divf %dot_general3A_51, %div3A_52 : vector<64x128xf32>
    %add3A_54 = arith.constant 9.99999974E-6 : f32
    %add3A_55 = vector.broadcast %add3A_54 : f32 to vector<64x128xf32>
    %add3A_56 = arith.addf %div3A_53, %add3A_55 : vector<64x128xf32>
    %rsqrt3A = math.rsqrt %add3A_56 : vector<64x128xf32>
    %convert_element_type3A_57 = arith.truncf %rsqrt3A : vector<64x128xf32> to vector<64x128xbf16>
    %convert_element_type3A_58 = arith.extf %convert_element_type3A_57 : vector<64x128xbf16> to vector<64x128xf32>
    %sub3A_59 = arith.subf %rsqrt3A, %convert_element_type3A_58 : vector<64x128xf32>
    %dot_general3A_60 = arith.constant dense<0.000000e+00> : vector<10000x128xf32>
    %dot_general3A_61 = tpu.matmul %convert_element_type3A_31, %convert_element_type3A_58, %dot_general3A_60 {dimension_numbers = #tpu.dot_dimension_numbers<[1], [0], [0], [1], [0, 0, 1, 1], [], []>, transpose_lhs_hint = false} : vector<10000x64xf32>, vector<64x128xf32>, vector<10000x128xf32> -> vector<10000x128xf32>
    %dot_general3A_62 = arith.constant dense<0.000000e+00> : vector<10000x128xf32>
    %dot_general3A_63 = tpu.matmul %convert_element_type3A_31, %sub3A_59, %dot_general3A_62 {dimension_numbers = #tpu.dot_dimension_numbers<[1], [0], [0], [1], [0, 0, 1, 1], [], []>, transpose_lhs_hint = false} : vector<10000x64xf32>, vector<64x128xf32>, vector<10000x128xf32> -> vector<10000x128xf32>
    %add3A_64 = arith.addf %dot_general3A_61, %dot_general3A_63 : vector<10000x128xf32>
    %mul3A_65 = arith.mulf %sub3A_48, %add3A_64 : vector<10000x128xf32>
    %mul3A_66 = vector.broadcast %get3A_23 : vector<1x128xf32> to vector<10000x128xf32>
    %mul3A_67 = arith.mulf %mul3A_65, %mul3A_66 : vector<10000x128xf32>
    %add3A_68 = vector.broadcast %get3A_26 : vector<1x128xf32> to vector<10000x128xf32>
    %add3A_69 = arith.addf %mul3A_67, %add3A_68 : vector<10000x128xf32>
    %max3A_70 = arith.constant 0.000000e+00 : f32
    %max3A_71 = vector.broadcast %max3A_70 : f32 to vector<10000x128xf32>
    %max3A_72 = arith.maximumf %add3A_69, %max3A_71 : vector<10000x128xf32>
    %get3A_73 = arith.constant 0 : index
    %get3A_74 = arith.constant 0 : index
    %get3A_75 = vector.load %arg7[%get3A_73, %get3A_74] : memref<128x128xf32, #tpu.memory_space<vmem>>, vector<128x128xf32>
    %dot_general3A_76 = arith.constant dense<0.000000e+00> : vector<10000x128xf32>
    %dot_general3A_77 = tpu.matmul %max3A_72, %get3A_75, %dot_general3A_76 {dimension_numbers = #tpu.dot_dimension_numbers<[1], [0], [0], [1], [0, 0, 1, 1], [], []>, transpose_lhs_hint = false} : vector<10000x128xf32>, vector<128x128xf32>, vector<10000x128xf32> -> vector<10000x128xf32>
    %mul3A_78 = vector.broadcast %get3A_1 : vector<10000x1xf32> to vector<10000x128xf32>
    %mul3A_79 = arith.mulf %dot_general3A_77, %mul3A_78 : vector<10000x128xf32>
    %swap3A = arith.constant 0 : index
    %swap3A_80 = arith.constant 0 : index
    %swap3A_81 = vector.load %arg8[%swap3A, %swap3A_80] : memref<10000x128xf32, #tpu.memory_space<vmem>>, vector<10000x128xf32>
    tpu.vector_store %arg8[%swap3A, %swap3A_80], %mul3A_79 {strides = array<i32>} : memref<10000x128xf32, #tpu.memory_space<vmem>>, vector<10000x128xf32>,
    return
  }
}

module attributes {stable_mosaic.version = 14 : i64} {
  func.func @_final_body(%arg0: memref<2x10240x128xf32, #tpu.memory_space<vmem>>, %arg1: memref<10000x8xf32, #tpu.memory_space<vmem>>, %arg2: memref<1x128xf32, #tpu.memory_space<vmem>>, %arg3: memref<1x128xf32, #tpu.memory_space<vmem>>, %arg4: memref<1x128xf32, #tpu.memory_space<vmem>>, %arg5: memref<1x128xf32, #tpu.memory_space<vmem>>, %arg6: memref<10000x8xi32, #tpu.memory_space<vmem>>, %arg7: memref<128x128xf32, #tpu.memory_space<vmem>>, %arg8: memref<1x128xf32, #tpu.memory_space<vmem>>, %arg9: memref<128x1xf32, #tpu.memory_space<vmem>>, %arg10: memref<1x1xf32, #tpu.memory_space<vmem>>, %arg11: memref<64x128xf32, #tpu.memory_space<vmem>>) attributes {dimension_semantics = [], scalar_prefetch = 0 : i64, scratch_operands = 0 : i64, tpu.core_type = #tpu.core_type<tc>} {
    %get3A = arith.constant 0 : index
    %get3A_0 = arith.constant 0 : index
    %get3A_1 = vector.load %arg1[%get3A, %get3A_0] : memref<10000x8xf32, #tpu.memory_space<vmem>>, vector<10000x1xf32>
    %get3A_2 = arith.constant 0 : index
    %get3A_3 = arith.constant 0 : index
    %get3A_4 = arith.constant 0 : index
    %get3A_5 = vector.load %arg0[%get3A_2, %get3A_3, %get3A_4] : memref<2x10240x128xf32, #tpu.memory_space<vmem>>, vector<1x10000x128xf32>
    %get3A_6 = vector.shape_cast %get3A_5 : vector<1x10000x128xf32> to vector<10000x128xf32>
    %get3A_7 = arith.constant 1 : index
    %get3A_8 = arith.constant 0 : index
    %get3A_9 = arith.constant 0 : index
    %get3A_10 = vector.load %arg0[%get3A_7, %get3A_8, %get3A_9] : memref<2x10240x128xf32, #tpu.memory_space<vmem>>, vector<1x10000x128xf32>
    %get3A_11 = vector.shape_cast %get3A_10 : vector<1x10000x128xf32> to vector<10000x128xf32>
    %add3A = arith.addf %get3A_6, %get3A_11 : vector<10000x128xf32>
    %mul3A = vector.broadcast %get3A_1 : vector<10000x1xf32> to vector<10000x128xf32>
    %mul3A_12 = arith.mulf %mul3A, %add3A : vector<10000x128xf32>
    %get3A_13 = arith.constant 0 : index
    %get3A_14 = arith.constant 0 : index
    %get3A_15 = vector.load %arg2[%get3A_13, %get3A_14] : memref<1x128xf32, #tpu.memory_space<vmem>>, vector<1x128xf32>
    %add3A_16 = vector.broadcast %get3A_15 : vector<1x128xf32> to vector<10000x128xf32>
    %add3A_17 = arith.addf %mul3A_12, %add3A_16 : vector<10000x128xf32>
    %get3A_18 = arith.constant 0 : index
    %get3A_19 = arith.constant 0 : index
    %get3A_20 = vector.load %arg6[%get3A_18, %get3A_19] : memref<10000x8xi32, #tpu.memory_space<vmem>>, vector<10000x1xi32>
    %get3A_21 = arith.constant 0 : index
    %get3A_22 = arith.constant 0 : index
    %get3A_23 = vector.load %arg3[%get3A_21, %get3A_22] : memref<1x128xf32, #tpu.memory_space<vmem>>, vector<1x128xf32>
    %get3A_24 = arith.constant 0 : index
    %get3A_25 = arith.constant 0 : index
    %get3A_26 = vector.load %arg4[%get3A_24, %get3A_25] : memref<1x128xf32, #tpu.memory_space<vmem>>, vector<1x128xf32>
    %get3A_27 = arith.constant 0 : index
    %get3A_28 = arith.constant 0 : index
    %get3A_29 = vector.load %arg5[%get3A_27, %get3A_28] : memref<1x128xf32, #tpu.memory_space<vmem>>, vector<1x128xf32>
    %iota3A = tpu.iota {dimensions = array<i32: 1>} : vector<10000x64xi32>
    %eq3A = vector.broadcast %get3A_20 : vector<10000x1xi32> to vector<10000x64xi32>
    %eq3A_30 = arith.cmpi eq, %eq3A, %iota3A : vector<10000x64xi32>
    %convert_element_type3A = arith.extui %eq3A_30 : vector<10000x64xi1> to vector<10000x64xi32>
    %convert_element_type3A_31 = arith.sitofp %convert_element_type3A : vector<10000x64xi32> to vector<10000x64xf32>
    %broadcast_in_dim3A = arith.constant 1.000000e+00 : f32
    %broadcast_in_dim3A_32 = vector.broadcast %broadcast_in_dim3A : f32 to vector<10000x1xf32>
    %dot_general3A = arith.constant dense<0.000000e+00> : vector<64x1xf32>
    %dot_general3A_33 = tpu.matmul %convert_element_type3A_31, %broadcast_in_dim3A_32, %dot_general3A {dimension_numbers = #tpu.dot_dimension_numbers<[0], [0], [1], [1], [0, 1, 1, 1], [], []>, precision = #tpu.contract_precision<fp32>, transpose_lhs_hint = false} : vector<10000x64xf32>, vector<10000x1xf32>, vector<64x1xf32> -> vector<64x1xf32>
    %max3A = arith.constant 1.000000e+00 : f32
    %max3A_34 = vector.broadcast %max3A : f32 to vector<64x1xf32>
    %max3A_35 = arith.maximumf %dot_general3A_33, %max3A_34 : vector<64x1xf32>
    %dot_general3A_36 = arith.constant dense<0.000000e+00> : vector<64x128xf32>
    %dot_general3A_37 = tpu.matmul %convert_element_type3A_31, %add3A_17, %dot_general3A_36 {dimension_numbers = #tpu.dot_dimension_numbers<[0], [0], [1], [1], [0, 1, 1, 1], [], []>, precision = #tpu.contract_precision<fp32>, transpose_lhs_hint = false} : vector<10000x64xf32>, vector<10000x128xf32>, vector<64x128xf32> -> vector<64x128xf32>
    %div3A = vector.broadcast %max3A_35 : vector<64x1xf32> to vector<64x128xf32>
    %div3A_38 = arith.divf %dot_general3A_37, %div3A : vector<64x128xf32>
    %mul3A_39 = vector.broadcast %get3A_29 : vector<1x128xf32> to vector<64x128xf32>
    %mul3A_40 = arith.mulf %div3A_38, %mul3A_39 : vector<64x128xf32>
    %convert_element_type3A_41 = arith.truncf %mul3A_40 : vector<64x128xf32> to vector<64x128xbf16>
    %convert_element_type3A_42 = arith.extf %convert_element_type3A_41 : vector<64x128xbf16> to vector<64x128xf32>
    %sub3A = arith.subf %mul3A_40, %convert_element_type3A_42 : vector<64x128xf32>
    %dot_general3A_43 = arith.constant dense<0.000000e+00> : vector<10000x128xf32>
    %dot_general3A_44 = tpu.matmul %convert_element_type3A_31, %convert_element_type3A_42, %dot_general3A_43 {dimension_numbers = #tpu.dot_dimension_numbers<[1], [0], [0], [1], [0, 0, 1, 1], [], []>, transpose_lhs_hint = false} : vector<10000x64xf32>, vector<64x128xf32>, vector<10000x128xf32> -> vector<10000x128xf32>
    %dot_general3A_45 = arith.constant dense<0.000000e+00> : vector<10000x128xf32>
    %dot_general3A_46 = tpu.matmul %convert_element_type3A_31, %sub3A, %dot_general3A_45 {dimension_numbers = #tpu.dot_dimension_numbers<[1], [0], [0], [1], [0, 0, 1, 1], [], []>, transpose_lhs_hint = false} : vector<10000x64xf32>, vector<64x128xf32>, vector<10000x128xf32> -> vector<10000x128xf32>
    %add3A_47 = arith.addf %dot_general3A_44, %dot_general3A_46 : vector<10000x128xf32>
    %sub3A_48 = arith.subf %add3A_17, %add3A_47 : vector<10000x128xf32>
    %mul3A_49 = arith.mulf %sub3A_48, %sub3A_48 : vector<10000x128xf32>
    %dot_general3A_50 = arith.constant dense<0.000000e+00> : vector<64x128xf32>
    %dot_general3A_51 = tpu.matmul %convert_element_type3A_31, %mul3A_49, %dot_general3A_50 {dimension_numbers = #tpu.dot_dimension_numbers<[0], [0], [1], [1], [0, 1, 1, 1], [], []>, precision = #tpu.contract_precision<fp32>, transpose_lhs_hint = false} : vector<10000x64xf32>, vector<10000x128xf32>, vector<64x128xf32> -> vector<64x128xf32>
    %div3A_52 = vector.broadcast %max3A_35 : vector<64x1xf32> to vector<64x128xf32>
    %div3A_53 = arith.divf %dot_general3A_51, %div3A_52 : vector<64x128xf32>
    %add3A_54 = arith.constant 9.99999974E-6 : f32
    %add3A_55 = vector.broadcast %add3A_54 : f32 to vector<64x128xf32>
    %add3A_56 = arith.addf %div3A_53, %add3A_55 : vector<64x128xf32>
    %rsqrt3A = math.rsqrt %add3A_56 : vector<64x128xf32>
    %convert_element_type3A_57 = arith.truncf %rsqrt3A : vector<64x128xf32> to vector<64x128xbf16>
    %convert_element_type3A_58 = arith.extf %convert_element_type3A_57 : vector<64x128xbf16> to vector<64x128xf32>
    %sub3A_59 = arith.subf %rsqrt3A, %convert_element_type3A_58 : vector<64x128xf32>
    %dot_general3A_60 = arith.constant dense<0.000000e+00> : vector<10000x128xf32>
    %dot_general3A_61 = tpu.matmul %convert_element_type3A_31, %convert_element_type3A_58, %dot_general3A_60 {dimension_numbers = #tpu.dot_dimension_numbers<[1], [0], [0], [1], [0, 0, 1, 1], [], []>, transpose_lhs_hint = false} : vector<10000x64xf32>, vector<64x128xf32>, vector<10000x128xf32> -> vector<10000x128xf32>
    %dot_general3A_62 = arith.constant dense<0.000000e+00> : vector<10000x128xf32>
    %dot_general3A_63 = tpu.matmul %convert_element_type3A_31, %sub3A_59, %dot_general3A_62 {dimension_numbers = #tpu.dot_dimension_numbers<[1], [0], [0], [1], [0, 0, 1, 1], [], []>, transpose_lhs_hint = false} : vector<10000x64xf32>, vector<64x128xf32>, vector<10000x128xf32> -> vector<10000x128xf32>
    %add3A_64 = arith.addf %dot_general3A_61, %dot_general3A_63 : vector<10000x128xf32>
    %mul3A_65 = arith.mulf %sub3A_48, %add3A_64 : vector<10000x128xf32>
    %mul3A_66 = vector.broadcast %get3A_23 : vector<1x128xf32> to vector<10000x128xf32>
    %mul3A_67 = arith.mulf %mul3A_65, %mul3A_66 : vector<10000x128xf32>
    %add3A_68 = vector.broadcast %get3A_26 : vector<1x128xf32> to vector<10000x128xf32>
    %add3A_69 = arith.addf %mul3A_67, %add3A_68 : vector<10000x128xf32>
    %max3A_70 = arith.constant 0.000000e+00 : f32
    %max3A_71 = vector.broadcast %max3A_70 : f32 to vector<10000x128xf32>
    %max3A_72 = arith.maximumf %add3A_69, %max3A_71 : vector<10000x128xf32>
    %get3A_73 = arith.constant 0 : index
    %get3A_74 = arith.constant 0 : index
    %get3A_75 = vector.load %arg7[%get3A_73, %get3A_74] : memref<128x128xf32, #tpu.memory_space<vmem>>, vector<128x128xf32>
    %dot_general3A_76 = arith.constant dense<0.000000e+00> : vector<10000x128xf32>
    %dot_general3A_77 = tpu.matmul %max3A_72, %get3A_75, %dot_general3A_76 {dimension_numbers = #tpu.dot_dimension_numbers<[1], [0], [0], [1], [0, 0, 1, 1], [], []>, transpose_lhs_hint = false} : vector<10000x128xf32>, vector<128x128xf32>, vector<10000x128xf32> -> vector<10000x128xf32>
    %get3A_78 = arith.constant 0 : index
    %get3A_79 = arith.constant 0 : index
    %get3A_80 = vector.load %arg8[%get3A_78, %get3A_79] : memref<1x128xf32, #tpu.memory_space<vmem>>, vector<1x128xf32>
    %add3A_81 = vector.broadcast %get3A_80 : vector<1x128xf32> to vector<10000x128xf32>
    %add3A_82 = arith.addf %dot_general3A_77, %add3A_81 : vector<10000x128xf32>
    %max3A_83 = arith.constant 0.000000e+00 : f32
    %max3A_84 = vector.broadcast %max3A_83 : f32 to vector<10000x128xf32>
    %max3A_85 = arith.maximumf %add3A_82, %max3A_84 : vector<10000x128xf32>
    %get3A_86 = arith.constant 0 : index
    %get3A_87 = arith.constant 0 : index
    %get3A_88 = vector.load %arg9[%get3A_86, %get3A_87] : memref<128x1xf32, #tpu.memory_space<vmem>>, vector<128x1xf32>
    %dot_general3A_89 = arith.constant dense<0.000000e+00> : vector<10000x1xf32>
    %dot_general3A_90 = tpu.matmul %max3A_85, %get3A_88, %dot_general3A_89 {dimension_numbers = #tpu.dot_dimension_numbers<[1], [0], [0], [1], [0, 0, 1, 1], [], []>, transpose_lhs_hint = false} : vector<10000x128xf32>, vector<128x1xf32>, vector<10000x1xf32> -> vector<10000x1xf32>
    %get3A_91 = arith.constant 0 : index
    %get3A_92 = arith.constant 0 : index
    %get3A_93 = vector.load %arg10[%get3A_91, %get3A_92] : memref<1x1xf32, #tpu.memory_space<vmem>>, vector<1x1xf32>
    %add3A_94 = vector.broadcast %get3A_93 : vector<1x1xf32> to vector<10000x1xf32>
    %add3A_95 = arith.addf %dot_general3A_90, %add3A_94 : vector<10000x1xf32>
    %get3A_96 = arith.constant 0 : index
    %get3A_97 = arith.constant 0 : index
    %get3A_98 = vector.load %arg6[%get3A_96, %get3A_97] : memref<10000x8xi32, #tpu.memory_space<vmem>>, vector<10000x1xi32>
    %iota3A_99 = tpu.iota {dimensions = array<i32: 1>} : vector<10000x64xi32>
    %eq3A_100 = vector.broadcast %get3A_98 : vector<10000x1xi32> to vector<10000x64xi32>
    %eq3A_101 = arith.cmpi eq, %eq3A_100, %iota3A_99 : vector<10000x64xi32>
    %jit3A = arith.constant 0xFF800000 : f32
    %broadcast_in_dim3A_102 = vector.shape_cast %add3A_95 : vector<10000x1xf32> to vector<10000x1xf32>
    %broadcast_in_dim3A_103 = vector.broadcast %broadcast_in_dim3A_102 : vector<10000x1xf32> to vector<10000x64xf32>
    %broadcast_in_dim3A_104 = vector.broadcast %jit3A : f32 to vector<10000x64xf32>
    %select_n3A = arith.select %eq3A_101, %broadcast_in_dim3A_103, %broadcast_in_dim3A_104 : vector<10000x64xi1>, vector<10000x64xf32>
    %reduce_max3A = arith.constant dense<0xFF800000> : vector<64xf32>
    %reduce_max3A_105 = vector.multi_reduction <maximumf>, %select_n3A, %reduce_max3A [0] : vector<10000x64xf32> to vector<64xf32>
    %broadcast_in_dim3A_106 = vector.shape_cast %reduce_max3A_105 : vector<64xf32> to vector<1x64xf32>
    %sub3A_107 = vector.broadcast %add3A_95 : vector<10000x1xf32> to vector<10000x64xf32>
    %sub3A_108 = vector.broadcast %broadcast_in_dim3A_106 : vector<1x64xf32> to vector<10000x64xf32>
    %sub3A_109 = arith.subf %sub3A_107, %sub3A_108 : vector<10000x64xf32>
    %exp3A = math.exp %sub3A_109 : vector<10000x64xf32>
    %jit3A_110 = arith.constant 0.000000e+00 : f32
    %broadcast_in_dim3A_111 = vector.broadcast %jit3A_110 : f32 to vector<10000x64xf32>
    %select_n3A_112 = arith.select %eq3A_101, %exp3A, %broadcast_in_dim3A_111 : vector<10000x64xi1>, vector<10000x64xf32>
    %broadcast_in_dim3A_113 = arith.constant 1.000000e+00 : f32
    %broadcast_in_dim3A_114 = vector.broadcast %broadcast_in_dim3A_113 : f32 to vector<10000x1xf32>
    %dot_general3A_115 = arith.constant dense<0.000000e+00> : vector<64x1xf32>
    %dot_general3A_116 = tpu.matmul %select_n3A_112, %broadcast_in_dim3A_114, %dot_general3A_115 {dimension_numbers = #tpu.dot_dimension_numbers<[0], [0], [1], [1], [0, 1, 1, 1], [], []>, precision = #tpu.contract_precision<fp32>, transpose_lhs_hint = false} : vector<10000x64xf32>, vector<10000x1xf32>, vector<64x1xf32> -> vector<64x1xf32>
    %dot_general3A_117 = arith.constant dense<0.000000e+00> : vector<64x128xf32>
    %dot_general3A_118 = tpu.matmul %select_n3A_112, %max3A_72, %dot_general3A_117 {dimension_numbers = #tpu.dot_dimension_numbers<[0], [0], [1], [1], [0, 1, 1, 1], [], []>, precision = #tpu.contract_precision<fp32>, transpose_lhs_hint = false} : vector<10000x64xf32>, vector<10000x128xf32>, vector<64x128xf32> -> vector<64x128xf32>
    %add3A_119 = arith.constant 1.000000e-16 : f32
    %add3A_120 = vector.broadcast %add3A_119 : f32 to vector<64x1xf32>
    %add3A_121 = arith.addf %dot_general3A_116, %add3A_120 : vector<64x1xf32>
    %div3A_122 = vector.broadcast %add3A_121 : vector<64x1xf32> to vector<64x128xf32>
    %div3A_123 = arith.divf %dot_general3A_118, %div3A_122 : vector<64x128xf32>
    %swap3A = arith.constant 0 : index
    %swap3A_124 = arith.constant 0 : index
    %swap3A_125 = vector.load %arg11[%swap3A, %swap3A_124] : memref<64x128xf32, #tpu.memory_space<vmem>>, vector<64x128xf32>
    tpu.vector_store %arg11[%swap3A, %swap3A_124], %div3A_123 {strides = array<i32>} : memref<64x128xf32, #tpu.memory_space<vmem>>, vector<64x128xf32>,
    return
  }
}

</mosaic_0001>

<sc_bundles>
// kernel: kernel.10.cloned.1.call-start
scs
__scs_entry_jumppad:
0x0: {  	(pc) =	sbr.rel $0x88, $3  }
0x1: {  	(tag) =	ssettag $0x0;
	lr =	simm.s32 $0x1  }
0x2: {  	[smem:$0x3F8B] =	sst lr;
	_ =	strace $0xD0000000  }
0x3: {  	_ = 	snop  }
0x4: {  	_ = 	snop  }
0x5: {  	_ = 	snop  }
0x6: {  	_ = 	snop  }
0x7: {  	_ = 	snop  }
__scs_overlays_trampoline_lowered:
0x8: {  	[smem:$0x3F9A] =	sst s0  }
0x9: {  	[smem:$0x3F9B] =	sst s1  }
0xa: {  	[smem:$0x3F9C] =	sst s2  }
0xb: {  	[smem:$0x3F9D] =	sst s3  }
0xc: {  	[smem:$0x3F9E] =	sst s4  }
0xd: {  	[smem:$0x3F9F] =	sst s5  }
0xe: {  	[smem:$0x3FA0] =	sst s6  }
0xf: {  	[smem:$0x3FA1] =	sst s7  }
0x10: {  	[smem:$0x3FA2] =	sst s8  }
0x11: {  	[smem:$0x3FA3] =	sst s9;
	s0 =	simm.s32 @!p0 $0x0  }
0x12: {  	s1 =	sld [smem:$0x3F89];
	s0 =	simm.s32 @p0 $0x1  }
0x13: {  	[smem:$0x3FA4] =	sst s0;
	s0 =	simm.s32 @!p1 $0x0  }
0x14: {  	s2 =	sld [smem:$0x3F88];
	s0 =	simm.s32 @p1 $0x1  }
0x15: {  	[smem:$0x3FA5] =	sst s0;
	s0 =	simm.s32 @!p2 $0x0  }
0x16: {  	s3 =	sld [smem:$0x3FDB];
	s0 =	simm.s32 @p2 $0x1  }
0x17: {  	s4 =	simm.s32 $0x1BF5;
	[smem:$0x3FA7] =	sst s0  }
0x18: {  	s0 =	sld [smem:$0x3F8A];
	_ =	swait.ge [sflag:s4], $0x0  }
0x19: {  	s7 =	sld [smem:$0x3F8B]  }
0x1a: {  	s8 =	sadd.s32 $0xFFFFE003, lr  }
0x1b: {  	s9 =	sadd.s32 $0xFFFFFEF7, lr;
	s5 =	simm.s32 $0xFFFFFFFF;
	p2 =	slt.u32 s8, $0xFFFFF086  }
0x1c: {  	p1 =	slt.u32 s9, $0xF7A;
	s5 =	simm.s32 @!p2 $0x0  }
0x1d: {  	s5 =	simm.s32 @p1 $0x1;
	p0 =	seq.s32 s7, s2  }
0x1e: {  	s7 =	smul.u32 @!p0 $0xF7A, s2;
	p2 =	seq.s32 @!p0 s5, $0x0  }
0x1f: {  	s9 =	smul.u32 $0xF7A, s1;
	s8 =	simm.s32 @!p0 $0x1BF5;
	p2 =	por !p2, p0  }
0x20: {  	[sflag:s8] =	ssyncset.s32 @!p0 $0xFFFFF086;
	s6 =	sadd.s32 @!p0 s3, s7;
	s7 =	simm.s32 @!p0 $0x108  }
0x21: {  	s3 =	sadd.s32 s3, s9;
	s6 =	sadd.s32 @!p0 $0x88, s6;
	s7 =	simm.s32 @p2 $0x1082  }
0x22: {  	[simem:s7], [sflag:s8] =	dma.local @!p0 [hbm:s6], $0xF7A  }
0x23: {  	s9 =	sor.u32 $0xD0000000, s2;
	s6 =	simm.s32 $0x108;
	_ =	swait.ge @!p0 [sflag:s8], $0x0  }
0x24: {  	s3 =	sadd.s32 $0x88, s3;
	s6 =	simm.s32 @!p1 $0x1082;
	[sflag:s4] =	ssyncset.s32 $0xFFFFF086  }
0x25: {  	[simem:s6], [sflag:s4] =	dma.local [hbm:s3], $0xF7A  }
0x26: {  	[smem:$0x3F8B] =	sst s1;
	(tag) =	ssettag s2;
	_ =	strace s9  }
0x27: {  	s1 =	sld [smem:$0x3F9B]  }
0x28: {  	s2 =	sld [smem:$0x3F9C]  }
0x29: {  	s4 =	sld [smem:$0x3F9E]  }
0x2a: {  	p0 =	seq.s32 s5, $0x0;
	s5 =	sld [smem:$0x3F9F]  }
0x2b: {  	s6 =	sld [smem:$0x3FA0]  }
0x2c: {  	s7 =	sld [smem:$0x3FA1]  }
0x2d: {  	s3 =	simm.s32 $0x108;
	s8 =	sld [smem:$0x3FA2]  }
0x2e: {  	s3 =	simm.s32 @!p0 $0x1082;
	s9 =	sld [smem:$0x3FA3]  }
0x2f: {  	lr =	sadd.s32 s0, s3;
	s0 =	sld [smem:$0x3F9A]  }
0x30: {  	s3 =	sld [smem:$0x3F9D]  }
0x31: {  	[smem:$0x3FA6] =	sst s10  }
0x32: {  	s10 =	sld [smem:$0x3FA4];
	_ =	sdelay $0x3  }
0x33: {  	p0 =	seq.s32 s10, $0x1;
	s10 =	sld [smem:$0x3FA6];
	_ =	sdelay $0x3  }
0x34: {  	[smem:$0x3FA6] =	sst s10  }
0x35: {  	s10 =	sld [smem:$0x3FA5];
	_ =	sdelay $0x3  }
0x36: {  	p1 =	seq.s32 s10, $0x1;
	s10 =	sld [smem:$0x3FA6];
	_ =	sdelay $0x3  }
0x37: {  	[smem:$0x3FA6] =	sst s10  }
0x38: {  	s10 =	sld [smem:$0x3FA7]  }
0x39: {  	_ = 	snop;
	(pc) =	sbr.ind lr, $3  }
0x3a: {  	_ = 	snop  }
0x3b: {  	_ = 	snop  }
0x3c: {  	p2 =	seq.s32 s10, $0x1;
	s10 =	sld [smem:$0x3FA6]  }
0x3d: {  	_ =	shalt  }
0x3e: {  	_ =	shalt  }
0x3f: {  	_ =	shalt  }
0x40: {  	_ =	shalt  }
0x41: {  	_ =	shalt  }
0x42: {  	_ =	shalt  }
0x43: {  	_ =	shalt  }
0x44: {  	_ =	shalt  }
0x45: {  	_ =	shalt  }
0x46: {  	_ =	shalt  }
0x47: {  	_ =	shalt  }
0x48: {  	_ =	shalt  }
0x49: {  	_ =	shalt  }
0x4a: {  	_ =	shalt  }
0x4b: {  	_ =	shalt  }
0x4c: {  	_ =	shalt  }
0x4d: {  	_ =	shalt  }
0x4e: {  	_ =	shalt  }
0x4f: {  	_ =	shalt  }
0x50: {  	_ =	shalt  }
0x51: {  	_ =	shalt  }
0x52: {  	_ =	shalt  }
0x53: {  	_ =	shalt  }
0x54: {  	_ =	shalt  }
0x55: {  	_ =	shalt  }
0x56: {  	_ =	shalt  }
0x57: {  	_ =	shalt  }
0x58: {  	_ =	shalt  }
0x59: {  	_ =	shalt  }
0x5a: {  	_ =	shalt  }
0x5b: {  	_ =	shalt  }
0x5c: {  	_ =	shalt  }
0x5d: {  	_ =	shalt  }
0x5e: {  	_ =	shalt  }
0x5f: {  	_ =	shalt  }
0x60: {  	_ =	shalt  }
0x61: {  	_ =	shalt  }
0x62: {  	_ =	shalt  }
0x63: {  	_ =	shalt  }
0x64: {  	_ =	shalt  }
0x65: {  	_ =	shalt  }
0x66: {  	_ =	shalt  }
0x67: {  	_ =	shalt  }
0x68: {  	_ =	shalt  }
0x69: {  	_ =	shalt  }
0x6a: {  	_ =	shalt  }
0x6b: {  	_ =	shalt  }
0x6c: {  	_ =	shalt  }
0x6d: {  	_ =	shalt  }
0x6e: {  	_ =	shalt  }
0x6f: {  	_ =	shalt  }
0x70: {  	_ =	shalt  }
0x71: {  	_ =	shalt  }
0x72: {  	_ =	shalt  }
0x73: {  	_ =	shalt  }
0x74: {  	_ =	shalt  }
0x75: {  	_ =	shalt  }
0x76: {  	_ =	shalt  }
0x77: {  	_ =	shalt  }
0x78: {  	_ =	shalt  }
0x79: {  	_ =	shalt  }
0x7a: {  	_ =	shalt  }
0x7b: {  	_ =	shalt  }
0x7c: {  	_ =	shalt  }
0x7d: {  	_ =	shalt  }
0x7e: {  	_ =	shalt  }
0x7f: {  	_ =	shalt  }
0x80: {  	_ =	shalt  }
0x81: {  	_ =	shalt  }
0x82: {  	_ =	shalt  }
0x83: {  	_ =	shalt  }
0x84: {  	_ =	shalt  }
0x85: {  	_ =	shalt  }
0x86: {  	_ =	shalt  }
0x87: {  	_ =	shalt  }
.Lfunc_end0:
.L_simem_size_0:
called_computation_lowered:
.L_overlay_start_0:
0x88: {  	s2 =	sld [smem:$0x3FD9]  }
0x89: {  	s3 =	sld [smem:$0x3FFE];
	_ =	sdelay $0x1  }
0x8a: {  	s1 =	srdreg.scid  }
0x8b: {  	s0 =	sand.u32 $0x1, s1  }
0x8c: {  	s17 =	sshll.u32 s0, $0xA;
	s2 =	sadd.s32 s3, s2  }
0x8d: {  	s2 =	sadd.s32 s2, s17  }
0x8e: {  	[smem:$0x3FB2] =	sst s2  }
0x8f: {  	_ = 	snop  }
0x90: {  	s2 =	sld [smem:$0x3FD0];
	(tm) =	ssettm $0x1  }
0x91: {  	s18 =	sld [smem:$0x3FFB];
	_ =	sdelay $0x3  }
0x92: {  	_ =	strace s18  }
0x93: {  	s3 =	sld [smem:$0x3FFC];
	_ =	sdelay $0x3  }
0x94: {  	_ =	strace s3  }
0x95: {  	s3 =	sld [smem:$0x3FFD];
	_ =	sdelay $0x3  }
0x96: {  	_ =	strace s3  }
0x97: {  	_ =	strace $0x8FFFFFFF  }
0x98: {  	s19 =	sld [smem:$0x3FDB];
	_ =	sdelay $0x1  }
0x99: {  	s4 =	simm.s32 $_scs_section_size  }
0x9a: {  	s5 =	simm.s32 $_size__tile_overlayer_lowered;
	s6 =	simm.s32 $_tile_overlayer_lowered  }
0x9b: {  	s22 =	simm.s32 $0x1BFF;
	s21 =	sshll.u32 s6, $0x1;
	s3 =	sadd.s32 s4, s19  }
0x9c: {  	s7 =	simm.s32 $0x0;
	s20 =	sshll.u32 s5, $0x1;
	s5 =	sadd.s32 s21, s3  }
0x9d: {  	[timem:s7], [sflag:s22] =	dma.local [hbm:s5], s20  }
0x9e: {  	_ =	swait.ge [sflag:s22], s20  }
0x9f: {  	s4 =	ssub.s32 $0x0, s20;
	[sflag:s22] =	ssyncset.done $0x0  }
0xa0: {  	[sflag:s22] =	ssyncadd.s32 s4;
	_ =	sdelay $0x1  }
0xa1: {  	s23 =	simm.s32 $0x1B8B  }
0xa2: {  	_ =	swait.ge [sflag:s23], $0x1  }
0xa3: {  	[sflag:s23] =	ssyncset.done $0x0  }
0xa4: {  	s25 =	simm.s32 $0x1B8E;
	s24 =	sld [smem:$0x3FFE];
	[sflag:s23] =	ssyncadd.s32 $0xFFFFFFFF  }
0xa5: {  	s26 =	simm.s32 $execute0_lowered;
	[smem:$0x3FD2] =	sst s25  }
0xa6: {  	s5 =	sshll.u32 s26, $0x1;
	_ =	strace $0x80000046;
	[dreg:$0x1] =	wrdreg $0xFFFFFFFF  }
0xa7: {  	s28 =	simm.s32 $_size_execute0_lowered;
	s3 =	sadd.s32 s3, s5;
	[dreg:$0x0] =	wrdreg $0x0  }
0xa8: {  	s5 =	sshll.u32 s28, $0x1;
	[dreg:$0x2] =	wrdreg s3  }
0xa9: {  	[dreg:$0x3] =	wrdreg s5  }
0xaa: {  	[dreg:$0x4] =	wrdreg $0xC0  }
0xab: {  	_ =	task [dreg:s7], $0x5FFFF  }
0xac: {  	[dreg:$0x1] =	wrdreg $0xFFFFFFFF  }
0xad: {  	[dreg:$0x0] =	wrdreg $0x60  }
0xae: {  	[dreg:$0x2] =	wrdreg s24  }
0xaf: {  	[dreg:$0x3] =	wrdreg s2  }
0xb0: {  	[dreg:$0x4] =	wrdreg $0x68000  }
0xb1: {  	[dreg:$0x5] =	wrdreg $0x9  }
0xb2: {  	_ =	task.clear_ibuf [dreg:s7], $0x6FFFF;
	_ =	strace $0x90000046  }
0xb3: {  	s29 =	simm.s32 $0x9;
	_ =	strace $0x80000048  }
0xb4: {  	_ =	swait.ge [sflag:s29], $0x1  }
0xb5: {  	[sflag:s29] =	ssyncadd.s32 $0xFFFFFFFF  }
0xb6: {  	_ =	strace $0x90000048  }
0xb7: {  	_ =	sfence  }
0xb8: {  	s30 =	sld [smem:$0x0];
	_ =	sdelay $0x2  }
0xb9: {  	s31 =	sshll.u32 s1, $0xD;
	s1 =	sshrl.u32 s1, $0x2  }
0xba: {  	s3 =	sand.u32 $0x4000, s31;
	s1 =	sadd.s32 s1, s30  }
0xbb: {  	s0 =	sor.u32 s3, s0;
	s1 =	sshll.u32 s1, $0x11  }
0xbc: {  	s0 =	sor.u32 s1, s0  }
0xbd: {  	s0 =	sadd.s32 $0x8F2B, s0  }
0xbe: {  	[sflag:s0] =	ssyncadd.remote.s32 $0x1  }
0xbf: {  	_ =	sfence.sel $0xFFFF  }
0xc0: {  	[dreg:$0x0] =	wrdreg $0xFFFFFFFF;
	(pc) =	sbr.abs _section_cstart, $3  }
0xc1: {  	[dreg:$0x1] =	wrdreg $0xFFFFFFFF  }
0xc2: {  	_ =	task.clear_ibuf [dreg:s7], $0x2FFFF;
	_ =	strace $0x9FFFFFFF  }
0xc3: {  	(tm) =	ssettm $0x7FFFFFFF  }
tec
execute0_lowered:
.L_overlay_start_1:
0x0: {  	(tag) =	ssettag $0x1  }
0x1: {  	s6 =	rddreg [dreg:$0x0]  }
0x2: {  	s2 =	rddreg [dreg:$0x1]  }
0x3: {  	s0 =	srdreg.scid;
	s3 =	rddreg [dreg:$0x2];
	s4 =	simm.s32 $0x0  }
0x4: {  	s11 =	simm.s32 $0x6780;
	s14 =	simm.s32 $0x80;
	s15 =	simm.s32 $0x0  }
0x5: {  	s7 =	sand.u32 $0x1, s0;
	s0 =	stileid.u32;
	[smem:$0x7FF] =	sst s4  }
0x6: {  	s1 =	sshll.u32 s7, $0x4;
	s9 =	sshll.u32 s0, $0x7;
	s10 =	ssub.s32 $0x2, s7  }
0x7: {  	s7 =	sshll.u32 s7, $0xB;
	s31 =	sshll.u32 s0, $0xA;
	s5 =	sor.u32 s0, s1  }
0x8: {  	s12 =	sshll.u32 s0, $0x6;
	s1 =	rddreg [dreg:$0x3];
	s5 =	smul.u32 $0x4E2, s5  }
0x9: {  	_ =	strace $0x80000047;
	s30 =	sshrl.u32 s10, $0x1;
	s13 =	sadd.s32 s31, s3  }
0xa: {  	s12 =	sor.u32 $0x1C01, s12;
	s13 =	sshrl.u32 s13, $0x3;
	s8 =	sadd.s32 s5, s6  }
0xb: {  	s5 =	sadd.s32 $0x14A00, s6;
	s6 =	sadd.s32 s9, s6;
	s9 =	ssub.s32 s10, s30  }
0xc: {  	s10 =	simm.s32 $0x1;
	s7 =	sadd.s32 s7, s6;
	s6 =	sadd.s32 $0xAC00, s8  }
0xd: {  	v0 =	vimm.s32 $0x0;
	v1 =	vimm.f32 $1.000000000e+00;
	s8 =	smax.u32 s9, $0x1;
	s9 =	simm.s32 $0x2780;
	s7 =	sadd.s32 $0x15200, s7  }
.LBB2_1:
0xe: {  	[tilespmem:s9], [sflag:$0x1] =	stream.linear.gather [hbm4b:s5+s4], $0x4000, $0x38;
	[tilespmem:$0x6C00] =	vst v63  }
0xf: {  	_ =	swait.ge [sflag:s10], $0x4000  }
0x10: {  	[sflag:s10] =	ssyncset.done $0x0  }
0x11: {  	[sflag:s10] =	ssyncadd.s32 $0xFFFFC000  }
0x12: {  	[tilespmem:s11], [sflag:$0x1] =	stream.linear.gather [hbm4b:s2+s4], $0x80, $0x38;
	[tilespmem:$0x6C00] =	vst v63  }
0x13: {  	_ =	swait.ge [sflag:s10], $0x80  }
0x14: {  	[sflag:s10] =	ssyncset.done $0x0  }
0x15: {  	[sflag:s10] =	ssyncadd.s32 $0xFFFFFF80  }
0x16: {  	[tilespmem:s4], [sflag:$0x1] =	stream.linear.gather [hbm4b:s6+s4], $0x2710, $0x38;
	[tilespmem:$0x6C00] =	vst v63  }
0x17: {  	_ =	swait.ge [sflag:s10], $0x2710  }
0x18: {  	[sflag:s10] =	ssyncset.done $0x0  }
0x19: {  	[sflag:s10] =	ssyncadd.s32 $0xFFFFD8F0  }
0x1a: {  	[spmem:s13], [sflag:s12] =	dma.local [hbm:s5], $0x80  }
0x1b: {  	_ =	swait.ge [sflag:s10], $0x80  }
0x1c: {  	[sflag:s10] =	ssyncset.done $0x0  }
0x1d: {  	s17 =	simm.s32 $0x0;
	s16 =	simm.s32 $0x40;
	[sflag:s10] =	ssyncadd.s32 $0xFFFFFF80  }
.LBB2_2:
0x1e: {  	p0 =	sne.s32 s16, $0x9C00;
	v2 =	vld [tilespmem:s17+$0x0];
	_ =	sdelay $0x4  }
0x1f: {  	v3 =	vshra.s32 v2, $0x1F  }
0x20: {  	v3 =	vshrl.u32 v3, $0x19  }
0x21: {  	v3 =	vadd.s32 v3, v2  }
0x22: {  	v3 =	vshra.s32 v3, $0x7  }
0x23: {  	v4 =	vshll.u32 v3, $0x7  }
0x24: {  	vm0 =	vlt.s32 v2, $0x1;
	vm1 =	vne.s32 v2, v4  }
0x25: {  	vm0 =	vmand vm0, vm1  }
0x26: {  	v4 =	vsel vm0, $0xFFFFFFFF, v0  }
0x27: {  	v3 =	vadd.s32 v4, v3  }
0x28: {  	v2 =	vand.u32 $0x7F, v2;
	v3 =	vshll.u32 v3, $0x7  }
0x29: {  	v2 =	vor.u32 v2, v3  }
.Ltmp0:
0x2a: {  	(pc) =	sbr.rel @p0 .LBB2_2-.Ltmp0, $2  }
0x2b: {  	_ =	sdelay $0x2  }
0x2c: {  	s17 =	sshra.s32 s16, $0x2;
	s16 =	sadd.s32 $0x40, s16;
	[tilespmem:v2+s9+$0x0] =	vst.idx.add.f32.msk $0xffff, v1  }
0x2d: {  	v2 =	vld [tilespmem:s17+$0x0];
	_ =	sdelay $0x4  }
0x2e: {  	v3 =	vshra.s32 v2, $0x1F  }
0x2f: {  	v3 =	vshrl.u32 v3, $0x19  }
0x30: {  	v3 =	vadd.s32 v3, v2  }
0x31: {  	v3 =	vshra.s32 v3, $0x7  }
0x32: {  	v4 =	vshll.u32 v3, $0x7  }
0x33: {  	vm0 =	vlt.s32 v2, $0x1;
	vm1 =	vne.s32 v2, v4  }
0x34: {  	vm0 =	vmand vm0, vm1  }
0x35: {  	v63 =	vsel vm0, $0xFFFFFFFF, v0  }
0x36: {  	v3 =	vadd.s32 v63, v3  }
0x37: {  	v2 =	vand.u32 $0x7F, v2;
	v3 =	vshll.u32 v3, $0x7  }
0x38: {  	v2 =	vor.u32 v2, v3;
	_ =	sdelay $0x4  }
0x39: {  	[tilespmem:v2+s9+$0x0] =	vst.idx.add.f32.msk $0xffff, v1  }
0x3a: {  	[bflag:$0x0] =	sbarrier.arrive $0xFFFF  }
0x3b: {  	[spmem:s3] =	stream.indirect.scatter.add.f32 [tilespmem:s9], [sflag:$0x1], $0x80, s11, s14, $0xb8;
	[tilespmem:$0x6C00] =	vst v63  }
0x3c: {  	_ =	swait.ge [sflag:s10], $0x4000  }
0x3d: {  	s15 =	sadd.s32 $0x1, s15;
	[sflag:s10] =	ssyncset.done $0x0  }
0x3e: {  	p0 =	sne.s32 s15, s8;
	[sflag:s10] =	ssyncadd.s32 $0xFFFFC000  }
.Ltmp1:
0x3f: {  	[bflag:$0x0] =	sbarrier.arrive $0xFFFF;
	(pc) =	sbr.rel @p0 .LBB2_1-.Ltmp1, $4  }
0x40: {  	[hbm:s7], [sflag:s12] =	dma.local [spmem:s13], $0x80  }
0x41: {  	_ =	swait.ge [sflag:s10], $0x80  }
0x42: {  	[sflag:s10] =	ssyncset.done $0x0  }
0x43: {  	[sflag:s10] =	ssyncadd.s32 $0xFFFFFF80  }
0x44: {  	_ =	sfence.sel $0x180000  }
0x45: {  	[bflag:$0x0] =	sbarrier.arrive $0xFFFF  }
0x46: {  	p0 =	sne.s32 s0, $0x0;
	_ =	strace $0x90000047  }
0x47: {  	s0 =	sadd.s32 @!p0 $0x100000, s1;
	[bflag:$0x2] =	sbarrier.arrive $0xFFFF  }
0x48: {  	[sflag:s0] =	ssyncadd.tile.s32 @!p0 $0x1;
	_ =	shalt  }
.Lfunc_end2:
_tile_overlayer_lowered:
.L_overlay_start_2:
0x49: {  	(tag) =	ssettag $0x2  }
0x4a: {  	s0 =	rddreg [dreg:$0x0];
	s2 =	stileid.u32  }
0x4b: {  	s1 =	rddreg [dreg:$0x1];
	p0 =	sne.s32 s2, $0x0  }
0x4c: {  	s3 =	rddreg [dreg:$0x2];
	[bflag:$0x3] =	sbarrier.arrive $0xFFFF;
	s2 =	simm.s32 @!p0 $0x1C01  }
0x4d: {  	[timem:s3], [sflag:s2] =	dma.local @!p0 [hbm:s0], s1  }
0x4e: {  	s0 =	simm.s32 @!p0 $0x1  }
0x4f: {  	_ =	swait.ge @!p0 [sflag:s0], s1  }
0x50: {  	s1 =	ssub.s32 @!p0 $0x0, s1;
	[sflag:s0] =	ssyncset.done @!p0 $0x0  }
0x51: {  	[sflag:s0] =	ssyncadd.s32 @!p0 s1  }
0x52: {  	[bflag:$0x3] =	sbarrier.arrive $0xFFFF  }
0x53: {  	_ =	shalt  }

// kernel: kernel.13.cloned.1.call-start
scs
__scs_entry_jumppad:
0x0: {  	(pc) =	sbr.rel $0x88, $3  }
0x1: {  	(tag) =	ssettag $0x0;
	lr =	simm.s32 $0x1  }
0x2: {  	[smem:$0x3F8B] =	sst lr;
	_ =	strace $0xD0000000  }
0x3: {  	_ = 	snop  }
0x4: {  	_ = 	snop  }
0x5: {  	_ = 	snop  }
0x6: {  	_ = 	snop  }
0x7: {  	_ = 	snop  }
__scs_overlays_trampoline_lowered:
0x8: {  	[smem:$0x3F9A] =	sst s0  }
0x9: {  	[smem:$0x3F9B] =	sst s1  }
0xa: {  	[smem:$0x3F9C] =	sst s2  }
0xb: {  	[smem:$0x3F9D] =	sst s3  }
0xc: {  	[smem:$0x3F9E] =	sst s4  }
0xd: {  	[smem:$0x3F9F] =	sst s5  }
0xe: {  	[smem:$0x3FA0] =	sst s6  }
0xf: {  	[smem:$0x3FA1] =	sst s7  }
0x10: {  	[smem:$0x3FA2] =	sst s8  }
0x11: {  	[smem:$0x3FA3] =	sst s9;
	s0 =	simm.s32 @!p0 $0x0  }
0x12: {  	s1 =	sld [smem:$0x3F89];
	s0 =	simm.s32 @p0 $0x1  }
0x13: {  	[smem:$0x3FA4] =	sst s0;
	s0 =	simm.s32 @!p1 $0x0  }
0x14: {  	s2 =	sld [smem:$0x3F88];
	s0 =	simm.s32 @p1 $0x1  }
0x15: {  	[smem:$0x3FA5] =	sst s0;
	s0 =	simm.s32 @!p2 $0x0  }
0x16: {  	s3 =	sld [smem:$0x3FDB];
	s0 =	simm.s32 @p2 $0x1  }
0x17: {  	s4 =	simm.s32 $0x1BF5;
	[smem:$0x3FA7] =	sst s0  }
0x18: {  	s0 =	sld [smem:$0x3F8A];
	_ =	swait.ge [sflag:s4], $0x0  }
0x19: {  	s7 =	sld [smem:$0x3F8B]  }
0x1a: {  	s8 =	sadd.s32 $0xFFFFE003, lr  }
0x1b: {  	s9 =	sadd.s32 $0xFFFFFEF7, lr;
	s5 =	simm.s32 $0xFFFFFFFF;
	p2 =	slt.u32 s8, $0xFFFFF086  }
0x1c: {  	p1 =	slt.u32 s9, $0xF7A;
	s5 =	simm.s32 @!p2 $0x0  }
0x1d: {  	s5 =	simm.s32 @p1 $0x1;
	p0 =	seq.s32 s7, s2  }
0x1e: {  	s7 =	smul.u32 @!p0 $0xF7A, s2;
	p2 =	seq.s32 @!p0 s5, $0x0  }
0x1f: {  	s9 =	smul.u32 $0xF7A, s1;
	s8 =	simm.s32 @!p0 $0x1BF5;
	p2 =	por !p2, p0  }
0x20: {  	[sflag:s8] =	ssyncset.s32 @!p0 $0xFFFFF086;
	s6 =	sadd.s32 @!p0 s3, s7;
	s7 =	simm.s32 @!p0 $0x108  }
0x21: {  	s3 =	sadd.s32 s3, s9;
	s6 =	sadd.s32 @!p0 $0x88, s6;
	s7 =	simm.s32 @p2 $0x1082  }
0x22: {  	[simem:s7], [sflag:s8] =	dma.local @!p0 [hbm:s6], $0xF7A  }
0x23: {  	s9 =	sor.u32 $0xD0000000, s2;
	s6 =	simm.s32 $0x108;
	_ =	swait.ge @!p0 [sflag:s8], $0x0  }
0x24: {  	s3 =	sadd.s32 $0x88, s3;
	s6 =	simm.s32 @!p1 $0x1082;
	[sflag:s4] =	ssyncset.s32 $0xFFFFF086  }
0x25: {  	[simem:s6], [sflag:s4] =	dma.local [hbm:s3], $0xF7A  }
0x26: {  	[smem:$0x3F8B] =	sst s1;
	(tag) =	ssettag s2;
	_ =	strace s9  }
0x27: {  	s1 =	sld [smem:$0x3F9B]  }
0x28: {  	s2 =	sld [smem:$0x3F9C]  }
0x29: {  	s4 =	sld [smem:$0x3F9E]  }
0x2a: {  	p0 =	seq.s32 s5, $0x0;
	s5 =	sld [smem:$0x3F9F]  }
0x2b: {  	s6 =	sld [smem:$0x3FA0]  }
0x2c: {  	s7 =	sld [smem:$0x3FA1]  }
0x2d: {  	s3 =	simm.s32 $0x108;
	s8 =	sld [smem:$0x3FA2]  }
0x2e: {  	s3 =	simm.s32 @!p0 $0x1082;
	s9 =	sld [smem:$0x3FA3]  }
0x2f: {  	lr =	sadd.s32 s0, s3;
	s0 =	sld [smem:$0x3F9A]  }
0x30: {  	s3 =	sld [smem:$0x3F9D]  }
0x31: {  	[smem:$0x3FA6] =	sst s10  }
0x32: {  	s10 =	sld [smem:$0x3FA4];
	_ =	sdelay $0x3  }
0x33: {  	p0 =	seq.s32 s10, $0x1;
	s10 =	sld [smem:$0x3FA6];
	_ =	sdelay $0x3  }
0x34: {  	[smem:$0x3FA6] =	sst s10  }
0x35: {  	s10 =	sld [smem:$0x3FA5];
	_ =	sdelay $0x3  }
0x36: {  	p1 =	seq.s32 s10, $0x1;
	s10 =	sld [smem:$0x3FA6];
	_ =	sdelay $0x3  }
0x37: {  	[smem:$0x3FA6] =	sst s10  }
0x38: {  	s10 =	sld [smem:$0x3FA7]  }
0x39: {  	_ = 	snop;
	(pc) =	sbr.ind lr, $3  }
0x3a: {  	_ = 	snop  }
0x3b: {  	_ = 	snop  }
0x3c: {  	p2 =	seq.s32 s10, $0x1;
	s10 =	sld [smem:$0x3FA6]  }
0x3d: {  	_ =	shalt  }
0x3e: {  	_ =	shalt  }
0x3f: {  	_ =	shalt  }
0x40: {  	_ =	shalt  }
0x41: {  	_ =	shalt  }
0x42: {  	_ =	shalt  }
0x43: {  	_ =	shalt  }
0x44: {  	_ =	shalt  }
0x45: {  	_ =	shalt  }
0x46: {  	_ =	shalt  }
0x47: {  	_ =	shalt  }
0x48: {  	_ =	shalt  }
0x49: {  	_ =	shalt  }
0x4a: {  	_ =	shalt  }
0x4b: {  	_ =	shalt  }
0x4c: {  	_ =	shalt  }
0x4d: {  	_ =	shalt  }
0x4e: {  	_ =	shalt  }
0x4f: {  	_ =	shalt  }
0x50: {  	_ =	shalt  }
0x51: {  	_ =	shalt  }
0x52: {  	_ =	shalt  }
0x53: {  	_ =	shalt  }
0x54: {  	_ =	shalt  }
0x55: {  	_ =	shalt  }
0x56: {  	_ =	shalt  }
0x57: {  	_ =	shalt  }
0x58: {  	_ =	shalt  }
0x59: {  	_ =	shalt  }
0x5a: {  	_ =	shalt  }
0x5b: {  	_ =	shalt  }
0x5c: {  	_ =	shalt  }
0x5d: {  	_ =	shalt  }
0x5e: {  	_ =	shalt  }
0x5f: {  	_ =	shalt  }
0x60: {  	_ =	shalt  }
0x61: {  	_ =	shalt  }
0x62: {  	_ =	shalt  }
0x63: {  	_ =	shalt  }
0x64: {  	_ =	shalt  }
0x65: {  	_ =	shalt  }
0x66: {  	_ =	shalt  }
0x67: {  	_ =	shalt  }
0x68: {  	_ =	shalt  }
0x69: {  	_ =	shalt  }
0x6a: {  	_ =	shalt  }
0x6b: {  	_ =	shalt  }
0x6c: {  	_ =	shalt  }
0x6d: {  	_ =	shalt  }
0x6e: {  	_ =	shalt  }
0x6f: {  	_ =	shalt  }
0x70: {  	_ =	shalt  }
0x71: {  	_ =	shalt  }
0x72: {  	_ =	shalt  }
0x73: {  	_ =	shalt  }
0x74: {  	_ =	shalt  }
0x75: {  	_ =	shalt  }
0x76: {  	_ =	shalt  }
0x77: {  	_ =	shalt  }
0x78: {  	_ =	shalt  }
0x79: {  	_ =	shalt  }
0x7a: {  	_ =	shalt  }
0x7b: {  	_ =	shalt  }
0x7c: {  	_ =	shalt  }
0x7d: {  	_ =	shalt  }
0x7e: {  	_ =	shalt  }
0x7f: {  	_ =	shalt  }
0x80: {  	_ =	shalt  }
0x81: {  	_ =	shalt  }
0x82: {  	_ =	shalt  }
0x83: {  	_ =	shalt  }
0x84: {  	_ =	shalt  }
0x85: {  	_ =	shalt  }
0x86: {  	_ =	shalt  }
0x87: {  	_ =	shalt  }
.Lfunc_end0:
.L_simem_size_0:
called_computation.1_lowered:
.L_overlay_start_0:
0x88: {  	s2 =	sld [smem:$0x3FD9]  }
0x89: {  	s3 =	sld [smem:$0x3FFE];
	_ =	sdelay $0x1  }
0x8a: {  	s1 =	srdreg.scid  }
0x8b: {  	s0 =	sand.u32 $0x1, s1  }
0x8c: {  	s16 =	sshll.u32 s0, $0xA;
	s2 =	sadd.s32 s3, s2  }
0x8d: {  	s2 =	sadd.s32 s2, s16  }
0x8e: {  	[smem:$0x3FB2] =	sst s2  }
0x8f: {  	_ = 	snop  }
0x90: {  	(tm) =	ssettm $0x1  }
0x91: {  	s17 =	sld [smem:$0x3FFB];
	_ =	sdelay $0x3  }
0x92: {  	_ =	strace s17  }
0x93: {  	s2 =	sld [smem:$0x3FFC];
	_ =	sdelay $0x3  }
0x94: {  	_ =	strace s2  }
0x95: {  	s2 =	sld [smem:$0x3FFD];
	_ =	sdelay $0x3  }
0x96: {  	_ =	strace s2  }
0x97: {  	_ =	strace $0x8FFFFFFF  }
0x98: {  	s18 =	sld [smem:$0x3FDB];
	_ =	sdelay $0x1  }
0x99: {  	s19 =	simm.s32 $_scs_section_size  }
0x9a: {  	s4 =	simm.s32 $_size__tile_overlayer_lowered;
	s5 =	simm.s32 $_tile_overlayer_lowered  }
0x9b: {  	s22 =	simm.s32 $0x1BFF;
	s21 =	sshll.u32 s5, $0x1;
	s2 =	sadd.s32 s19, s18  }
0x9c: {  	s6 =	simm.s32 $0x0;
	s20 =	sshll.u32 s4, $0x1;
	s4 =	sadd.s32 s21, s2  }
0x9d: {  	[timem:s6], [sflag:s22] =	dma.local [hbm:s4], s20  }
0x9e: {  	_ =	swait.ge [sflag:s22], s20  }
0x9f: {  	s3 =	ssub.s32 $0x0, s20;
	[sflag:s22] =	ssyncset.done $0x0  }
0xa0: {  	[sflag:s22] =	ssyncadd.s32 s3;
	_ =	sdelay $0x1  }
0xa1: {  	s23 =	simm.s32 $0x1B8B  }
0xa2: {  	_ =	swait.ge [sflag:s23], $0x1  }
0xa3: {  	[sflag:s23] =	ssyncset.done $0x0  }
0xa4: {  	s25 =	simm.s32 $0x1B8E;
	s24 =	sld [smem:$0x3FFE];
	[sflag:s23] =	ssyncadd.s32 $0xFFFFFFFF  }
0xa5: {  	s26 =	simm.s32 $execute0_lowered;
	[smem:$0x3FD2] =	sst s25  }
0xa6: {  	s4 =	sshll.u32 s26, $0x1;
	_ =	strace $0x80000049;
	[dreg:$0x1] =	wrdreg $0xFFFFFFFF  }
0xa7: {  	s28 =	simm.s32 $_size_execute0_lowered;
	s2 =	sadd.s32 s2, s4;
	[dreg:$0x0] =	wrdreg $0x0  }
0xa8: {  	s4 =	sshll.u32 s28, $0x1;
	[dreg:$0x2] =	wrdreg s2  }
0xa9: {  	[dreg:$0x3] =	wrdreg s4  }
0xaa: {  	[dreg:$0x4] =	wrdreg $0xC0  }
0xab: {  	_ =	task [dreg:s6], $0x5FFFF  }
0xac: {  	[dreg:$0x1] =	wrdreg $0xFFFFFFFF  }
0xad: {  	[dreg:$0x0] =	wrdreg $0x60  }
0xae: {  	[dreg:$0x2] =	wrdreg s24  }
0xaf: {  	[dreg:$0x3] =	wrdreg $0x8B000  }
0xb0: {  	[dreg:$0x4] =	wrdreg $0x9  }
0xb1: {  	_ =	task.clear_ibuf [dreg:s6], $0x5FFFF;
	_ =	strace $0x90000049  }
0xb2: {  	s29 =	simm.s32 $0x9;
	_ =	strace $0x8000004B  }
0xb3: {  	_ =	swait.ge [sflag:s29], $0x1  }
0xb4: {  	[sflag:s29] =	ssyncadd.s32 $0xFFFFFFFF  }
0xb5: {  	_ =	strace $0x9000004B  }
0xb6: {  	_ =	sfence  }
0xb7: {  	s30 =	sld [smem:$0x0];
	_ =	sdelay $0x2  }
0xb8: {  	s31 =	sshll.u32 s1, $0xD;
	s1 =	sshrl.u32 s1, $0x2  }
0xb9: {  	s3 =	sand.u32 $0x4000, s31;
	s1 =	sadd.s32 s1, s30  }
0xba: {  	s0 =	sor.u32 s3, s0;
	s1 =	sshll.u32 s1, $0x11  }
0xbb: {  	s0 =	sor.u32 s1, s0  }
0xbc: {  	s0 =	sadd.s32 $0x8F2B, s0  }
0xbd: {  	[sflag:s0] =	ssyncadd.remote.s32 $0x1  }
0xbe: {  	_ =	sfence.sel $0xFFFF  }
0xbf: {  	[dreg:$0x0] =	wrdreg $0xFFFFFFFF;
	(pc) =	sbr.abs _section_cstart, $3  }
0xc0: {  	[dreg:$0x1] =	wrdreg $0xFFFFFFFF  }
0xc1: {  	_ =	task.clear_ibuf [dreg:s6], $0x2FFFF;
	_ =	strace $0x9FFFFFFF  }
0xc2: {  	(tm) =	ssettm $0x7FFFFFFF  }
0xc3: {  	_ =	shalt  }
tec
execute0_lowered:
.L_overlay_start_1:
0x0: {  	(tag) =	ssettag $0x1  }
0x1: {  	s0 =	rddreg [dreg:$0x0];
	s1 =	srdreg.scid  }
0x2: {  	s2 =	rddreg [dreg:$0x1];
	s3 =	simm.s32 $0x0;
	s9 =	sand.u32 $0x1, s1  }
0x3: {  	s28 =	simm.s32 $0x1;
	s1 =	stileid.u32;
	s4 =	smul.u32 $0x140000, s9  }
0x4: {  	s29 =	simm.s32 $0x200;
	s30 =	simm.s32 $0x2;
	s5 =	smul.u32 $0x14000, s1  }
0x5: {  	s31 =	simm.s32 $0x4200;
	[smem:$0x7FF] =	sst s3;
	s12 =	smul.u32 $0x50000, s1  }
0x6: {  	s7 =	sadd.s32 $0x14A00, s0;
	_ =	strace $0x8000004A;
	s14 =	smul.u32 $0x2800, s1  }
0x7: {  	s15 =	ssub.s32 $0x2, s9;
	s11 =	sshll.u32 s9, $0x4;
	s18 =	smul.u32 $0x27100, s9  }
0x8: {  	p0 =	seq.s32 s9, $0x1;
	s9 =	sadd.s32 $0x138800, s2;
	s19 =	smul.u32 $0x2710, s1  }
0x9: {  	s13 =	sshrl.u32 s15, $0x1;
	s11 =	sor.u32 s1, s11;
	p2 =	seq.s32 @!p0 s1, $0xF  }
0xa: {  	s6 =	sadd.s32 s5, s4;
	s4 =	sadd.s32 $0x62C00, s0;
	s5 =	sadd.s32 $0xE00, s0  }
0xb: {  	s13 =	ssub.s32 s15, s13;
	s11 =	smul.u32 $0x2710, s11;
	s16 =	sshrl.u32 s12, $0x2  }
0xc: {  	s12 =	sadd.s32 $0x12C000, s2;
	p1 =	por !p2, p0;
	p2 =	por p2, p0  }
0xd: {  	s8 =	sshrl.u32 s6, $0x3;
	s6 =	sadd.s32 $0xAC00, s0;
	s17 =	sadd.s32 s4, s14  }
0xe: {  	s26 =	smax.u32 s13, $0x1;
	s13 =	simm.s32 $0x10;
	s14 =	simm.s32 $0x8300  }
0xf: {  	s10 =	sadd.s32 s8, s0;
	s8 =	sadd.s32 s16, s2;
	[dreg:$0x3] =	wrdreg s17  }
0x10: {  	s0 =	sadd.s32 $0x88400, s0;
	s11 =	sshrl.u32 s11, $0x3;
	[dreg:$0xc] =	wrdreg s26  }
0x11: {  	s26 =	simm.s32 $0x180;
	[dreg:$0x4] =	wrdreg s0;
	s15 =	sadd.s32 s5, s11  }
0x12: {  	s20 =	sadd.s32 s6, s11;
	s21 =	sadd.s32 $0x10, s11;
	[dreg:$0x5] =	wrdreg s15  }
0x13: {  	s11 =	sadd.s32 $0x4E0, s11;
	s10 =	sadd.s32 $0xB1000, s10;
	[dreg:$0x6] =	wrdreg s20  }
0x14: {  	s0 =	sadd.s32 s19, s18;
	s16 =	sadd.s32 s5, s21;
	[dreg:$0xb] =	wrdreg s10  }
0x15: {  	s22 =	sadd.s32 s6, s21;
	s23 =	sadd.s32 s5, s11;
	[dreg:$0x7] =	wrdreg s16  }
0x16: {  	s24 =	sadd.s32 $0x180, s0;
	s11 =	sadd.s32 s6, s11;
	[dreg:$0x8] =	wrdreg s22  }
0x17: {  	s21 =	sadd.s32 $0x100, s0;
	s0 =	sshrl.u32 @!p1 s12, $0x3;
	[dreg:$0x9] =	wrdreg s23  }
0x18: {  	s10 =	simm.s32 $0x4;
	s12 =	simm.s32 $0x8280;
	[dreg:$0xa] =	wrdreg s11  }
0x19: {  	s15 =	simm.s32 $0x0;
	s25 =	sshrl.u32 s24, $0x3;
	[dreg:$0xd] =	wrdreg s0  }
0x1a: {  	s0 =	sshrl.u32 @!p1 s9, $0x3;
	s24 =	simm.s32 $0x80;
	s9 =	simm.s32 $0x5  }
0x1b: {  	s11 =	simm.s32 $0x8200;
	s19 =	sadd.s32 s25, s6;
	s20 =	sadd.s32 s25, s5  }
0x1c: {  	[dreg:$0xe] =	wrdreg s0;
	s25 =	simm.s32 $0x100;
	s0 =	simm.s32 $0x3  }
.LBB2_1:
0x1d: {  	s16 =	sshll.u32 @p0 s1, $0x6  }
0x1e: {  	s17 =	sshrl.u32 @p0 s8, $0x3;
	s16 =	sor.u32 @p0 $0x1C05, s16  }
0x1f: {  	[spmem:s17], [sflag:s16] =	dma.local @p0 [hbm:s7], $0x2800  }
0x20: {  	s16 =	simm.s32 @p0 $0x5  }
0x21: {  	_ =	swait.ge @p0 [sflag:s16], $0x2800  }
0x22: {  	[sflag:s16] =	ssyncset.done @p0 $0x0;
	s17 =	rddreg [dreg:$0x4]  }
0x23: {  	s18 =	rddreg [dreg:$0xd];
	[sflag:s16] =	ssyncadd.s32 @p0 $0xFFFFD800;
	s16 =	simm.s32 @!p1 $0x1FC5  }
0x24: {  	[spmem:s18], [sflag:s16] =	dma.local @!p1 [hbm:s17], $0x1900  }
0x25: {  	s17 =	simm.s32 @!p1 $0x5  }
0x26: {  	_ =	swait.ge @!p1 [sflag:s17], $0x1900  }
0x27: {  	[sflag:s17] =	ssyncset.done @!p1 $0x0  }
0x28: {  	s18 =	rddreg [dreg:$0xe];
	[sflag:s17] =	ssyncadd.s32 @!p1 $0xFFFFE700  }
0x29: {  	[spmem:s18], [sflag:s16] =	dma.local @!p1 [hbm:s7], $0xF00  }
0x2a: {  	s16 =	sshll.u32 @!p2 s1, $0x6;
	_ =	swait.ge @!p1 [sflag:s17], $0xF00  }
0x2b: {  	s16 =	sor.u32 @!p2 $0x1C05, s16;
	[sflag:s17] =	ssyncset.done @!p1 $0x0  }
0x2c: {  	s18 =	rddreg [dreg:$0x3];
	[sflag:s17] =	ssyncadd.s32 @!p1 $0xFFFFF100;
	s17 =	sshrl.u32 @!p2 s8, $0x3  }
0x2d: {  	[spmem:s17], [sflag:s16] =	dma.local @!p2 [hbm:s18], $0x2800  }
0x2e: {  	s16 =	simm.s32 @!p2 $0x5  }
0x2f: {  	_ =	swait.ge @!p2 [sflag:s16], $0x2800  }
0x30: {  	[sflag:s16] =	ssyncset.done @!p2 $0x0  }
0x31: {  	s18 =	rddreg [dreg:$0x5];
	[sflag:s16] =	ssyncadd.s32 @!p2 $0xFFFFD800  }
0x32: {  	[tilespmem:s3], [sflag:$0x1] =	stream.linear.gather [hbm4b:s18+s3], $0x80, $0x38;
	[tilespmem:$0x1CB00] =	vst v63  }
0x33: {  	s22 =	rddreg [dreg:$0x6]  }
0x34: {  	[tilespmem:s24], [sflag:$0x1] =	stream.linear.gather [hbm4b:s22+s3], $0x80, $0x38;
	[tilespmem:$0x1CB00] =	vst v63  }
0x35: {  	s23 =	rddreg [dreg:$0x7]  }
0x36: {  	[tilespmem:s25], [sflag:$0x2] =	stream.linear.gather [hbm4b:s23+s3], $0x80, $0x38;
	[tilespmem:$0x1CB00] =	vst v63  }
0x37: {  	s17 =	rddreg [dreg:$0x8]  }
0x38: {  	[tilespmem:s26], [sflag:$0x2] =	stream.linear.gather [hbm4b:s17+s3], $0x80, $0x38;
	[tilespmem:$0x1CB00] =	vst v63  }
0x39: {  	_ =	swait.ge [sflag:s28], $0x80  }
0x3a: {  	[sflag:s28] =	ssyncset.done $0x0  }
0x3b: {  	[sflag:s28] =	ssyncadd.s32 $0xFFFFFF80  }
0x3c: {  	_ =	swait.ge [sflag:s28], $0x80  }
0x3d: {  	[sflag:s28] =	ssyncset.done $0x0  }
0x3e: {  	[sflag:s28] =	ssyncadd.s32 $0xFFFFFF80  }
0x3f: {  	[tilespmem:s29], [sflag:$0x3] =	stream.indirect.gather [hbm4b:s4+s24], $0x80, s3, s24, $0xb8;
	[tilespmem:$0x1CB00] =	vst v63  }
0x40: {  	[bflag:$0x0] =	sbarrier.arrive $0xFFFF  }
0x41: {  	_ =	swait.ge [sflag:s30], $0x80  }
0x42: {  	[sflag:s30] =	ssyncset.done $0x0  }
0x43: {  	[sflag:s30] =	ssyncadd.s32 $0xFFFFFF80  }
0x44: {  	_ =	swait.ge [sflag:s30], $0x80  }
0x45: {  	[sflag:s30] =	ssyncset.done $0x0  }
0x46: {  	[sflag:s30] =	ssyncadd.s32 $0xFFFFFF80  }
0x47: {  	[tilespmem:s31], [sflag:$0x4] =	stream.indirect.gather [hbm4b:s4+s24], $0x80, s25, s24, $0xb8;
	[tilespmem:$0x1CB00] =	vst v63  }
0x48: {  	_ =	swait.ge [sflag:s0], $0x4000  }
0x49: {  	[sflag:s0] =	ssyncset.done $0x0  }
0x4a: {  	[sflag:s0] =	ssyncadd.s32 $0xFFFFC000  }
0x4b: {  	[spmem:s2] =	stream.indirect.scatter.add.f32 [tilespmem:s29], [sflag:$0x5], $0x80, s24, s24, $0xb8;
	[tilespmem:$0x1CB00] =	vst v63  }
0x4c: {  	_ =	swait.ge [sflag:s9], $0x4000  }
0x4d: {  	s18 =	sshrl.u32 s21, $0x3;
	[sflag:s9] =	ssyncset.done $0x0  }
0x4e: {  	s22 =	sadd.s32 s5, s18;
	[sflag:s9] =	ssyncadd.s32 $0xFFFFC000  }
0x4f: {  	[tilespmem:s3], [sflag:$0x1] =	stream.linear.gather [hbm4b:s22+s3], $0x80, $0x38;
	[tilespmem:$0x1CB00] =	vst v63  }
0x50: {  	s16 =	sadd.s32 s6, s18  }
0x51: {  	[tilespmem:s24], [sflag:$0x1] =	stream.linear.gather [hbm4b:s16+s3], $0x80, $0x38;
	[tilespmem:$0x1CB00] =	vst v63  }
0x52: {  	_ =	swait.ge [sflag:s28], $0x80  }
0x53: {  	[sflag:s28] =	ssyncset.done $0x0  }
0x54: {  	[sflag:s28] =	ssyncadd.s32 $0xFFFFFF80  }
0x55: {  	_ =	swait.ge [sflag:s28], $0x80  }
0x56: {  	[sflag:s28] =	ssyncset.done $0x0  }
0x57: {  	[sflag:s28] =	ssyncadd.s32 $0xFFFFFF80  }
0x58: {  	[tilespmem:s29], [sflag:$0x3] =	stream.indirect.gather [hbm4b:s4+s24], $0x80, s3, s24, $0xb8;
	[tilespmem:$0x1CB00] =	vst v63  }
0x59: {  	_ =	swait.ge [sflag:s10], $0x4000  }
0x5a: {  	[sflag:s10] =	ssyncset.done $0x0  }
0x5b: {  	[sflag:s10] =	ssyncadd.s32 $0xFFFFC000  }
0x5c: {  	[spmem:s2] =	stream.indirect.scatter.add.f32 [tilespmem:s31], [sflag:$0x5], $0x80, s26, s24, $0xb8;
	[tilespmem:$0x1CB00] =	vst v63  }
0x5d: {  	_ =	swait.ge [sflag:s9], $0x4000  }
0x5e: {  	s18 =	sadd.s32 $0x0, s19;
	s23 =	sadd.s32 $0x0, s20;
	[sflag:s9] =	ssyncset.done $0x0  }
0x5f: {  	s17 =	sadd.s32 $0x100, s21;
	s16 =	simm.s32 $0x20;
	[sflag:s9] =	ssyncadd.s32 $0xFFFFC000  }
0x60: {  	[tilespmem:s25], [sflag:$0x2] =	stream.linear.gather [hbm4b:s23+s3], $0x80, $0x38;
	[tilespmem:$0x1CB00] =	vst v63  }
.LBB2_2:
0x61: {  	[tilespmem:s26], [sflag:$0x2] =	stream.linear.gather [hbm4b:s18+s3], $0x80, $0x38;
	[tilespmem:$0x1CB00] =	vst v63  }
0x62: {  	s18 =	smov.u32 s16  }
0x63: {  	p3 =	sne.s32 s16, $0x4A0;
	s16 =	sadd.s32 $0x20, s16;
	_ =	swait.ge [sflag:s30], $0x80  }
0x64: {  	[sflag:s30] =	ssyncset.done $0x0  }
0x65: {  	[sflag:s30] =	ssyncadd.s32 $0xFFFFFF80  }
0x66: {  	_ =	swait.ge [sflag:s30], $0x80  }
0x67: {  	[sflag:s30] =	ssyncset.done $0x0  }
0x68: {  	[sflag:s30] =	ssyncadd.s32 $0xFFFFFF80  }
0x69: {  	[tilespmem:s31], [sflag:$0x4] =	stream.indirect.gather [hbm4b:s4+s24], $0x80, s25, s24, $0xb8;
	[tilespmem:$0x1CB00] =	vst v63  }
0x6a: {  	_ =	swait.ge [sflag:s0], $0x4000  }
0x6b: {  	[sflag:s0] =	ssyncset.done $0x0  }
0x6c: {  	[sflag:s0] =	ssyncadd.s32 $0xFFFFC000  }
0x6d: {  	[spmem:s2] =	stream.indirect.scatter.add.f32 [tilespmem:s29], [sflag:$0x5], $0x80, s24, s24, $0xb8;
	[tilespmem:$0x1CB00] =	vst v63  }
0x6e: {  	_ =	swait.ge [sflag:s9], $0x4000  }
0x6f: {  	s22 =	sshrl.u32 s17, $0x3;
	[sflag:s9] =	ssyncset.done $0x0  }
0x70: {  	s23 =	sadd.s32 s5, s22;
	[sflag:s9] =	ssyncadd.s32 $0xFFFFC000  }
0x71: {  	[tilespmem:s3], [sflag:$0x1] =	stream.linear.gather [hbm4b:s23+s3], $0x80, $0x38;
	[tilespmem:$0x1CB00] =	vst v63  }
0x72: {  	s22 =	sadd.s32 s6, s22  }
0x73: {  	[tilespmem:s24], [sflag:$0x1] =	stream.linear.gather [hbm4b:s22+s3], $0x80, $0x38;
	[tilespmem:$0x1CB00] =	vst v63  }
0x74: {  	_ =	swait.ge [sflag:s28], $0x80  }
0x75: {  	[sflag:s28] =	ssyncset.done $0x0  }
0x76: {  	[sflag:s28] =	ssyncadd.s32 $0xFFFFFF80  }
0x77: {  	_ =	swait.ge [sflag:s28], $0x80  }
0x78: {  	[sflag:s28] =	ssyncset.done $0x0  }
0x79: {  	[sflag:s28] =	ssyncadd.s32 $0xFFFFFF80  }
0x7a: {  	[tilespmem:s29], [sflag:$0x3] =	stream.indirect.gather [hbm4b:s4+s24], $0x80, s3, s24, $0xb8;
	[tilespmem:$0x1CB00] =	vst v63  }
0x7b: {  	_ =	swait.ge [sflag:s10], $0x4000  }
0x7c: {  	[sflag:s10] =	ssyncset.done $0x0  }
0x7d: {  	[sflag:s10] =	ssyncadd.s32 $0xFFFFC000  }
0x7e: {  	[spmem:s2] =	stream.indirect.scatter.add.f32 [tilespmem:s31], [sflag:$0x5], $0x80, s26, s24, $0xb8;
	[tilespmem:$0x1CB00] =	vst v63  }
.Ltmp0:
0x7f: {  	_ =	swait.ge [sflag:s9], $0x4000;
	(pc) =	sbr.rel @p3 .LBB2_2-.Ltmp0, $4  }
0x80: {  	[sflag:s9] =	ssyncset.done $0x0  }
0x81: {  	s22 =	sadd.s32 s18, s20;
	[sflag:s9] =	ssyncadd.s32 $0xFFFFC000  }
0x82: {  	[tilespmem:s25], [sflag:$0x2] =	stream.linear.gather [hbm4b:s22+s3], $0x80, $0x38;
	[tilespmem:$0x1CB00] =	vst v63  }
0x83: {  	s17 =	sadd.s32 $0x100, s17;
	s18 =	sadd.s32 s18, s19  }
0x84: {  	[tilespmem:s26], [sflag:$0x2] =	stream.linear.gather [hbm4b:s18+s3], $0x80, $0x38;
	[tilespmem:$0x1CB00] =	vst v63  }
0x85: {  	_ =	swait.ge [sflag:s30], $0x80  }
0x86: {  	[sflag:s30] =	ssyncset.done $0x0  }
0x87: {  	[sflag:s30] =	ssyncadd.s32 $0xFFFFFF80  }
0x88: {  	_ =	swait.ge [sflag:s30], $0x80  }
0x89: {  	[sflag:s30] =	ssyncset.done $0x0  }
0x8a: {  	[sflag:s30] =	ssyncadd.s32 $0xFFFFFF80  }
0x8b: {  	[tilespmem:s31], [sflag:$0x4] =	stream.indirect.gather [hbm4b:s4+s24], $0x80, s25, s24, $0xb8;
	[tilespmem:$0x1CB00] =	vst v63  }
0x8c: {  	_ =	swait.ge [sflag:s0], $0x4000  }
0x8d: {  	[sflag:s0] =	ssyncset.done $0x0  }
0x8e: {  	[sflag:s0] =	ssyncadd.s32 $0xFFFFC000  }
0x8f: {  	[spmem:s2] =	stream.indirect.scatter.add.f32 [tilespmem:s29], [sflag:$0x5], $0x80, s24, s24, $0xb8;
	[tilespmem:$0x1CB00] =	vst v63  }
0x90: {  	_ =	swait.ge [sflag:s9], $0x4000  }
0x91: {  	[sflag:s9] =	ssyncset.done $0x0  }
0x92: {  	[sflag:s9] =	ssyncadd.s32 $0xFFFFC000  }
0x93: {  	_ =	swait.ge [sflag:s10], $0x4000  }
0x94: {  	[sflag:s10] =	ssyncset.done $0x0  }
0x95: {  	[sflag:s10] =	ssyncadd.s32 $0xFFFFC000  }
0x96: {  	[spmem:s2] =	stream.indirect.scatter.add.f32 [tilespmem:s31], [sflag:$0x5], $0x80, s26, s24, $0xb8;
	[tilespmem:$0x1CB00] =	vst v63  }
0x97: {  	_ =	swait.ge [sflag:s9], $0x4000  }
0x98: {  	[sflag:s9] =	ssyncset.done $0x0  }
0x99: {  	s16 =	rddreg [dreg:$0x9];
	[sflag:s9] =	ssyncadd.s32 $0xFFFFC000  }
0x9a: {  	[tilespmem:s11], [sflag:$0x5] =	stream.linear.gather [hbm4b:s16+s3], $0x10, $0x38;
	[tilespmem:$0x1CB00] =	vst v63  }
0x9b: {  	_ =	swait.ge [sflag:s9], $0x10  }
0x9c: {  	[sflag:s9] =	ssyncset.done $0x0  }
0x9d: {  	s17 =	rddreg [dreg:$0xa];
	[sflag:s9] =	ssyncadd.s32 $0xFFFFFFF0  }
0x9e: {  	[tilespmem:s12], [sflag:$0x5] =	stream.linear.gather [hbm4b:s17+s3], $0x10, $0x38;
	[tilespmem:$0x1CB00] =	vst v63  }
0x9f: {  	_ =	swait.ge [sflag:s9], $0x10  }
0xa0: {  	[sflag:s9] =	ssyncset.done $0x0  }
0xa1: {  	[sflag:s9] =	ssyncadd.s32 $0xFFFFFFF0  }
0xa2: {  	[tilespmem:s14], [sflag:$0x3] =	stream.indirect.gather [hbm4b:s4+s13], $0x80, s11, s13, $0xb8;
	[tilespmem:$0x1CB00] =	vst v63  }
0xa3: {  	_ =	swait.ge [sflag:s0], $0x800  }
0xa4: {  	[sflag:s0] =	ssyncset.done $0x0  }
0xa5: {  	[sflag:s0] =	ssyncadd.s32 $0xFFFFF800  }
0xa6: {  	[spmem:s2] =	stream.indirect.scatter.add.f32 [tilespmem:s14], [sflag:$0x5], $0x80, s12, s13, $0xb8;
	[tilespmem:$0x1CB00] =	vst v63  }
0xa7: {  	_ =	swait.ge [sflag:s9], $0x800  }
0xa8: {  	[sflag:s9] =	ssyncset.done $0x0  }
0xa9: {  	[sflag:s9] =	ssyncadd.s32 $0xFFFFF800  }
0xaa: {  	s18 =	sshll.u32 s1, $0x6;
	[bflag:$0x0] =	sbarrier.arrive $0xFFFF  }
0xab: {  	s16 =	sor.u32 $0x1C05, s18;
	s17 =	sshrl.u32 s8, $0x3;
	s22 =	rddreg [dreg:$0xb]  }
0xac: {  	[hbm:s22], [sflag:s16] =	dma.local [spmem:s17], $0x2800  }
0xad: {  	_ =	swait.ge [sflag:s9], $0x2800  }
0xae: {  	s15 =	sadd.s32 $0x1, s15;
	s23 =	rddreg [dreg:$0xc]  }
0xaf: {  	p3 =	sne.s32 s15, s23  }
.Ltmp1:
0xb0: {  	_ = 	snop;
	(pc) =	sbr.rel @p3 .LBB2_1-.Ltmp1, $3  }
0xb1: {  	_ =	sdelay $0x1  }
0xb2: {  	[sflag:s9] =	ssyncset.done $0x0  }
0xb3: {  	[sflag:s9] =	ssyncadd.s32 $0xFFFFD800  }
0xb4: {  	_ =	sfence.sel $0x180000  }
0xb5: {  	[bflag:$0x0] =	sbarrier.arrive $0xFFFF  }
0xb6: {  	_ =	strace $0x9000004A  }
0xb7: {  	[bflag:$0x2] =	sbarrier.arrive $0xFFFF  }
0xb8: {  	p0 =	sne.s32 s1, $0x0;
	s0 =	rddreg [dreg:$0x2]  }
0xb9: {  	s0 =	sadd.s32 @!p0 $0x100000, s0  }
0xba: {  	[sflag:s0] =	ssyncadd.tile.s32 @!p0 $0x1;
	_ =	shalt  }
.Lfunc_end2:
_tile_overlayer_lowered:
.L_overlay_start_2:
0xbb: {  	(tag) =	ssettag $0x2  }
0xbc: {  	s0 =	rddreg [dreg:$0x0];
	s2 =	stileid.u32  }
0xbd: {  	s1 =	rddreg [dreg:$0x1];
	p0 =	sne.s32 s2, $0x0  }
0xbe: {  	s3 =	rddreg [dreg:$0x2];
	[bflag:$0x3] =	sbarrier.arrive $0xFFFF;
	s2 =	simm.s32 @!p0 $0x1C05  }
0xbf: {  	[timem:s3], [sflag:s2] =	dma.local @!p0 [hbm:s0], s1  }
0xc0: {  	s0 =	simm.s32 @!p0 $0x5  }
0xc1: {  	_ =	swait.ge @!p0 [sflag:s0], s1  }
0xc2: {  	s1 =	ssub.s32 @!p0 $0x0, s1;
	[sflag:s0] =	ssyncset.done @!p0 $0x0  }
0xc3: {  	[sflag:s0] =	ssyncadd.s32 @!p0 s1  }
0xc4: {  	[bflag:$0x3] =	sbarrier.arrive $0xFFFF  }
0xc5: {  	_ =	shalt  }

// kernel: kernel.16.cloned.1.call-start
scs
__scs_entry_jumppad:
0x0: {  	(pc) =	sbr.rel $0x88, $3  }
0x1: {  	(tag) =	ssettag $0x0;
	lr =	simm.s32 $0x1  }
0x2: {  	[smem:$0x3F8B] =	sst lr;
	_ =	strace $0xD0000000  }
0x3: {  	_ = 	snop  }
0x4: {  	_ = 	snop  }
0x5: {  	_ = 	snop  }
0x6: {  	_ = 	snop  }
0x7: {  	_ = 	snop  }
__scs_overlays_trampoline_lowered:
0x8: {  	[smem:$0x3F9A] =	sst s0  }
0x9: {  	[smem:$0x3F9B] =	sst s1  }
0xa: {  	[smem:$0x3F9C] =	sst s2  }
0xb: {  	[smem:$0x3F9D] =	sst s3  }
0xc: {  	[smem:$0x3F9E] =	sst s4  }
0xd: {  	[smem:$0x3F9F] =	sst s5  }
0xe: {  	[smem:$0x3FA0] =	sst s6  }
0xf: {  	[smem:$0x3FA1] =	sst s7  }
0x10: {  	[smem:$0x3FA2] =	sst s8  }
0x11: {  	[smem:$0x3FA3] =	sst s9;
	s0 =	simm.s32 @!p0 $0x0  }
0x12: {  	s1 =	sld [smem:$0x3F89];
	s0 =	simm.s32 @p0 $0x1  }
0x13: {  	[smem:$0x3FA4] =	sst s0;
	s0 =	simm.s32 @!p1 $0x0  }
0x14: {  	s2 =	sld [smem:$0x3F88];
	s0 =	simm.s32 @p1 $0x1  }
0x15: {  	[smem:$0x3FA5] =	sst s0;
	s0 =	simm.s32 @!p2 $0x0  }
0x16: {  	s3 =	sld [smem:$0x3FDB];
	s0 =	simm.s32 @p2 $0x1  }
0x17: {  	s4 =	simm.s32 $0x1BF5;
	[smem:$0x3FA7] =	sst s0  }
0x18: {  	s0 =	sld [smem:$0x3F8A];
	_ =	swait.ge [sflag:s4], $0x0  }
0x19: {  	s7 =	sld [smem:$0x3F8B]  }
0x1a: {  	s8 =	sadd.s32 $0xFFFFE003, lr  }
0x1b: {  	s9 =	sadd.s32 $0xFFFFFEF7, lr;
	s5 =	simm.s32 $0xFFFFFFFF;
	p2 =	slt.u32 s8, $0xFFFFF086  }
0x1c: {  	p1 =	slt.u32 s9, $0xF7A;
	s5 =	simm.s32 @!p2 $0x0  }
0x1d: {  	s5 =	simm.s32 @p1 $0x1;
	p0 =	seq.s32 s7, s2  }
0x1e: {  	s7 =	smul.u32 @!p0 $0xF7A, s2;
	p2 =	seq.s32 @!p0 s5, $0x0  }
0x1f: {  	s9 =	smul.u32 $0xF7A, s1;
	s8 =	simm.s32 @!p0 $0x1BF5;
	p2 =	por !p2, p0  }
0x20: {  	[sflag:s8] =	ssyncset.s32 @!p0 $0xFFFFF086;
	s6 =	sadd.s32 @!p0 s3, s7;
	s7 =	simm.s32 @!p0 $0x108  }
0x21: {  	s3 =	sadd.s32 s3, s9;
	s6 =	sadd.s32 @!p0 $0x88, s6;
	s7 =	simm.s32 @p2 $0x1082  }
0x22: {  	[simem:s7], [sflag:s8] =	dma.local @!p0 [hbm:s6], $0xF7A  }
0x23: {  	s9 =	sor.u32 $0xD0000000, s2;
	s6 =	simm.s32 $0x108;
	_ =	swait.ge @!p0 [sflag:s8], $0x0  }
0x24: {  	s3 =	sadd.s32 $0x88, s3;
	s6 =	simm.s32 @!p1 $0x1082;
	[sflag:s4] =	ssyncset.s32 $0xFFFFF086  }
0x25: {  	[simem:s6], [sflag:s4] =	dma.local [hbm:s3], $0xF7A  }
0x26: {  	[smem:$0x3F8B] =	sst s1;
	(tag) =	ssettag s2;
	_ =	strace s9  }
0x27: {  	s1 =	sld [smem:$0x3F9B]  }
0x28: {  	s2 =	sld [smem:$0x3F9C]  }
0x29: {  	s4 =	sld [smem:$0x3F9E]  }
0x2a: {  	p0 =	seq.s32 s5, $0x0;
	s5 =	sld [smem:$0x3F9F]  }
0x2b: {  	s6 =	sld [smem:$0x3FA0]  }
0x2c: {  	s7 =	sld [smem:$0x3FA1]  }
0x2d: {  	s3 =	simm.s32 $0x108;
	s8 =	sld [smem:$0x3FA2]  }
0x2e: {  	s3 =	simm.s32 @!p0 $0x1082;
	s9 =	sld [smem:$0x3FA3]  }
0x2f: {  	lr =	sadd.s32 s0, s3;
	s0 =	sld [smem:$0x3F9A]  }
0x30: {  	s3 =	sld [smem:$0x3F9D]  }
0x31: {  	[smem:$0x3FA6] =	sst s10  }
0x32: {  	s10 =	sld [smem:$0x3FA4];
	_ =	sdelay $0x3  }
0x33: {  	p0 =	seq.s32 s10, $0x1;
	s10 =	sld [smem:$0x3FA6];
	_ =	sdelay $0x3  }
0x34: {  	[smem:$0x3FA6] =	sst s10  }
0x35: {  	s10 =	sld [smem:$0x3FA5];
	_ =	sdelay $0x3  }
0x36: {  	p1 =	seq.s32 s10, $0x1;
	s10 =	sld [smem:$0x3FA6];
	_ =	sdelay $0x3  }
0x37: {  	[smem:$0x3FA6] =	sst s10  }
0x38: {  	s10 =	sld [smem:$0x3FA7]  }
0x39: {  	_ = 	snop;
	(pc) =	sbr.ind lr, $3  }
0x3a: {  	_ = 	snop  }
0x3b: {  	_ = 	snop  }
0x3c: {  	p2 =	seq.s32 s10, $0x1;
	s10 =	sld [smem:$0x3FA6]  }
0x3d: {  	_ =	shalt  }
0x3e: {  	_ =	shalt  }
0x3f: {  	_ =	shalt  }
0x40: {  	_ =	shalt  }
0x41: {  	_ =	shalt  }
0x42: {  	_ =	shalt  }
0x43: {  	_ =	shalt  }
0x44: {  	_ =	shalt  }
0x45: {  	_ =	shalt  }
0x46: {  	_ =	shalt  }
0x47: {  	_ =	shalt  }
0x48: {  	_ =	shalt  }
0x49: {  	_ =	shalt  }
0x4a: {  	_ =	shalt  }
0x4b: {  	_ =	shalt  }
0x4c: {  	_ =	shalt  }
0x4d: {  	_ =	shalt  }
0x4e: {  	_ =	shalt  }
0x4f: {  	_ =	shalt  }
0x50: {  	_ =	shalt  }
0x51: {  	_ =	shalt  }
0x52: {  	_ =	shalt  }
0x53: {  	_ =	shalt  }
0x54: {  	_ =	shalt  }
0x55: {  	_ =	shalt  }
0x56: {  	_ =	shalt  }
0x57: {  	_ =	shalt  }
0x58: {  	_ =	shalt  }
0x59: {  	_ =	shalt  }
0x5a: {  	_ =	shalt  }
0x5b: {  	_ =	shalt  }
0x5c: {  	_ =	shalt  }
0x5d: {  	_ =	shalt  }
0x5e: {  	_ =	shalt  }
0x5f: {  	_ =	shalt  }
0x60: {  	_ =	shalt  }
0x61: {  	_ =	shalt  }
0x62: {  	_ =	shalt  }
0x63: {  	_ =	shalt  }
0x64: {  	_ =	shalt  }
0x65: {  	_ =	shalt  }
0x66: {  	_ =	shalt  }
0x67: {  	_ =	shalt  }
0x68: {  	_ =	shalt  }
0x69: {  	_ =	shalt  }
0x6a: {  	_ =	shalt  }
0x6b: {  	_ =	shalt  }
0x6c: {  	_ =	shalt  }
0x6d: {  	_ =	shalt  }
0x6e: {  	_ =	shalt  }
0x6f: {  	_ =	shalt  }
0x70: {  	_ =	shalt  }
0x71: {  	_ =	shalt  }
0x72: {  	_ =	shalt  }
0x73: {  	_ =	shalt  }
0x74: {  	_ =	shalt  }
0x75: {  	_ =	shalt  }
0x76: {  	_ =	shalt  }
0x77: {  	_ =	shalt  }
0x78: {  	_ =	shalt  }
0x79: {  	_ =	shalt  }
0x7a: {  	_ =	shalt  }
0x7b: {  	_ =	shalt  }
0x7c: {  	_ =	shalt  }
0x7d: {  	_ =	shalt  }
0x7e: {  	_ =	shalt  }
0x7f: {  	_ =	shalt  }
0x80: {  	_ =	shalt  }
0x81: {  	_ =	shalt  }
0x82: {  	_ =	shalt  }
0x83: {  	_ =	shalt  }
0x84: {  	_ =	shalt  }
0x85: {  	_ =	shalt  }
0x86: {  	_ =	shalt  }
0x87: {  	_ =	shalt  }
.Lfunc_end0:
.L_simem_size_0:
called_computation.2_lowered:
.L_overlay_start_0:
0x88: {  	s2 =	sld [smem:$0x3FD9]  }
0x89: {  	s3 =	sld [smem:$0x3FFE];
	_ =	sdelay $0x1  }
0x8a: {  	s1 =	srdreg.scid  }
0x8b: {  	s0 =	sand.u32 $0x1, s1  }
0x8c: {  	s16 =	sshll.u32 s0, $0xA;
	s2 =	sadd.s32 s3, s2  }
0x8d: {  	s2 =	sadd.s32 s2, s16  }
0x8e: {  	[smem:$0x3FB2] =	sst s2  }
0x8f: {  	_ = 	snop  }
0x90: {  	(tm) =	ssettm $0x1  }
0x91: {  	s17 =	sld [smem:$0x3FFB];
	_ =	sdelay $0x3  }
0x92: {  	_ =	strace s17  }
0x93: {  	s2 =	sld [smem:$0x3FFC];
	_ =	sdelay $0x3  }
0x94: {  	_ =	strace s2  }
0x95: {  	s2 =	sld [smem:$0x3FFD];
	_ =	sdelay $0x3  }
0x96: {  	_ =	strace s2  }
0x97: {  	_ =	strace $0x8FFFFFFF  }
0x98: {  	s18 =	sld [smem:$0x3FDB];
	_ =	sdelay $0x1  }
0x99: {  	s19 =	simm.s32 $_scs_section_size  }
0x9a: {  	s4 =	simm.s32 $_size__tile_overlayer_lowered;
	s5 =	simm.s32 $_tile_overlayer_lowered  }
0x9b: {  	s22 =	simm.s32 $0x1BFF;
	s21 =	sshll.u32 s5, $0x1;
	s2 =	sadd.s32 s19, s18  }
0x9c: {  	s6 =	simm.s32 $0x0;
	s20 =	sshll.u32 s4, $0x1;
	s4 =	sadd.s32 s21, s2  }
0x9d: {  	[timem:s6], [sflag:s22] =	dma.local [hbm:s4], s20  }
0x9e: {  	_ =	swait.ge [sflag:s22], s20  }
0x9f: {  	s3 =	ssub.s32 $0x0, s20;
	[sflag:s22] =	ssyncset.done $0x0  }
0xa0: {  	[sflag:s22] =	ssyncadd.s32 s3;
	_ =	sdelay $0x1  }
0xa1: {  	s23 =	simm.s32 $0x1B8B  }
0xa2: {  	_ =	swait.ge [sflag:s23], $0x1  }
0xa3: {  	[sflag:s23] =	ssyncset.done $0x0  }
0xa4: {  	s25 =	simm.s32 $0x1B8E;
	s24 =	sld [smem:$0x3FFE];
	[sflag:s23] =	ssyncadd.s32 $0xFFFFFFFF  }
0xa5: {  	s26 =	simm.s32 $execute0_lowered;
	[smem:$0x3FD2] =	sst s25  }
0xa6: {  	s4 =	sshll.u32 s26, $0x1;
	_ =	strace $0x8000004C;
	[dreg:$0x1] =	wrdreg $0xFFFFFFFF  }
0xa7: {  	s28 =	simm.s32 $_size_execute0_lowered;
	s2 =	sadd.s32 s2, s4;
	[dreg:$0x0] =	wrdreg $0x0  }
0xa8: {  	s4 =	sshll.u32 s28, $0x1;
	[dreg:$0x2] =	wrdreg s2  }
0xa9: {  	[dreg:$0x3] =	wrdreg s4  }
0xaa: {  	[dreg:$0x4] =	wrdreg $0xC0  }
0xab: {  	_ =	task [dreg:s6], $0x5FFFF  }
0xac: {  	[dreg:$0x1] =	wrdreg $0xFFFFFFFF  }
0xad: {  	[dreg:$0x0] =	wrdreg $0x60  }
0xae: {  	[dreg:$0x2] =	wrdreg s24  }
0xaf: {  	[dreg:$0x3] =	wrdreg $0x8B000  }
0xb0: {  	[dreg:$0x4] =	wrdreg $0x9  }
0xb1: {  	_ =	task.clear_ibuf [dreg:s6], $0x5FFFF;
	_ =	strace $0x9000004C  }
0xb2: {  	s29 =	simm.s32 $0x9;
	_ =	strace $0x8000004E  }
0xb3: {  	_ =	swait.ge [sflag:s29], $0x1  }
0xb4: {  	[sflag:s29] =	ssyncadd.s32 $0xFFFFFFFF  }
0xb5: {  	_ =	strace $0x9000004E  }
0xb6: {  	_ =	sfence  }
0xb7: {  	s30 =	sld [smem:$0x0];
	_ =	sdelay $0x2  }
0xb8: {  	s31 =	sshll.u32 s1, $0xD;
	s1 =	sshrl.u32 s1, $0x2  }
0xb9: {  	s3 =	sand.u32 $0x4000, s31;
	s1 =	sadd.s32 s1, s30  }
0xba: {  	s0 =	sor.u32 s3, s0;
	s1 =	sshll.u32 s1, $0x11  }
0xbb: {  	s0 =	sor.u32 s1, s0  }
0xbc: {  	s0 =	sadd.s32 $0x8F2B, s0  }
0xbd: {  	[sflag:s0] =	ssyncadd.remote.s32 $0x1  }
0xbe: {  	_ =	sfence.sel $0xFFFF  }
0xbf: {  	[dreg:$0x0] =	wrdreg $0xFFFFFFFF;
	(pc) =	sbr.abs _section_cstart, $3  }
0xc0: {  	[dreg:$0x1] =	wrdreg $0xFFFFFFFF  }
0xc1: {  	_ =	task.clear_ibuf [dreg:s6], $0x2FFFF;
	_ =	strace $0x9FFFFFFF  }
0xc2: {  	(tm) =	ssettm $0x7FFFFFFF  }
0xc3: {  	_ =	shalt  }
tec
execute0_lowered:
.L_overlay_start_1:
0x0: {  	(tag) =	ssettag $0x1  }
0x1: {  	s0 =	rddreg [dreg:$0x0];
	s1 =	srdreg.scid  }
0x2: {  	s2 =	rddreg [dreg:$0x1];
	s3 =	simm.s32 $0x0;
	s9 =	sand.u32 $0x1, s1  }
0x3: {  	s28 =	simm.s32 $0x1;
	s1 =	stileid.u32;
	s4 =	smul.u32 $0x140000, s9  }
0x4: {  	s29 =	simm.s32 $0x200;
	s30 =	simm.s32 $0x2;
	s5 =	smul.u32 $0x14000, s1  }
0x5: {  	s31 =	simm.s32 $0x4200;
	[smem:$0x7FF] =	sst s3;
	s12 =	smul.u32 $0x50000, s1  }
0x6: {  	s7 =	sadd.s32 $0x14A00, s0;
	_ =	strace $0x8000004D;
	s14 =	smul.u32 $0x2800, s1  }
0x7: {  	s15 =	ssub.s32 $0x2, s9;
	s11 =	sshll.u32 s9, $0x4;
	s18 =	smul.u32 $0x27100, s9  }
0x8: {  	p0 =	seq.s32 s9, $0x1;
	s9 =	sadd.s32 $0x138800, s2;
	s19 =	smul.u32 $0x2710, s1  }
0x9: {  	s13 =	sshrl.u32 s15, $0x1;
	s11 =	sor.u32 s1, s11;
	p2 =	seq.s32 @!p0 s1, $0xF  }
0xa: {  	s6 =	sadd.s32 s5, s4;
	s4 =	sadd.s32 $0x3E400, s0;
	s5 =	sadd.s32 $0xE00, s0  }
0xb: {  	s13 =	ssub.s32 s15, s13;
	s11 =	smul.u32 $0x2710, s11;
	s16 =	sshrl.u32 s12, $0x2  }
0xc: {  	s12 =	sadd.s32 $0x12C000, s2;
	p1 =	por !p2, p0;
	p2 =	por p2, p0  }
0xd: {  	s8 =	sshrl.u32 s6, $0x3;
	s6 =	sadd.s32 $0xAC00, s0;
	s17 =	sadd.s32 s4, s14  }
0xe: {  	s26 =	smax.u32 s13, $0x1;
	s13 =	simm.s32 $0x10;
	s14 =	simm.s32 $0x8300  }
0xf: {  	s10 =	sadd.s32 s8, s0;
	s8 =	sadd.s32 s16, s2;
	[dreg:$0x3] =	wrdreg s17  }
0x10: {  	s0 =	sadd.s32 $0x63C00, s0;
	s11 =	sshrl.u32 s11, $0x3;
	[dreg:$0xc] =	wrdreg s26  }
0x11: {  	s26 =	simm.s32 $0x180;
	[dreg:$0x4] =	wrdreg s0;
	s15 =	sadd.s32 s5, s11  }
0x12: {  	s20 =	sadd.s32 s6, s11;
	s21 =	sadd.s32 $0x10, s11;
	[dreg:$0x5] =	wrdreg s15  }
0x13: {  	s11 =	sadd.s32 $0x4E0, s11;
	s10 =	sadd.s32 $0xB1000, s10;
	[dreg:$0x6] =	wrdreg s20  }
0x14: {  	s0 =	sadd.s32 s19, s18;
	s16 =	sadd.s32 s5, s21;
	[dreg:$0xb] =	wrdreg s10  }
0x15: {  	s22 =	sadd.s32 s6, s21;
	s23 =	sadd.s32 s5, s11;
	[dreg:$0x7] =	wrdreg s16  }
0x16: {  	s24 =	sadd.s32 $0x180, s0;
	s11 =	sadd.s32 s6, s11;
	[dreg:$0x8] =	wrdreg s22  }
0x17: {  	s21 =	sadd.s32 $0x100, s0;
	s0 =	sshrl.u32 @!p1 s12, $0x3;
	[dreg:$0x9] =	wrdreg s23  }
0x18: {  	s10 =	simm.s32 $0x4;
	s12 =	simm.s32 $0x8280;
	[dreg:$0xa] =	wrdreg s11  }
0x19: {  	s15 =	simm.s32 $0x0;
	s25 =	sshrl.u32 s24, $0x3;
	[dreg:$0xd] =	wrdreg s0  }
0x1a: {  	s0 =	sshrl.u32 @!p1 s9, $0x3;
	s24 =	simm.s32 $0x80;
	s9 =	simm.s32 $0x5  }
0x1b: {  	s11 =	simm.s32 $0x8200;
	s19 =	sadd.s32 s25, s6;
	s20 =	sadd.s32 s25, s5  }
0x1c: {  	[dreg:$0xe] =	wrdreg s0;
	s25 =	simm.s32 $0x100;
	s0 =	simm.s32 $0x3  }
.LBB2_1:
0x1d: {  	s16 =	sshll.u32 @p0 s1, $0x6  }
0x1e: {  	s17 =	sshrl.u32 @p0 s8, $0x3;
	s16 =	sor.u32 @p0 $0x1C05, s16  }
0x1f: {  	[spmem:s17], [sflag:s16] =	dma.local @p0 [hbm:s7], $0x2800  }
0x20: {  	s16 =	simm.s32 @p0 $0x5  }
0x21: {  	_ =	swait.ge @p0 [sflag:s16], $0x2800  }
0x22: {  	[sflag:s16] =	ssyncset.done @p0 $0x0;
	s17 =	rddreg [dreg:$0x4]  }
0x23: {  	s18 =	rddreg [dreg:$0xd];
	[sflag:s16] =	ssyncadd.s32 @p0 $0xFFFFD800;
	s16 =	simm.s32 @!p1 $0x1FC5  }
0x24: {  	[spmem:s18], [sflag:s16] =	dma.local @!p1 [hbm:s17], $0x1900  }
0x25: {  	s17 =	simm.s32 @!p1 $0x5  }
0x26: {  	_ =	swait.ge @!p1 [sflag:s17], $0x1900  }
0x27: {  	[sflag:s17] =	ssyncset.done @!p1 $0x0  }
0x28: {  	s18 =	rddreg [dreg:$0xe];
	[sflag:s17] =	ssyncadd.s32 @!p1 $0xFFFFE700  }
0x29: {  	[spmem:s18], [sflag:s16] =	dma.local @!p1 [hbm:s7], $0xF00  }
0x2a: {  	s16 =	sshll.u32 @!p2 s1, $0x6;
	_ =	swait.ge @!p1 [sflag:s17], $0xF00  }
0x2b: {  	s16 =	sor.u32 @!p2 $0x1C05, s16;
	[sflag:s17] =	ssyncset.done @!p1 $0x0  }
0x2c: {  	s18 =	rddreg [dreg:$0x3];
	[sflag:s17] =	ssyncadd.s32 @!p1 $0xFFFFF100;
	s17 =	sshrl.u32 @!p2 s8, $0x3  }
0x2d: {  	[spmem:s17], [sflag:s16] =	dma.local @!p2 [hbm:s18], $0x2800  }
0x2e: {  	s16 =	simm.s32 @!p2 $0x5  }
0x2f: {  	_ =	swait.ge @!p2 [sflag:s16], $0x2800  }
0x30: {  	[sflag:s16] =	ssyncset.done @!p2 $0x0  }
0x31: {  	s18 =	rddreg [dreg:$0x5];
	[sflag:s16] =	ssyncadd.s32 @!p2 $0xFFFFD800  }
0x32: {  	[tilespmem:s3], [sflag:$0x1] =	stream.linear.gather [hbm4b:s18+s3], $0x80, $0x38;
	[tilespmem:$0x1CB00] =	vst v63  }
0x33: {  	s22 =	rddreg [dreg:$0x6]  }
0x34: {  	[tilespmem:s24], [sflag:$0x1] =	stream.linear.gather [hbm4b:s22+s3], $0x80, $0x38;
	[tilespmem:$0x1CB00] =	vst v63  }
0x35: {  	s23 =	rddreg [dreg:$0x7]  }
0x36: {  	[tilespmem:s25], [sflag:$0x2] =	stream.linear.gather [hbm4b:s23+s3], $0x80, $0x38;
	[tilespmem:$0x1CB00] =	vst v63  }
0x37: {  	s17 =	rddreg [dreg:$0x8]  }
0x38: {  	[tilespmem:s26], [sflag:$0x2] =	stream.linear.gather [hbm4b:s17+s3], $0x80, $0x38;
	[tilespmem:$0x1CB00] =	vst v63  }
0x39: {  	_ =	swait.ge [sflag:s28], $0x80  }
0x3a: {  	[sflag:s28] =	ssyncset.done $0x0  }
0x3b: {  	[sflag:s28] =	ssyncadd.s32 $0xFFFFFF80  }
0x3c: {  	_ =	swait.ge [sflag:s28], $0x80  }
0x3d: {  	[sflag:s28] =	ssyncset.done $0x0  }
0x3e: {  	[sflag:s28] =	ssyncadd.s32 $0xFFFFFF80  }
0x3f: {  	[tilespmem:s29], [sflag:$0x3] =	stream.indirect.gather [hbm4b:s4+s24], $0x80, s3, s24, $0xb8;
	[tilespmem:$0x1CB00] =	vst v63  }
0x40: {  	[bflag:$0x0] =	sbarrier.arrive $0xFFFF  }
0x41: {  	_ =	swait.ge [sflag:s30], $0x80  }
0x42: {  	[sflag:s30] =	ssyncset.done $0x0  }
0x43: {  	[sflag:s30] =	ssyncadd.s32 $0xFFFFFF80  }
0x44: {  	_ =	swait.ge [sflag:s30], $0x80  }
0x45: {  	[sflag:s30] =	ssyncset.done $0x0  }
0x46: {  	[sflag:s30] =	ssyncadd.s32 $0xFFFFFF80  }
0x47: {  	[tilespmem:s31], [sflag:$0x4] =	stream.indirect.gather [hbm4b:s4+s24], $0x80, s25, s24, $0xb8;
	[tilespmem:$0x1CB00] =	vst v63  }
0x48: {  	_ =	swait.ge [sflag:s0], $0x4000  }
0x49: {  	[sflag:s0] =	ssyncset.done $0x0  }
0x4a: {  	[sflag:s0] =	ssyncadd.s32 $0xFFFFC000  }
0x4b: {  	[spmem:s2] =	stream.indirect.scatter.add.f32 [tilespmem:s29], [sflag:$0x5], $0x80, s24, s24, $0xb8;
	[tilespmem:$0x1CB00] =	vst v63  }
0x4c: {  	_ =	swait.ge [sflag:s9], $0x4000  }
0x4d: {  	s18 =	sshrl.u32 s21, $0x3;
	[sflag:s9] =	ssyncset.done $0x0  }
0x4e: {  	s22 =	sadd.s32 s5, s18;
	[sflag:s9] =	ssyncadd.s32 $0xFFFFC000  }
0x4f: {  	[tilespmem:s3], [sflag:$0x1] =	stream.linear.gather [hbm4b:s22+s3], $0x80, $0x38;
	[tilespmem:$0x1CB00] =	vst v63  }
0x50: {  	s16 =	sadd.s32 s6, s18  }
0x51: {  	[tilespmem:s24], [sflag:$0x1] =	stream.linear.gather [hbm4b:s16+s3], $0x80, $0x38;
	[tilespmem:$0x1CB00] =	vst v63  }
0x52: {  	_ =	swait.ge [sflag:s28], $0x80  }
0x53: {  	[sflag:s28] =	ssyncset.done $0x0  }
0x54: {  	[sflag:s28] =	ssyncadd.s32 $0xFFFFFF80  }
0x55: {  	_ =	swait.ge [sflag:s28], $0x80  }
0x56: {  	[sflag:s28] =	ssyncset.done $0x0  }
0x57: {  	[sflag:s28] =	ssyncadd.s32 $0xFFFFFF80  }
0x58: {  	[tilespmem:s29], [sflag:$0x3] =	stream.indirect.gather [hbm4b:s4+s24], $0x80, s3, s24, $0xb8;
	[tilespmem:$0x1CB00] =	vst v63  }
0x59: {  	_ =	swait.ge [sflag:s10], $0x4000  }
0x5a: {  	[sflag:s10] =	ssyncset.done $0x0  }
0x5b: {  	[sflag:s10] =	ssyncadd.s32 $0xFFFFC000  }
0x5c: {  	[spmem:s2] =	stream.indirect.scatter.add.f32 [tilespmem:s31], [sflag:$0x5], $0x80, s26, s24, $0xb8;
	[tilespmem:$0x1CB00] =	vst v63  }
0x5d: {  	_ =	swait.ge [sflag:s9], $0x4000  }
0x5e: {  	s18 =	sadd.s32 $0x0, s19;
	s23 =	sadd.s32 $0x0, s20;
	[sflag:s9] =	ssyncset.done $0x0  }
0x5f: {  	s17 =	sadd.s32 $0x100, s21;
	s16 =	simm.s32 $0x20;
	[sflag:s9] =	ssyncadd.s32 $0xFFFFC000  }
0x60: {  	[tilespmem:s25], [sflag:$0x2] =	stream.linear.gather [hbm4b:s23+s3], $0x80, $0x38;
	[tilespmem:$0x1CB00] =	vst v63  }
.LBB2_2:
0x61: {  	[tilespmem:s26], [sflag:$0x2] =	stream.linear.gather [hbm4b:s18+s3], $0x80, $0x38;
	[tilespmem:$0x1CB00] =	vst v63  }
0x62: {  	s18 =	smov.u32 s16  }
0x63: {  	p3 =	sne.s32 s16, $0x4A0;
	s16 =	sadd.s32 $0x20, s16;
	_ =	swait.ge [sflag:s30], $0x80  }
0x64: {  	[sflag:s30] =	ssyncset.done $0x0  }
0x65: {  	[sflag:s30] =	ssyncadd.s32 $0xFFFFFF80  }
0x66: {  	_ =	swait.ge [sflag:s30], $0x80  }
0x67: {  	[sflag:s30] =	ssyncset.done $0x0  }
0x68: {  	[sflag:s30] =	ssyncadd.s32 $0xFFFFFF80  }
0x69: {  	[tilespmem:s31], [sflag:$0x4] =	stream.indirect.gather [hbm4b:s4+s24], $0x80, s25, s24, $0xb8;
	[tilespmem:$0x1CB00] =	vst v63  }
0x6a: {  	_ =	swait.ge [sflag:s0], $0x4000  }
0x6b: {  	[sflag:s0] =	ssyncset.done $0x0  }
0x6c: {  	[sflag:s0] =	ssyncadd.s32 $0xFFFFC000  }
0x6d: {  	[spmem:s2] =	stream.indirect.scatter.add.f32 [tilespmem:s29], [sflag:$0x5], $0x80, s24, s24, $0xb8;
	[tilespmem:$0x1CB00] =	vst v63  }
0x6e: {  	_ =	swait.ge [sflag:s9], $0x4000  }
0x6f: {  	s22 =	sshrl.u32 s17, $0x3;
	[sflag:s9] =	ssyncset.done $0x0  }
0x70: {  	s23 =	sadd.s32 s5, s22;
	[sflag:s9] =	ssyncadd.s32 $0xFFFFC000  }
0x71: {  	[tilespmem:s3], [sflag:$0x1] =	stream.linear.gather [hbm4b:s23+s3], $0x80, $0x38;
	[tilespmem:$0x1CB00] =	vst v63  }
0x72: {  	s22 =	sadd.s32 s6, s22  }
0x73: {  	[tilespmem:s24], [sflag:$0x1] =	stream.linear.gather [hbm4b:s22+s3], $0x80, $0x38;
	[tilespmem:$0x1CB00] =	vst v63  }
0x74: {  	_ =	swait.ge [sflag:s28], $0x80  }
0x75: {  	[sflag:s28] =	ssyncset.done $0x0  }
0x76: {  	[sflag:s28] =	ssyncadd.s32 $0xFFFFFF80  }
0x77: {  	_ =	swait.ge [sflag:s28], $0x80  }
0x78: {  	[sflag:s28] =	ssyncset.done $0x0  }
0x79: {  	[sflag:s28] =	ssyncadd.s32 $0xFFFFFF80  }
0x7a: {  	[tilespmem:s29], [sflag:$0x3] =	stream.indirect.gather [hbm4b:s4+s24], $0x80, s3, s24, $0xb8;
	[tilespmem:$0x1CB00] =	vst v63  }
0x7b: {  	_ =	swait.ge [sflag:s10], $0x4000  }
0x7c: {  	[sflag:s10] =	ssyncset.done $0x0  }
0x7d: {  	[sflag:s10] =	ssyncadd.s32 $0xFFFFC000  }
0x7e: {  	[spmem:s2] =	stream.indirect.scatter.add.f32 [tilespmem:s31], [sflag:$0x5], $0x80, s26, s24, $0xb8;
	[tilespmem:$0x1CB00] =	vst v63  }
.Ltmp0:
0x7f: {  	_ =	swait.ge [sflag:s9], $0x4000;
	(pc) =	sbr.rel @p3 .LBB2_2-.Ltmp0, $4  }
0x80: {  	[sflag:s9] =	ssyncset.done $0x0  }
0x81: {  	s22 =	sadd.s32 s18, s20;
	[sflag:s9] =	ssyncadd.s32 $0xFFFFC000  }
0x82: {  	[tilespmem:s25], [sflag:$0x2] =	stream.linear.gather [hbm4b:s22+s3], $0x80, $0x38;
	[tilespmem:$0x1CB00] =	vst v63  }
0x83: {  	s17 =	sadd.s32 $0x100, s17;
	s18 =	sadd.s32 s18, s19  }
0x84: {  	[tilespmem:s26], [sflag:$0x2] =	stream.linear.gather [hbm4b:s18+s3], $0x80, $0x38;
	[tilespmem:$0x1CB00] =	vst v63  }
0x85: {  	_ =	swait.ge [sflag:s30], $0x80  }
0x86: {  	[sflag:s30] =	ssyncset.done $0x0  }
0x87: {  	[sflag:s30] =	ssyncadd.s32 $0xFFFFFF80  }
0x88: {  	_ =	swait.ge [sflag:s30], $0x80  }
0x89: {  	[sflag:s30] =	ssyncset.done $0x0  }
0x8a: {  	[sflag:s30] =	ssyncadd.s32 $0xFFFFFF80  }
0x8b: {  	[tilespmem:s31], [sflag:$0x4] =	stream.indirect.gather [hbm4b:s4+s24], $0x80, s25, s24, $0xb8;
	[tilespmem:$0x1CB00] =	vst v63  }
0x8c: {  	_ =	swait.ge [sflag:s0], $0x4000  }
0x8d: {  	[sflag:s0] =	ssyncset.done $0x0  }
0x8e: {  	[sflag:s0] =	ssyncadd.s32 $0xFFFFC000  }
0x8f: {  	[spmem:s2] =	stream.indirect.scatter.add.f32 [tilespmem:s29], [sflag:$0x5], $0x80, s24, s24, $0xb8;
	[tilespmem:$0x1CB00] =	vst v63  }
0x90: {  	_ =	swait.ge [sflag:s9], $0x4000  }
0x91: {  	[sflag:s9] =	ssyncset.done $0x0  }
0x92: {  	[sflag:s9] =	ssyncadd.s32 $0xFFFFC000  }
0x93: {  	_ =	swait.ge [sflag:s10], $0x4000  }
0x94: {  	[sflag:s10] =	ssyncset.done $0x0  }
0x95: {  	[sflag:s10] =	ssyncadd.s32 $0xFFFFC000  }
0x96: {  	[spmem:s2] =	stream.indirect.scatter.add.f32 [tilespmem:s31], [sflag:$0x5], $0x80, s26, s24, $0xb8;
	[tilespmem:$0x1CB00] =	vst v63  }
0x97: {  	_ =	swait.ge [sflag:s9], $0x4000  }
0x98: {  	[sflag:s9] =	ssyncset.done $0x0  }
0x99: {  	s16 =	rddreg [dreg:$0x9];
	[sflag:s9] =	ssyncadd.s32 $0xFFFFC000  }
0x9a: {  	[tilespmem:s11], [sflag:$0x5] =	stream.linear.gather [hbm4b:s16+s3], $0x10, $0x38;
	[tilespmem:$0x1CB00] =	vst v63  }
0x9b: {  	_ =	swait.ge [sflag:s9], $0x10  }
0x9c: {  	[sflag:s9] =	ssyncset.done $0x0  }
0x9d: {  	s17 =	rddreg [dreg:$0xa];
	[sflag:s9] =	ssyncadd.s32 $0xFFFFFFF0  }
0x9e: {  	[tilespmem:s12], [sflag:$0x5] =	stream.linear.gather [hbm4b:s17+s3], $0x10, $0x38;
	[tilespmem:$0x1CB00] =	vst v63  }
0x9f: {  	_ =	swait.ge [sflag:s9], $0x10  }
0xa0: {  	[sflag:s9] =	ssyncset.done $0x0  }
0xa1: {  	[sflag:s9] =	ssyncadd.s32 $0xFFFFFFF0  }
0xa2: {  	[tilespmem:s14], [sflag:$0x3] =	stream.indirect.gather [hbm4b:s4+s13], $0x80, s11, s13, $0xb8;
	[tilespmem:$0x1CB00] =	vst v63  }
0xa3: {  	_ =	swait.ge [sflag:s0], $0x800  }
0xa4: {  	[sflag:s0] =	ssyncset.done $0x0  }
0xa5: {  	[sflag:s0] =	ssyncadd.s32 $0xFFFFF800  }
0xa6: {  	[spmem:s2] =	stream.indirect.scatter.add.f32 [tilespmem:s14], [sflag:$0x5], $0x80, s12, s13, $0xb8;
	[tilespmem:$0x1CB00] =	vst v63  }
0xa7: {  	_ =	swait.ge [sflag:s9], $0x800  }
0xa8: {  	[sflag:s9] =	ssyncset.done $0x0  }
0xa9: {  	[sflag:s9] =	ssyncadd.s32 $0xFFFFF800  }
0xaa: {  	s18 =	sshll.u32 s1, $0x6;
	[bflag:$0x0] =	sbarrier.arrive $0xFFFF  }
0xab: {  	s16 =	sor.u32 $0x1C05, s18;
	s17 =	sshrl.u32 s8, $0x3;
	s22 =	rddreg [dreg:$0xb]  }
0xac: {  	[hbm:s22], [sflag:s16] =	dma.local [spmem:s17], $0x2800  }
0xad: {  	_ =	swait.ge [sflag:s9], $0x2800  }
0xae: {  	s15 =	sadd.s32 $0x1, s15;
	s23 =	rddreg [dreg:$0xc]  }
0xaf: {  	p3 =	sne.s32 s15, s23  }
.Ltmp1:
0xb0: {  	_ = 	snop;
	(pc) =	sbr.rel @p3 .LBB2_1-.Ltmp1, $3  }
0xb1: {  	_ =	sdelay $0x1  }
0xb2: {  	[sflag:s9] =	ssyncset.done $0x0  }
0xb3: {  	[sflag:s9] =	ssyncadd.s32 $0xFFFFD800  }
0xb4: {  	_ =	sfence.sel $0x180000  }
0xb5: {  	[bflag:$0x0] =	sbarrier.arrive $0xFFFF  }
0xb6: {  	_ =	strace $0x9000004D  }
0xb7: {  	[bflag:$0x2] =	sbarrier.arrive $0xFFFF  }
0xb8: {  	p0 =	sne.s32 s1, $0x0;
	s0 =	rddreg [dreg:$0x2]  }
0xb9: {  	s0 =	sadd.s32 @!p0 $0x100000, s0  }
0xba: {  	[sflag:s0] =	ssyncadd.tile.s32 @!p0 $0x1;
	_ =	shalt  }
.Lfunc_end2:
_tile_overlayer_lowered:
.L_overlay_start_2:
0xbb: {  	(tag) =	ssettag $0x2  }
0xbc: {  	s0 =	rddreg [dreg:$0x0];
	s2 =	stileid.u32  }
0xbd: {  	s1 =	rddreg [dreg:$0x1];
	p0 =	sne.s32 s2, $0x0  }
0xbe: {  	s3 =	rddreg [dreg:$0x2];
	[bflag:$0x3] =	sbarrier.arrive $0xFFFF;
	s2 =	simm.s32 @!p0 $0x1C05  }
0xbf: {  	[timem:s3], [sflag:s2] =	dma.local @!p0 [hbm:s0], s1  }
0xc0: {  	s0 =	simm.s32 @!p0 $0x5  }
0xc1: {  	_ =	swait.ge @!p0 [sflag:s0], s1  }
0xc2: {  	s1 =	ssub.s32 @!p0 $0x0, s1;
	[sflag:s0] =	ssyncset.done @!p0 $0x0  }
0xc3: {  	[sflag:s0] =	ssyncadd.s32 @!p0 s1  }
0xc4: {  	[bflag:$0x3] =	sbarrier.arrive $0xFFFF  }
0xc5: {  	_ =	shalt  }

// kernel: kernel.19.cloned.1.call-start
scs
__scs_entry_jumppad:
0x0: {  	(pc) =	sbr.rel $0x88, $3  }
0x1: {  	(tag) =	ssettag $0x0;
	lr =	simm.s32 $0x1  }
0x2: {  	[smem:$0x3F8B] =	sst lr;
	_ =	strace $0xD0000000  }
0x3: {  	_ = 	snop  }
0x4: {  	_ = 	snop  }
0x5: {  	_ = 	snop  }
0x6: {  	_ = 	snop  }
0x7: {  	_ = 	snop  }
__scs_overlays_trampoline_lowered:
0x8: {  	[smem:$0x3F9A] =	sst s0  }
0x9: {  	[smem:$0x3F9B] =	sst s1  }
0xa: {  	[smem:$0x3F9C] =	sst s2  }
0xb: {  	[smem:$0x3F9D] =	sst s3  }
0xc: {  	[smem:$0x3F9E] =	sst s4  }
0xd: {  	[smem:$0x3F9F] =	sst s5  }
0xe: {  	[smem:$0x3FA0] =	sst s6  }
0xf: {  	[smem:$0x3FA1] =	sst s7  }
0x10: {  	[smem:$0x3FA2] =	sst s8  }
0x11: {  	[smem:$0x3FA3] =	sst s9;
	s0 =	simm.s32 @!p0 $0x0  }
0x12: {  	s1 =	sld [smem:$0x3F89];
	s0 =	simm.s32 @p0 $0x1  }
0x13: {  	[smem:$0x3FA4] =	sst s0;
	s0 =	simm.s32 @!p1 $0x0  }
0x14: {  	s2 =	sld [smem:$0x3F88];
	s0 =	simm.s32 @p1 $0x1  }
0x15: {  	[smem:$0x3FA5] =	sst s0;
	s0 =	simm.s32 @!p2 $0x0  }
0x16: {  	s3 =	sld [smem:$0x3FDB];
	s0 =	simm.s32 @p2 $0x1  }
0x17: {  	s4 =	simm.s32 $0x1BF5;
	[smem:$0x3FA7] =	sst s0  }
0x18: {  	s0 =	sld [smem:$0x3F8A];
	_ =	swait.ge [sflag:s4], $0x0  }
0x19: {  	s7 =	sld [smem:$0x3F8B]  }
0x1a: {  	s8 =	sadd.s32 $0xFFFFE003, lr  }
0x1b: {  	s9 =	sadd.s32 $0xFFFFFEF7, lr;
	s5 =	simm.s32 $0xFFFFFFFF;
	p2 =	slt.u32 s8, $0xFFFFF086  }
0x1c: {  	p1 =	slt.u32 s9, $0xF7A;
	s5 =	simm.s32 @!p2 $0x0  }
0x1d: {  	s5 =	simm.s32 @p1 $0x1;
	p0 =	seq.s32 s7, s2  }
0x1e: {  	s7 =	smul.u32 @!p0 $0xF7A, s2;
	p2 =	seq.s32 @!p0 s5, $0x0  }
0x1f: {  	s9 =	smul.u32 $0xF7A, s1;
	s8 =	simm.s32 @!p0 $0x1BF5;
	p2 =	por !p2, p0  }
0x20: {  	[sflag:s8] =	ssyncset.s32 @!p0 $0xFFFFF086;
	s6 =	sadd.s32 @!p0 s3, s7;
	s7 =	simm.s32 @!p0 $0x108  }
0x21: {  	s3 =	sadd.s32 s3, s9;
	s6 =	sadd.s32 @!p0 $0x88, s6;
	s7 =	simm.s32 @p2 $0x1082  }
0x22: {  	[simem:s7], [sflag:s8] =	dma.local @!p0 [hbm:s6], $0xF7A  }
0x23: {  	s9 =	sor.u32 $0xD0000000, s2;
	s6 =	simm.s32 $0x108;
	_ =	swait.ge @!p0 [sflag:s8], $0x0  }
0x24: {  	s3 =	sadd.s32 $0x88, s3;
	s6 =	simm.s32 @!p1 $0x1082;
	[sflag:s4] =	ssyncset.s32 $0xFFFFF086  }
0x25: {  	[simem:s6], [sflag:s4] =	dma.local [hbm:s3], $0xF7A  }
0x26: {  	[smem:$0x3F8B] =	sst s1;
	(tag) =	ssettag s2;
	_ =	strace s9  }
0x27: {  	s1 =	sld [smem:$0x3F9B]  }
0x28: {  	s2 =	sld [smem:$0x3F9C]  }
0x29: {  	s4 =	sld [smem:$0x3F9E]  }
0x2a: {  	p0 =	seq.s32 s5, $0x0;
	s5 =	sld [smem:$0x3F9F]  }
0x2b: {  	s6 =	sld [smem:$0x3FA0]  }
0x2c: {  	s7 =	sld [smem:$0x3FA1]  }
0x2d: {  	s3 =	simm.s32 $0x108;
	s8 =	sld [smem:$0x3FA2]  }
0x2e: {  	s3 =	simm.s32 @!p0 $0x1082;
	s9 =	sld [smem:$0x3FA3]  }
0x2f: {  	lr =	sadd.s32 s0, s3;
	s0 =	sld [smem:$0x3F9A]  }
0x30: {  	s3 =	sld [smem:$0x3F9D]  }
0x31: {  	[smem:$0x3FA6] =	sst s10  }
0x32: {  	s10 =	sld [smem:$0x3FA4];
	_ =	sdelay $0x3  }
0x33: {  	p0 =	seq.s32 s10, $0x1;
	s10 =	sld [smem:$0x3FA6];
	_ =	sdelay $0x3  }
0x34: {  	[smem:$0x3FA6] =	sst s10  }
0x35: {  	s10 =	sld [smem:$0x3FA5];
	_ =	sdelay $0x3  }
0x36: {  	p1 =	seq.s32 s10, $0x1;
	s10 =	sld [smem:$0x3FA6];
	_ =	sdelay $0x3  }
0x37: {  	[smem:$0x3FA6] =	sst s10  }
0x38: {  	s10 =	sld [smem:$0x3FA7]  }
0x39: {  	_ = 	snop;
	(pc) =	sbr.ind lr, $3  }
0x3a: {  	_ = 	snop  }
0x3b: {  	_ = 	snop  }
0x3c: {  	p2 =	seq.s32 s10, $0x1;
	s10 =	sld [smem:$0x3FA6]  }
0x3d: {  	_ =	shalt  }
0x3e: {  	_ =	shalt  }
0x3f: {  	_ =	shalt  }
0x40: {  	_ =	shalt  }
0x41: {  	_ =	shalt  }
0x42: {  	_ =	shalt  }
0x43: {  	_ =	shalt  }
0x44: {  	_ =	shalt  }
0x45: {  	_ =	shalt  }
0x46: {  	_ =	shalt  }
0x47: {  	_ =	shalt  }
0x48: {  	_ =	shalt  }
0x49: {  	_ =	shalt  }
0x4a: {  	_ =	shalt  }
0x4b: {  	_ =	shalt  }
0x4c: {  	_ =	shalt  }
0x4d: {  	_ =	shalt  }
0x4e: {  	_ =	shalt  }
0x4f: {  	_ =	shalt  }
0x50: {  	_ =	shalt  }
0x51: {  	_ =	shalt  }
0x52: {  	_ =	shalt  }
0x53: {  	_ =	shalt  }
0x54: {  	_ =	shalt  }
0x55: {  	_ =	shalt  }
0x56: {  	_ =	shalt  }
0x57: {  	_ =	shalt  }
0x58: {  	_ =	shalt  }
0x59: {  	_ =	shalt  }
0x5a: {  	_ =	shalt  }
0x5b: {  	_ =	shalt  }
0x5c: {  	_ =	shalt  }
0x5d: {  	_ =	shalt  }
0x5e: {  	_ =	shalt  }
0x5f: {  	_ =	shalt  }
0x60: {  	_ =	shalt  }
0x61: {  	_ =	shalt  }
0x62: {  	_ =	shalt  }
0x63: {  	_ =	shalt  }
0x64: {  	_ =	shalt  }
0x65: {  	_ =	shalt  }
0x66: {  	_ =	shalt  }
0x67: {  	_ =	shalt  }
0x68: {  	_ =	shalt  }
0x69: {  	_ =	shalt  }
0x6a: {  	_ =	shalt  }
0x6b: {  	_ =	shalt  }
0x6c: {  	_ =	shalt  }
0x6d: {  	_ =	shalt  }
0x6e: {  	_ =	shalt  }
0x6f: {  	_ =	shalt  }
0x70: {  	_ =	shalt  }
0x71: {  	_ =	shalt  }
0x72: {  	_ =	shalt  }
0x73: {  	_ =	shalt  }
0x74: {  	_ =	shalt  }
0x75: {  	_ =	shalt  }
0x76: {  	_ =	shalt  }
0x77: {  	_ =	shalt  }
0x78: {  	_ =	shalt  }
0x79: {  	_ =	shalt  }
0x7a: {  	_ =	shalt  }
0x7b: {  	_ =	shalt  }
0x7c: {  	_ =	shalt  }
0x7d: {  	_ =	shalt  }
0x7e: {  	_ =	shalt  }
0x7f: {  	_ =	shalt  }
0x80: {  	_ =	shalt  }
0x81: {  	_ =	shalt  }
0x82: {  	_ =	shalt  }
0x83: {  	_ =	shalt  }
0x84: {  	_ =	shalt  }
0x85: {  	_ =	shalt  }
0x86: {  	_ =	shalt  }
0x87: {  	_ =	shalt  }
.Lfunc_end0:
.L_simem_size_0:
called_computation.3_lowered:
.L_overlay_start_0:
0x88: {  	s2 =	sld [smem:$0x3FD9]  }
0x89: {  	s3 =	sld [smem:$0x3FFE];
	_ =	sdelay $0x1  }
0x8a: {  	s1 =	srdreg.scid  }
0x8b: {  	s0 =	sand.u32 $0x1, s1  }
0x8c: {  	s16 =	sshll.u32 s0, $0xA;
	s2 =	sadd.s32 s3, s2  }
0x8d: {  	s2 =	sadd.s32 s2, s16  }
0x8e: {  	[smem:$0x3FB2] =	sst s2  }
0x8f: {  	_ = 	snop  }
0x90: {  	(tm) =	ssettm $0x1  }
0x91: {  	s17 =	sld [smem:$0x3FFB];
	_ =	sdelay $0x3  }
0x92: {  	_ =	strace s17  }
0x93: {  	s2 =	sld [smem:$0x3FFC];
	_ =	sdelay $0x3  }
0x94: {  	_ =	strace s2  }
0x95: {  	s2 =	sld [smem:$0x3FFD];
	_ =	sdelay $0x3  }
0x96: {  	_ =	strace s2  }
0x97: {  	_ =	strace $0x8FFFFFFF  }
0x98: {  	s18 =	sld [smem:$0x3FDB];
	_ =	sdelay $0x1  }
0x99: {  	s19 =	simm.s32 $_scs_section_size  }
0x9a: {  	s4 =	simm.s32 $_size__tile_overlayer_lowered;
	s5 =	simm.s32 $_tile_overlayer_lowered  }
0x9b: {  	s22 =	simm.s32 $0x1BFF;
	s21 =	sshll.u32 s5, $0x1;
	s2 =	sadd.s32 s19, s18  }
0x9c: {  	s6 =	simm.s32 $0x0;
	s20 =	sshll.u32 s4, $0x1;
	s4 =	sadd.s32 s21, s2  }
0x9d: {  	[timem:s6], [sflag:s22] =	dma.local [hbm:s4], s20  }
0x9e: {  	_ =	swait.ge [sflag:s22], s20  }
0x9f: {  	s3 =	ssub.s32 $0x0, s20;
	[sflag:s22] =	ssyncset.done $0x0  }
0xa0: {  	[sflag:s22] =	ssyncadd.s32 s3;
	_ =	sdelay $0x1  }
0xa1: {  	s23 =	simm.s32 $0x1B8B  }
0xa2: {  	_ =	swait.ge [sflag:s23], $0x1  }
0xa3: {  	[sflag:s23] =	ssyncset.done $0x0  }
0xa4: {  	s25 =	simm.s32 $0x1B8E;
	s24 =	sld [smem:$0x3FFE];
	[sflag:s23] =	ssyncadd.s32 $0xFFFFFFFF  }
0xa5: {  	s26 =	simm.s32 $execute0_lowered;
	[smem:$0x3FD2] =	sst s25  }
0xa6: {  	s4 =	sshll.u32 s26, $0x1;
	_ =	strace $0x8000004F;
	[dreg:$0x1] =	wrdreg $0xFFFFFFFF  }
0xa7: {  	s28 =	simm.s32 $_size_execute0_lowered;
	s2 =	sadd.s32 s2, s4;
	[dreg:$0x0] =	wrdreg $0x0  }
0xa8: {  	s4 =	sshll.u32 s28, $0x1;
	[dreg:$0x2] =	wrdreg s2  }
0xa9: {  	[dreg:$0x3] =	wrdreg s4  }
0xaa: {  	[dreg:$0x4] =	wrdreg $0xC0  }
0xab: {  	_ =	task [dreg:s6], $0x5FFFF  }
0xac: {  	[dreg:$0x1] =	wrdreg $0xFFFFFFFF  }
0xad: {  	[dreg:$0x0] =	wrdreg $0x60  }
0xae: {  	[dreg:$0x2] =	wrdreg s24  }
0xaf: {  	[dreg:$0x3] =	wrdreg $0x8B000  }
0xb0: {  	[dreg:$0x4] =	wrdreg $0x9  }
0xb1: {  	_ =	task.clear_ibuf [dreg:s6], $0x5FFFF;
	_ =	strace $0x9000004F  }
0xb2: {  	s29 =	simm.s32 $0x9;
	_ =	strace $0x80000051  }
0xb3: {  	_ =	swait.ge [sflag:s29], $0x1  }
0xb4: {  	[sflag:s29] =	ssyncadd.s32 $0xFFFFFFFF  }
0xb5: {  	_ =	strace $0x90000051  }
0xb6: {  	_ =	sfence  }
0xb7: {  	s30 =	sld [smem:$0x0];
	_ =	sdelay $0x2  }
0xb8: {  	s31 =	sshll.u32 s1, $0xD;
	s1 =	sshrl.u32 s1, $0x2  }
0xb9: {  	s3 =	sand.u32 $0x4000, s31;
	s1 =	sadd.s32 s1, s30  }
0xba: {  	s0 =	sor.u32 s3, s0;
	s1 =	sshll.u32 s1, $0x11  }
0xbb: {  	s0 =	sor.u32 s1, s0  }
0xbc: {  	s0 =	sadd.s32 $0x8F2B, s0  }
0xbd: {  	[sflag:s0] =	ssyncadd.remote.s32 $0x1  }
0xbe: {  	_ =	sfence.sel $0xFFFF  }
0xbf: {  	[dreg:$0x0] =	wrdreg $0xFFFFFFFF;
	(pc) =	sbr.abs _section_cstart, $3  }
0xc0: {  	[dreg:$0x1] =	wrdreg $0xFFFFFFFF  }
0xc1: {  	_ =	task.clear_ibuf [dreg:s6], $0x2FFFF;
	_ =	strace $0x9FFFFFFF  }
0xc2: {  	(tm) =	ssettm $0x7FFFFFFF  }
0xc3: {  	_ =	shalt  }
tec
execute0_lowered:
.L_overlay_start_1:
0x0: {  	(tag) =	ssettag $0x1  }
0x1: {  	s0 =	rddreg [dreg:$0x0];
	s1 =	srdreg.scid  }
0x2: {  	s2 =	rddreg [dreg:$0x1];
	s3 =	simm.s32 $0x0;
	s9 =	sand.u32 $0x1, s1  }
0x3: {  	s28 =	simm.s32 $0x1;
	s1 =	stileid.u32;
	s4 =	smul.u32 $0x140000, s9  }
0x4: {  	s29 =	simm.s32 $0x200;
	s30 =	simm.s32 $0x2;
	s5 =	smul.u32 $0x14000, s1  }
0x5: {  	s31 =	simm.s32 $0x4200;
	[smem:$0x7FF] =	sst s3;
	s12 =	smul.u32 $0x50000, s1  }
0x6: {  	s7 =	sadd.s32 $0x14A00, s0;
	_ =	strace $0x80000050;
	s14 =	smul.u32 $0x2800, s1  }
0x7: {  	s15 =	ssub.s32 $0x2, s9;
	s11 =	sshll.u32 s9, $0x4;
	s18 =	smul.u32 $0x27100, s9  }
0x8: {  	p0 =	seq.s32 s9, $0x1;
	s9 =	sadd.s32 $0x138800, s2;
	s19 =	smul.u32 $0x2710, s1  }
0x9: {  	s13 =	sshrl.u32 s15, $0x1;
	s11 =	sor.u32 s1, s11;
	p2 =	seq.s32 @!p0 s1, $0xF  }
0xa: {  	s6 =	sadd.s32 s5, s4;
	s4 =	sadd.s32 $0x3E400, s0;
	s5 =	sadd.s32 $0xE00, s0  }
0xb: {  	s13 =	ssub.s32 s15, s13;
	s11 =	smul.u32 $0x2710, s11;
	s16 =	sshrl.u32 s12, $0x2  }
0xc: {  	s12 =	sadd.s32 $0x12C000, s2;
	p1 =	por !p2, p0;
	p2 =	por p2, p0  }
0xd: {  	s8 =	sshrl.u32 s6, $0x3;
	s6 =	sadd.s32 $0xAC00, s0;
	s17 =	sadd.s32 s4, s14  }
0xe: {  	s26 =	smax.u32 s13, $0x1;
	s13 =	simm.s32 $0x10;
	s14 =	simm.s32 $0x8300  }
0xf: {  	s10 =	sadd.s32 s8, s0;
	s8 =	sadd.s32 s16, s2;
	[dreg:$0x3] =	wrdreg s17  }
0x10: {  	s0 =	sadd.s32 $0x63C00, s0;
	s11 =	sshrl.u32 s11, $0x3;
	[dreg:$0xc] =	wrdreg s26  }
0x11: {  	s26 =	simm.s32 $0x180;
	[dreg:$0x4] =	wrdreg s0;
	s15 =	sadd.s32 s5, s11  }
0x12: {  	s20 =	sadd.s32 s6, s11;
	s21 =	sadd.s32 $0x10, s11;
	[dreg:$0x5] =	wrdreg s15  }
0x13: {  	s11 =	sadd.s32 $0x4E0, s11;
	s10 =	sadd.s32 $0xB1000, s10;
	[dreg:$0x6] =	wrdreg s20  }
0x14: {  	s0 =	sadd.s32 s19, s18;
	s16 =	sadd.s32 s5, s21;
	[dreg:$0xb] =	wrdreg s10  }
0x15: {  	s22 =	sadd.s32 s6, s21;
	s23 =	sadd.s32 s5, s11;
	[dreg:$0x7] =	wrdreg s16  }
0x16: {  	s24 =	sadd.s32 $0x180, s0;
	s11 =	sadd.s32 s6, s11;
	[dreg:$0x8] =	wrdreg s22  }
0x17: {  	s21 =	sadd.s32 $0x100, s0;
	s0 =	sshrl.u32 @!p1 s12, $0x3;
	[dreg:$0x9] =	wrdreg s23  }
0x18: {  	s10 =	simm.s32 $0x4;
	s12 =	simm.s32 $0x8280;
	[dreg:$0xa] =	wrdreg s11  }
0x19: {  	s15 =	simm.s32 $0x0;
	s25 =	sshrl.u32 s24, $0x3;
	[dreg:$0xd] =	wrdreg s0  }
0x1a: {  	s0 =	sshrl.u32 @!p1 s9, $0x3;
	s24 =	simm.s32 $0x80;
	s9 =	simm.s32 $0x5  }
0x1b: {  	s11 =	simm.s32 $0x8200;
	s19 =	sadd.s32 s25, s6;
	s20 =	sadd.s32 s25, s5  }
0x1c: {  	[dreg:$0xe] =	wrdreg s0;
	s25 =	simm.s32 $0x100;
	s0 =	simm.s32 $0x3  }
.LBB2_1:
0x1d: {  	s16 =	sshll.u32 @p0 s1, $0x6  }
0x1e: {  	s17 =	sshrl.u32 @p0 s8, $0x3;
	s16 =	sor.u32 @p0 $0x1C05, s16  }
0x1f: {  	[spmem:s17], [sflag:s16] =	dma.local @p0 [hbm:s7], $0x2800  }
0x20: {  	s16 =	simm.s32 @p0 $0x5  }
0x21: {  	_ =	swait.ge @p0 [sflag:s16], $0x2800  }
0x22: {  	[sflag:s16] =	ssyncset.done @p0 $0x0;
	s17 =	rddreg [dreg:$0x4]  }
0x23: {  	s18 =	rddreg [dreg:$0xd];
	[sflag:s16] =	ssyncadd.s32 @p0 $0xFFFFD800;
	s16 =	simm.s32 @!p1 $0x1FC5  }
0x24: {  	[spmem:s18], [sflag:s16] =	dma.local @!p1 [hbm:s17], $0x1900  }
0x25: {  	s17 =	simm.s32 @!p1 $0x5  }
0x26: {  	_ =	swait.ge @!p1 [sflag:s17], $0x1900  }
0x27: {  	[sflag:s17] =	ssyncset.done @!p1 $0x0  }
0x28: {  	s18 =	rddreg [dreg:$0xe];
	[sflag:s17] =	ssyncadd.s32 @!p1 $0xFFFFE700  }
0x29: {  	[spmem:s18], [sflag:s16] =	dma.local @!p1 [hbm:s7], $0xF00  }
0x2a: {  	s16 =	sshll.u32 @!p2 s1, $0x6;
	_ =	swait.ge @!p1 [sflag:s17], $0xF00  }
0x2b: {  	s16 =	sor.u32 @!p2 $0x1C05, s16;
	[sflag:s17] =	ssyncset.done @!p1 $0x0  }
0x2c: {  	s18 =	rddreg [dreg:$0x3];
	[sflag:s17] =	ssyncadd.s32 @!p1 $0xFFFFF100;
	s17 =	sshrl.u32 @!p2 s8, $0x3  }
0x2d: {  	[spmem:s17], [sflag:s16] =	dma.local @!p2 [hbm:s18], $0x2800  }
0x2e: {  	s16 =	simm.s32 @!p2 $0x5  }
0x2f: {  	_ =	swait.ge @!p2 [sflag:s16], $0x2800  }
0x30: {  	[sflag:s16] =	ssyncset.done @!p2 $0x0  }
0x31: {  	s18 =	rddreg [dreg:$0x5];
	[sflag:s16] =	ssyncadd.s32 @!p2 $0xFFFFD800  }
0x32: {  	[tilespmem:s3], [sflag:$0x1] =	stream.linear.gather [hbm4b:s18+s3], $0x80, $0x38;
	[tilespmem:$0x1CB00] =	vst v63  }
0x33: {  	s22 =	rddreg [dreg:$0x6]  }
0x34: {  	[tilespmem:s24], [sflag:$0x1] =	stream.linear.gather [hbm4b:s22+s3], $0x80, $0x38;
	[tilespmem:$0x1CB00] =	vst v63  }
0x35: {  	s23 =	rddreg [dreg:$0x7]  }
0x36: {  	[tilespmem:s25], [sflag:$0x2] =	stream.linear.gather [hbm4b:s23+s3], $0x80, $0x38;
	[tilespmem:$0x1CB00] =	vst v63  }
0x37: {  	s17 =	rddreg [dreg:$0x8]  }
0x38: {  	[tilespmem:s26], [sflag:$0x2] =	stream.linear.gather [hbm4b:s17+s3], $0x80, $0x38;
	[tilespmem:$0x1CB00] =	vst v63  }
0x39: {  	_ =	swait.ge [sflag:s28], $0x80  }
0x3a: {  	[sflag:s28] =	ssyncset.done $0x0  }
0x3b: {  	[sflag:s28] =	ssyncadd.s32 $0xFFFFFF80  }
0x3c: {  	_ =	swait.ge [sflag:s28], $0x80  }
0x3d: {  	[sflag:s28] =	ssyncset.done $0x0  }
0x3e: {  	[sflag:s28] =	ssyncadd.s32 $0xFFFFFF80  }
0x3f: {  	[tilespmem:s29], [sflag:$0x3] =	stream.indirect.gather [hbm4b:s4+s24], $0x80, s3, s24, $0xb8;
	[tilespmem:$0x1CB00] =	vst v63  }
0x40: {  	[bflag:$0x0] =	sbarrier.arrive $0xFFFF  }
0x41: {  	_ =	swait.ge [sflag:s30], $0x80  }
0x42: {  	[sflag:s30] =	ssyncset.done $0x0  }
0x43: {  	[sflag:s30] =	ssyncadd.s32 $0xFFFFFF80  }
0x44: {  	_ =	swait.ge [sflag:s30], $0x80  }
0x45: {  	[sflag:s30] =	ssyncset.done $0x0  }
0x46: {  	[sflag:s30] =	ssyncadd.s32 $0xFFFFFF80  }
0x47: {  	[tilespmem:s31], [sflag:$0x4] =	stream.indirect.gather [hbm4b:s4+s24], $0x80, s25, s24, $0xb8;
	[tilespmem:$0x1CB00] =	vst v63  }
0x48: {  	_ =	swait.ge [sflag:s0], $0x4000  }
0x49: {  	[sflag:s0] =	ssyncset.done $0x0  }
0x4a: {  	[sflag:s0] =	ssyncadd.s32 $0xFFFFC000  }
0x4b: {  	[spmem:s2] =	stream.indirect.scatter.add.f32 [tilespmem:s29], [sflag:$0x5], $0x80, s24, s24, $0xb8;
	[tilespmem:$0x1CB00] =	vst v63  }
0x4c: {  	_ =	swait.ge [sflag:s9], $0x4000  }
0x4d: {  	s18 =	sshrl.u32 s21, $0x3;
	[sflag:s9] =	ssyncset.done $0x0  }
0x4e: {  	s22 =	sadd.s32 s5, s18;
	[sflag:s9] =	ssyncadd.s32 $0xFFFFC000  }
0x4f: {  	[tilespmem:s3], [sflag:$0x1] =	stream.linear.gather [hbm4b:s22+s3], $0x80, $0x38;
	[tilespmem:$0x1CB00] =	vst v63  }
0x50: {  	s16 =	sadd.s32 s6, s18  }
0x51: {  	[tilespmem:s24], [sflag:$0x1] =	stream.linear.gather [hbm4b:s16+s3], $0x80, $0x38;
	[tilespmem:$0x1CB00] =	vst v63  }
0x52: {  	_ =	swait.ge [sflag:s28], $0x80  }
0x53: {  	[sflag:s28] =	ssyncset.done $0x0  }
0x54: {  	[sflag:s28] =	ssyncadd.s32 $0xFFFFFF80  }
0x55: {  	_ =	swait.ge [sflag:s28], $0x80  }
0x56: {  	[sflag:s28] =	ssyncset.done $0x0  }
0x57: {  	[sflag:s28] =	ssyncadd.s32 $0xFFFFFF80  }
0x58: {  	[tilespmem:s29], [sflag:$0x3] =	stream.indirect.gather [hbm4b:s4+s24], $0x80, s3, s24, $0xb8;
	[tilespmem:$0x1CB00] =	vst v63  }
0x59: {  	_ =	swait.ge [sflag:s10], $0x4000  }
0x5a: {  	[sflag:s10] =	ssyncset.done $0x0  }
0x5b: {  	[sflag:s10] =	ssyncadd.s32 $0xFFFFC000  }
0x5c: {  	[spmem:s2] =	stream.indirect.scatter.add.f32 [tilespmem:s31], [sflag:$0x5], $0x80, s26, s24, $0xb8;
	[tilespmem:$0x1CB00] =	vst v63  }
0x5d: {  	_ =	swait.ge [sflag:s9], $0x4000  }
0x5e: {  	s18 =	sadd.s32 $0x0, s19;
	s23 =	sadd.s32 $0x0, s20;
	[sflag:s9] =	ssyncset.done $0x0  }
0x5f: {  	s17 =	sadd.s32 $0x100, s21;
	s16 =	simm.s32 $0x20;
	[sflag:s9] =	ssyncadd.s32 $0xFFFFC000  }
0x60: {  	[tilespmem:s25], [sflag:$0x2] =	stream.linear.gather [hbm4b:s23+s3], $0x80, $0x38;
	[tilespmem:$0x1CB00] =	vst v63  }
.LBB2_2:
0x61: {  	[tilespmem:s26], [sflag:$0x2] =	stream.linear.gather [hbm4b:s18+s3], $0x80, $0x38;
	[tilespmem:$0x1CB00] =	vst v63  }
0x62: {  	s18 =	smov.u32 s16  }
0x63: {  	p3 =	sne.s32 s16, $0x4A0;
	s16 =	sadd.s32 $0x20, s16;
	_ =	swait.ge [sflag:s30], $0x80  }
0x64: {  	[sflag:s30] =	ssyncset.done $0x0  }
0x65: {  	[sflag:s30] =	ssyncadd.s32 $0xFFFFFF80  }
0x66: {  	_ =	swait.ge [sflag:s30], $0x80  }
0x67: {  	[sflag:s30] =	ssyncset.done $0x0  }
0x68: {  	[sflag:s30] =	ssyncadd.s32 $0xFFFFFF80  }
0x69: {  	[tilespmem:s31], [sflag:$0x4] =	stream.indirect.gather [hbm4b:s4+s24], $0x80, s25, s24, $0xb8;
	[tilespmem:$0x1CB00] =	vst v63  }
0x6a: {  	_ =	swait.ge [sflag:s0], $0x4000  }
0x6b: {  	[sflag:s0] =	ssyncset.done $0x0  }
0x6c: {  	[sflag:s0] =	ssyncadd.s32 $0xFFFFC000  }
0x6d: {  	[spmem:s2] =	stream.indirect.scatter.add.f32 [tilespmem:s29], [sflag:$0x5], $0x80, s24, s24, $0xb8;
	[tilespmem:$0x1CB00] =	vst v63  }
0x6e: {  	_ =	swait.ge [sflag:s9], $0x4000  }
0x6f: {  	s22 =	sshrl.u32 s17, $0x3;
	[sflag:s9] =	ssyncset.done $0x0  }
0x70: {  	s23 =	sadd.s32 s5, s22;
	[sflag:s9] =	ssyncadd.s32 $0xFFFFC000  }
0x71: {  	[tilespmem:s3], [sflag:$0x1] =	stream.linear.gather [hbm4b:s23+s3], $0x80, $0x38;
	[tilespmem:$0x1CB00] =	vst v63  }
0x72: {  	s22 =	sadd.s32 s6, s22  }
0x73: {  	[tilespmem:s24], [sflag:$0x1] =	stream.linear.gather [hbm4b:s22+s3], $0x80, $0x38;
	[tilespmem:$0x1CB00] =	vst v63  }
0x74: {  	_ =	swait.ge [sflag:s28], $0x80  }
0x75: {  	[sflag:s28] =	ssyncset.done $0x0  }
0x76: {  	[sflag:s28] =	ssyncadd.s32 $0xFFFFFF80  }
0x77: {  	_ =	swait.ge [sflag:s28], $0x80  }
0x78: {  	[sflag:s28] =	ssyncset.done $0x0  }
0x79: {  	[sflag:s28] =	ssyncadd.s32 $0xFFFFFF80  }
0x7a: {  	[tilespmem:s29], [sflag:$0x3] =	stream.indirect.gather [hbm4b:s4+s24], $0x80, s3, s24, $0xb8;
	[tilespmem:$0x1CB00] =	vst v63  }
0x7b: {  	_ =	swait.ge [sflag:s10], $0x4000  }
0x7c: {  	[sflag:s10] =	ssyncset.done $0x0  }
0x7d: {  	[sflag:s10] =	ssyncadd.s32 $0xFFFFC000  }
0x7e: {  	[spmem:s2] =	stream.indirect.scatter.add.f32 [tilespmem:s31], [sflag:$0x5], $0x80, s26, s24, $0xb8;
	[tilespmem:$0x1CB00] =	vst v63  }
.Ltmp0:
0x7f: {  	_ =	swait.ge [sflag:s9], $0x4000;
	(pc) =	sbr.rel @p3 .LBB2_2-.Ltmp0, $4  }
0x80: {  	[sflag:s9] =	ssyncset.done $0x0  }
0x81: {  	s22 =	sadd.s32 s18, s20;
	[sflag:s9] =	ssyncadd.s32 $0xFFFFC000  }
0x82: {  	[tilespmem:s25], [sflag:$0x2] =	stream.linear.gather [hbm4b:s22+s3], $0x80, $0x38;
	[tilespmem:$0x1CB00] =	vst v63  }
0x83: {  	s17 =	sadd.s32 $0x100, s17;
	s18 =	sadd.s32 s18, s19  }
0x84: {  	[tilespmem:s26], [sflag:$0x2] =	stream.linear.gather [hbm4b:s18+s3], $0x80, $0x38;
	[tilespmem:$0x1CB00] =	vst v63  }
0x85: {  	_ =	swait.ge [sflag:s30], $0x80  }
0x86: {  	[sflag:s30] =	ssyncset.done $0x0  }
0x87: {  	[sflag:s30] =	ssyncadd.s32 $0xFFFFFF80  }
0x88: {  	_ =	swait.ge [sflag:s30], $0x80  }
0x89: {  	[sflag:s30] =	ssyncset.done $0x0  }
0x8a: {  	[sflag:s30] =	ssyncadd.s32 $0xFFFFFF80  }
0x8b: {  	[tilespmem:s31], [sflag:$0x4] =	stream.indirect.gather [hbm4b:s4+s24], $0x80, s25, s24, $0xb8;
	[tilespmem:$0x1CB00] =	vst v63  }
0x8c: {  	_ =	swait.ge [sflag:s0], $0x4000  }
0x8d: {  	[sflag:s0] =	ssyncset.done $0x0  }
0x8e: {  	[sflag:s0] =	ssyncadd.s32 $0xFFFFC000  }
0x8f: {  	[spmem:s2] =	stream.indirect.scatter.add.f32 [tilespmem:s29], [sflag:$0x5], $0x80, s24, s24, $0xb8;
	[tilespmem:$0x1CB00] =	vst v63  }
0x90: {  	_ =	swait.ge [sflag:s9], $0x4000  }
0x91: {  	[sflag:s9] =	ssyncset.done $0x0  }
0x92: {  	[sflag:s9] =	ssyncadd.s32 $0xFFFFC000  }
0x93: {  	_ =	swait.ge [sflag:s10], $0x4000  }
0x94: {  	[sflag:s10] =	ssyncset.done $0x0  }
0x95: {  	[sflag:s10] =	ssyncadd.s32 $0xFFFFC000  }
0x96: {  	[spmem:s2] =	stream.indirect.scatter.add.f32 [tilespmem:s31], [sflag:$0x5], $0x80, s26, s24, $0xb8;
	[tilespmem:$0x1CB00] =	vst v63  }
0x97: {  	_ =	swait.ge [sflag:s9], $0x4000  }
0x98: {  	[sflag:s9] =	ssyncset.done $0x0  }
0x99: {  	s16 =	rddreg [dreg:$0x9];
	[sflag:s9] =	ssyncadd.s32 $0xFFFFC000  }
0x9a: {  	[tilespmem:s11], [sflag:$0x5] =	stream.linear.gather [hbm4b:s16+s3], $0x10, $0x38;
	[tilespmem:$0x1CB00] =	vst v63  }
0x9b: {  	_ =	swait.ge [sflag:s9], $0x10  }
0x9c: {  	[sflag:s9] =	ssyncset.done $0x0  }
0x9d: {  	s17 =	rddreg [dreg:$0xa];
	[sflag:s9] =	ssyncadd.s32 $0xFFFFFFF0  }
0x9e: {  	[tilespmem:s12], [sflag:$0x5] =	stream.linear.gather [hbm4b:s17+s3], $0x10, $0x38;
	[tilespmem:$0x1CB00] =	vst v63  }
0x9f: {  	_ =	swait.ge [sflag:s9], $0x10  }
0xa0: {  	[sflag:s9] =	ssyncset.done $0x0  }
0xa1: {  	[sflag:s9] =	ssyncadd.s32 $0xFFFFFFF0  }
0xa2: {  	[tilespmem:s14], [sflag:$0x3] =	stream.indirect.gather [hbm4b:s4+s13], $0x80, s11, s13, $0xb8;
	[tilespmem:$0x1CB00] =	vst v63  }
0xa3: {  	_ =	swait.ge [sflag:s0], $0x800  }
0xa4: {  	[sflag:s0] =	ssyncset.done $0x0  }
0xa5: {  	[sflag:s0] =	ssyncadd.s32 $0xFFFFF800  }
0xa6: {  	[spmem:s2] =	stream.indirect.scatter.add.f32 [tilespmem:s14], [sflag:$0x5], $0x80, s12, s13, $0xb8;
	[tilespmem:$0x1CB00] =	vst v63  }
0xa7: {  	_ =	swait.ge [sflag:s9], $0x800  }
0xa8: {  	[sflag:s9] =	ssyncset.done $0x0  }
0xa9: {  	[sflag:s9] =	ssyncadd.s32 $0xFFFFF800  }
0xaa: {  	s18 =	sshll.u32 s1, $0x6;
	[bflag:$0x0] =	sbarrier.arrive $0xFFFF  }
0xab: {  	s16 =	sor.u32 $0x1C05, s18;
	s17 =	sshrl.u32 s8, $0x3;
	s22 =	rddreg [dreg:$0xb]  }
0xac: {  	[hbm:s22], [sflag:s16] =	dma.local [spmem:s17], $0x2800  }
0xad: {  	_ =	swait.ge [sflag:s9], $0x2800  }
0xae: {  	s15 =	sadd.s32 $0x1, s15;
	s23 =	rddreg [dreg:$0xc]  }
0xaf: {  	p3 =	sne.s32 s15, s23  }
.Ltmp1:
0xb0: {  	_ = 	snop;
	(pc) =	sbr.rel @p3 .LBB2_1-.Ltmp1, $3  }
0xb1: {  	_ =	sdelay $0x1  }
0xb2: {  	[sflag:s9] =	ssyncset.done $0x0  }
0xb3: {  	[sflag:s9] =	ssyncadd.s32 $0xFFFFD800  }
0xb4: {  	_ =	sfence.sel $0x180000  }
0xb5: {  	[bflag:$0x0] =	sbarrier.arrive $0xFFFF  }
0xb6: {  	_ =	strace $0x90000050  }
0xb7: {  	[bflag:$0x2] =	sbarrier.arrive $0xFFFF  }
0xb8: {  	p0 =	sne.s32 s1, $0x0;
	s0 =	rddreg [dreg:$0x2]  }
0xb9: {  	s0 =	sadd.s32 @!p0 $0x100000, s0  }
0xba: {  	[sflag:s0] =	ssyncadd.tile.s32 @!p0 $0x1;
	_ =	shalt  }
.Lfunc_end2:
_tile_overlayer_lowered:
.L_overlay_start_2:
0xbb: {  	(tag) =	ssettag $0x2  }
0xbc: {  	s0 =	rddreg [dreg:$0x0];
	s2 =	stileid.u32  }
0xbd: {  	s1 =	rddreg [dreg:$0x1];
	p0 =	sne.s32 s2, $0x0  }
0xbe: {  	s3 =	rddreg [dreg:$0x2];
	[bflag:$0x3] =	sbarrier.arrive $0xFFFF;
	s2 =	simm.s32 @!p0 $0x1C05  }
0xbf: {  	[timem:s3], [sflag:s2] =	dma.local @!p0 [hbm:s0], s1  }
0xc0: {  	s0 =	simm.s32 @!p0 $0x5  }
0xc1: {  	_ =	swait.ge @!p0 [sflag:s0], s1  }
0xc2: {  	s1 =	ssub.s32 @!p0 $0x0, s1;
	[sflag:s0] =	ssyncset.done @!p0 $0x0  }
0xc3: {  	[sflag:s0] =	ssyncadd.s32 @!p0 s1  }
0xc4: {  	[bflag:$0x3] =	sbarrier.arrive $0xFFFF  }
0xc5: {  	_ =	shalt  }

</sc_bundles>
